<compile_context>
chip_gen: v7x
topology: tpu7x:2x2x1
jax: 0.10.2.dev20260603
libtpu: 0.0.44.dev20260713+nightly
codegen_flags: <defaults>
</compile_context>

<pallas_src>
import functools

import jax
import jax.numpy as jnp
from jax import lax
from jax.experimental import pallas as pl
from jax.experimental.pallas import tpu as pltpu
from jax.experimental.pallas import tpu_sc as plsc

_N = 100000
_E = 1600000

_CH = 80
_NCHUNK = _E // _CH
_TILES = 32
_CPT = _NCHUNK // _TILES
_RPT = _N // 16
_K = 5
_NB = _CPT // _K


def _make_agg(d):
  mesh = plsc.VectorSubcoreMesh(core_axis_name="c", subcore_axis_name="s")

  @functools.partial(
      pl.kernel,
      out_type=jax.ShapeDtypeStruct((2, _N, d), jnp.float32),
      mesh=mesh,
      scratch_types=[
          pltpu.VMEM_SHARED((_N, d), jnp.float32),
          pltpu.VMEM((2, _K, _CH), jnp.int32),
          pltpu.VMEM((3, _K, _CH), jnp.int32),
          pltpu.VMEM((_K, _CH, d), jnp.float32),
          pltpu.SemaphoreType.DMA,
      ] + [pltpu.SemaphoreType.DMA] * (2 * _K),
      compiler_params=pltpu.CompilerParams(use_tc_tiling_on_sc=False),
  )
  def agg(h_hbm, g_hbm, zero_hbm, out_hbm, acc, sstage, dstage, rows,
          isem, *sems):
    gsem = sems[:_K]
    ssem = sems[_K:]
    c = lax.axis_index("c")
    s = lax.axis_index("s")
    w = c * 16 + s
    base = w * _CPT

    pltpu.sync_copy(zero_hbm.at[pl.ds(s * _RPT, _RPT)],
                    acc.at[pl.ds(s * _RPT, _RPT)])
    plsc.subcore_barrier()

    def idx_copies(bn):
      jb = base + bn * _K
      return (
          pltpu.make_async_copy(g_hbm.at[0, pl.ds(jb, _K)],
                                sstage.at[lax.rem(bn, 2)], isem),
          pltpu.make_async_copy(g_hbm.at[1, pl.ds(jb, _K)],
                                dstage.at[lax.rem(bn, 3)], isem),
      )

    def prefetch(bn):
      for cp in idx_copies(bn):
        cp.start()

    def wait_prefetch(bn):
      for cp in idx_copies(bn):
        cp.wait()

    prefetch(0)

    def batch(b, carry):
      bi2 = lax.rem(b, 2)
      bi3 = lax.rem(b, 3)
      bp3 = lax.rem(b + 2, 3)
      wait_prefetch(b)

      @pl.when(b + 1 < _NB)
      def _():
        prefetch(b + 1)

      for j in range(_K):
        @pl.when(b > 0)
        def _():
          pltpu.make_async_copy(rows.at[j], acc.at[dstage.at[bp3, j]],
                                ssem[j]).wait()
        pltpu.async_copy(h_hbm.at[sstage.at[bi2, j]], rows.at[j], gsem[j])
      for j in range(_K):
        pltpu.make_async_copy(h_hbm.at[sstage.at[bi2, j]], rows.at[j],
                              gsem[j]).wait()
        pltpu.async_copy(rows.at[j], acc.at[dstage.at[bi3, j]], ssem[j],
                         add=True)
      return carry

    lax.fori_loop(0, _NB, batch, 0)
    for j in range(_K):
      pltpu.make_async_copy(rows.at[j], acc.at[dstage.at[(_NB - 1) % 3, j]],
                            ssem[j]).wait()
    plsc.subcore_barrier()
    pltpu.sync_copy(acc.at[pl.ds(s * _RPT, _RPT)],
                    out_hbm.at[c].at[pl.ds(s * _RPT, _RPT)])

  return agg


_agg16 = _make_agg(16)
_agg8 = _make_agg(8)

_BLK = 2000


def _tc_pre(feat, wa, wb, w_root, b):
  def body(x_ref, wa_ref, wb_ref, wroot_ref, b_ref, ha_ref, hb_ref, r_ref):
    x = x_ref[...]
    ha_ref[...] = jnp.dot(x, wa_ref[...], preferred_element_type=jnp.float32)
    hb_ref[...] = jnp.dot(x, wb_ref[...], preferred_element_type=jnp.float32)
    r_ref[...] = (jnp.dot(x, wroot_ref[...], preferred_element_type=jnp.float32)
                  + b_ref[...])

  return pl.pallas_call(
      body,
      grid=(_N // _BLK,),
      in_specs=[
          pl.BlockSpec((_BLK, 30), lambda i: (i, 0)),
          pl.BlockSpec((30, 16), lambda i: (0, 0)),
          pl.BlockSpec((30, 8), lambda i: (0, 0)),
          pl.BlockSpec((30, 20), lambda i: (0, 0)),
          pl.BlockSpec((1, 20), lambda i: (0, 0)),
      ],
      out_specs=[
          pl.BlockSpec((_BLK, 16), lambda i: (i, 0)),
          pl.BlockSpec((_BLK, 8), lambda i: (i, 0)),
          pl.BlockSpec((_BLK, 20), lambda i: (i, 0)),
      ],
      out_shape=[
          jax.ShapeDtypeStruct((_N, 16), jnp.float32),
          jax.ShapeDtypeStruct((_N, 8), jnp.float32),
          jax.ShapeDtypeStruct((_N, 20), jnp.float32),
      ],
  )(feat, wa, wb, w_root, b.reshape(1, 20))


def _tc_mid(r1, pa, pb, w_rel, w_root, b):
  def body(r_ref, pa_ref, pb_ref, wrel_ref, wroot_ref, b_ref, h_ref, r2_ref):
    agg_a = pa_ref[0] + pa_ref[1]
    agg_b = (pb_ref[0] + pb_ref[1])[:, :4]
    x = r_ref[...] + jnp.concatenate([agg_a, agg_b], axis=1)
    x = jnp.where(x > 0, x, 0.01 * x)
    x = x.reshape(_BLK, 10, 2).max(axis=2)
    h_ref[...] = jnp.dot(x, wrel_ref[...], preferred_element_type=jnp.float32)
    r2_ref[...] = (jnp.dot(x, wroot_ref[...], preferred_element_type=jnp.float32)
                   + b_ref[...])

  return pl.pallas_call(
      body,
      grid=(_N // _BLK,),
      in_specs=[
          pl.BlockSpec((_BLK, 20), lambda i: (i, 0)),
          pl.BlockSpec((2, _BLK, 16), lambda i: (0, i, 0)),
          pl.BlockSpec((2, _BLK, 8), lambda i: (0, i, 0)),
          pl.BlockSpec((10, 8), lambda i: (0, 0)),
          pl.BlockSpec((10, 5), lambda i: (0, 0)),
          pl.BlockSpec((1, 5), lambda i: (0, 0)),
      ],
      out_specs=[
          pl.BlockSpec((_BLK, 8), lambda i: (i, 0)),
          pl.BlockSpec((_BLK, 5), lambda i: (i, 0)),
      ],
      out_shape=[
          jax.ShapeDtypeStruct((_N, 8), jnp.float32),
          jax.ShapeDtypeStruct((_N, 5), jnp.float32),
      ],
  )(r1, pa, pb, w_rel, w_root, b.reshape(1, 5))


def _tc_post(r2, parts, wl, bl):
  def body(r_ref, p_ref, wl_ref, bl_ref, o_ref):
    x = r_ref[...] + p_ref[0, :, :5] + p_ref[1, :, :5]
    x = jnp.where(x > 0, x, 0.01 * x)
    o_ref[...] = (jnp.dot(x, wl_ref[...], preferred_element_type=jnp.float32)
                  + bl_ref[...])

  return pl.pallas_call(
      body,
      grid=(_N // _BLK,),
      in_specs=[
          pl.BlockSpec((_BLK, 5), lambda i: (i, 0)),
          pl.BlockSpec((2, _BLK, 8), lambda i: (0, i, 0)),
          pl.BlockSpec((5, 2), lambda i: (0, 0)),
          pl.BlockSpec((1, 2), lambda i: (0, 0)),
      ],
      out_specs=pl.BlockSpec((_BLK, 2), lambda i: (i, 0)),
      out_shape=jax.ShapeDtypeStruct((_N, 2), jnp.float32),
  )(r2, parts, wl, bl.reshape(1, 2))


@jax.jit
def kernel(g, edge_index, W1_root, W1_rel, b1, W2_root, W2_rel, b2, Wl, bl):
  feat = edge_index
  gc = g.reshape(2, _NCHUNK, _CH)
  zeros16 = jnp.zeros((_N, 16), jnp.float32)
  zeros8 = jnp.zeros((_N, 8), jnp.float32)

  w1a = W1_rel[:, :16]
  w1b = jnp.pad(W1_rel[:, 16:], ((0, 0), (0, 4)))
  h1a, h1b, r1 = _tc_pre(feat, w1a, w1b, W1_root, b1)
  p1a = _agg16(h1a, gc, zeros16)
  p1b = _agg8(h1b, gc, zeros8)

  w2rel8 = jnp.pad(W2_rel, ((0, 0), (0, 3)))
  h2, r2 = _tc_mid(r1, p1a, p1b, w2rel8, W2_root, b2)
  p2 = _agg8(h2, gc, zeros8)

  return _tc_post(r2, p2, Wl, bl)

# --- scband reference (transcript-rebuilt; emitter-appended) ---
"""Pipeline reference for scband-graph-conv-net-10350871183411 (READ-ONLY COPY).

The authoritative reference and input builder live on the scoring server;
editing this copy changes nothing except your own understanding.
"""

import jax, jax.numpy as jnp
import numpy as np

N = 100000
E = 1600000


def _init_w(key, fan_in, fan_out):
    bound = 1.0 / np.sqrt(fan_in)
    return jax.random.uniform(key, (fan_in, fan_out), dtype=jnp.float32, minval=-bound, maxval=bound)


def setup_inputs(seed: int = 0) -> dict:
    key = jax.random.key(seed)
    ks = jax.random.split(key, 12)
    g = jax.random.randint(ks[0], (2, E), 0, N)
    feat = jax.random.normal(ks[1], (N, 30), dtype=jnp.float32)
    W1_root = _init_w(ks[2], 30, 20)
    W1_rel = _init_w(ks[3], 30, 20)
    b1 = jnp.zeros((20,), dtype=jnp.float32)
    W2_root = _init_w(ks[4], 10, 5)
    W2_rel = _init_w(ks[5], 10, 5)
    b2 = jnp.zeros((5,), dtype=jnp.float32)
    Wl = _init_w(ks[6], 5, 2)
    bl = jax.random.uniform(ks[7], (2,), dtype=jnp.float32, minval=-1.0 / np.sqrt(5), maxval=1.0 / np.sqrt(5))
    return {"g": g, "edge_index": feat, "W1_root": W1_root, "W1_rel": W1_rel, "b1": b1,
            "W2_root": W2_root, "W2_rel": W2_rel, "b2": b2, "Wl": Wl, "bl": bl}


def _graph_conv(x, src, dst, W_root, W_rel, b):
    # PyG-style GraphConv: out_i = W_root x_i + W_rel * sum_{j->i} x_j + b
    agg = jnp.zeros((x.shape[0], x.shape[1]), dtype=x.dtype).at[dst].add(x[src])
    return x @ W_root + agg @ W_rel + b


def reference(g, edge_index, W1_root, W1_rel, b1, W2_root, W2_rel, b2, Wl, bl):
    # NB: in the original (buggy-ish) torch code, `g` is the graph connectivity and
    # `edge_index` is actually the node feature matrix fed to graph1 (DGL-style call order).
    src, dst = g[0], g[1]
    x = _graph_conv(edge_index, src, dst, W1_root, W1_rel, b1)  # [N, 20]
    x = jax.nn.leaky_relu(x, negative_slope=0.01)
    # nn.MaxPool1d(2) on [N, 20] -> pool over last dim -> [N, 10]
    x = x.reshape(x.shape[0], 10, 2).max(axis=-1)
    x = _graph_conv(x, src, dst, W2_root, W2_rel, b2)  # [N, 5]
    x = jax.nn.leaky_relu(x, negative_slope=0.01)
    return x @ Wl + bl  # [N, 2]

if __name__ == "__main__":
    import jax
    _d = setup_inputs()
    print(jax.jit(kernel)(*tuple(_d.values())))

</pallas_src>

<mosaic_0001>
#map = affine_map<(d0, d1) -> (0, 0)>
#map1 = affine_map<(d0, d1) -> (0, 0, 0)>
module attributes {stable_mosaic.version = 14 : i64} {
  func.func @agg(%arg0: i32, %arg1: i32, %arg2: memref<100000x16xf32, #tpu.memory_space<hbm>>, %arg3: memref<2x20000x80xi32, #tpu.memory_space<hbm>>, %arg4: memref<100000x16xf32, #tpu.memory_space<hbm>>, %arg5: memref<2x100000x16xf32, #tpu.memory_space<hbm>>, %arg6: memref<100000x16xf32, #tpu.memory_space<vmem_shared>>, %arg7: memref<2x5x80xi32, #tpu.memory_space<vmem>>, %arg8: memref<3x5x80xi32, #tpu.memory_space<vmem>>, %arg9: memref<5x80x16xf32, #tpu.memory_space<vmem>>, %arg10: memref<!tpu.dma_semaphore, #tpu.memory_space<semaphore_mem>>, %arg11: memref<!tpu.dma_semaphore, #tpu.memory_space<semaphore_mem>>, %arg12: memref<!tpu.dma_semaphore, #tpu.memory_space<semaphore_mem>>, %arg13: memref<!tpu.dma_semaphore, #tpu.memory_space<semaphore_mem>>, %arg14: memref<!tpu.dma_semaphore, #tpu.memory_space<semaphore_mem>>, %arg15: memref<!tpu.dma_semaphore, #tpu.memory_space<semaphore_mem>>, %arg16: memref<!tpu.dma_semaphore, #tpu.memory_space<semaphore_mem>>, %arg17: memref<!tpu.dma_semaphore, #tpu.memory_space<semaphore_mem>>, %arg18: memref<!tpu.dma_semaphore, #tpu.memory_space<semaphore_mem>>, %arg19: memref<!tpu.dma_semaphore, #tpu.memory_space<semaphore_mem>>, %arg20: memref<!tpu.dma_semaphore, #tpu.memory_space<semaphore_mem>>) attributes {dimension_semantics = [#tpu.dimension_semantics<core_parallel>, #tpu.dimension_semantics<subcore_parallel>], iteration_bounds = array<i64: 2, 16>, scalar_prefetch = 0 : i64, scratch_operands = 15 : i64, tpu.core_type = #tpu.core_type<sc_vector_subcore>, window_params = [{transform_indices = #map}, {transform_indices = #map1}, {transform_indices = #map}, {transform_indices = #map1}]} {
    %mul3A = arith.constant 16 : i32
    %mul3A_0 = arith.muli %arg0, %mul3A : i32
    %add3A = arith.addi %mul3A_0, %arg1 : i32
    %mul3A_1 = arith.constant 625 : i32
    %mul3A_2 = arith.muli %add3A, %mul3A_1 : i32
    %mul3A_3 = arith.constant 6250 : i32
    %mul3A_4 = arith.muli %arg1, %mul3A_3 : i32
    %mul3A_5 = arith.constant 6250 : i32
    %mul3A_6 = arith.muli %arg1, %mul3A_5 : i32
    "tpu.region"() ({
      %run_scoped3A = tpu.sem_alloc : memref<!tpu.dma_semaphore, #tpu.memory_space<semaphore_mem>>
      %dma_start3A_117 = arith.constant 0 : i32
      %dma_start3A_118 = tpu.memref_slice %arg6[%mul3A_6, %dma_start3A_117] : memref<100000x16xf32, #tpu.memory_space<vmem_shared>> -> memref<6250x16xf32, #tpu.memory_space<vmem_shared>>
      %dma_start3A_119 = arith.constant 0 : i32
      %dma_start3A_120 = tpu.memref_slice %arg4[%mul3A_4, %dma_start3A_119] : memref<100000x16xf32, #tpu.memory_space<hbm>> -> memref<6250x16xf32, #tpu.memory_space<hbm>>
      tpu.enqueue_dma source(%dma_start3A_120 : memref<6250x16xf32, #tpu.memory_space<hbm>>) target(%dma_start3A_118 : memref<6250x16xf32, #tpu.memory_space<vmem_shared>>) target_semaphore(%run_scoped3A : memref<!tpu.dma_semaphore, #tpu.memory_space<semaphore_mem>>)
      %dma_wait3A_121 = arith.constant 0 : i32
      %dma_wait3A_122 = tpu.memref_slice %arg6[%mul3A_6, %dma_wait3A_121] : memref<100000x16xf32, #tpu.memory_space<vmem_shared>> -> memref<6250x16xf32, #tpu.memory_space<vmem_shared>>
      %dma_wait3A_123 = arith.constant 0 : i32
      %dma_wait3A_124 = tpu.memref_slice %arg4[%mul3A_4, %dma_wait3A_123] : memref<100000x16xf32, #tpu.memory_space<hbm>> -> memref<6250x16xf32, #tpu.memory_space<hbm>>
      tpu.wait_dma2 semaphore(%run_scoped3A : memref<!tpu.dma_semaphore, #tpu.memory_space<semaphore_mem>>) src(%dma_wait3A_124 : memref<6250x16xf32, #tpu.memory_space<hbm>>) dst(%dma_wait3A_122 : memref<6250x16xf32, #tpu.memory_space<vmem_shared>>)
      tpu.yield
    }) : () -> ()
    %barrier3A = arith.constant 0 : index
    tpu.barrier barrier_id(%barrier3A)
    %add3A_7 = arith.constant 0 : i32
    %add3A_8 = arith.addi %mul3A_2, %add3A_7 : i32
    %rem3A = arith.constant 0 : i32
    %rem3A_9 = arith.constant 2 : i32
    %rem3A_10 = arith.remsi %rem3A, %rem3A_9 : i32
    %rem3A_11 = arith.constant 0 : i32
    %rem3A_12 = arith.constant 3 : i32
    %rem3A_13 = arith.remsi %rem3A_11, %rem3A_12 : i32
    %dma_start3A = arith.constant 0 : i32
    %dma_start3A_14 = arith.constant 0 : i32
    %dma_start3A_15 = arith.constant 0 : i32
    %dma_start3A_16 = tpu.memref_slice %arg7[%rem3A_10, %dma_start3A_14, %dma_start3A_15] : memref<2x5x80xi32, #tpu.memory_space<vmem>> -> memref<1x5x80xi32, #tpu.memory_space<vmem>>
    %dma_start3A_17 = tpu.memref_squeeze %dma_start3A_16 : memref<1x5x80xi32, #tpu.memory_space<vmem>> -> memref<5x80xi32, #tpu.memory_space<vmem>>
    %dma_start3A_18 = arith.constant 0 : i32
    %dma_start3A_19 = tpu.memref_slice %arg3[%dma_start3A, %add3A_8, %dma_start3A_18] : memref<2x20000x80xi32, #tpu.memory_space<hbm>> -> memref<1x5x80xi32, #tpu.memory_space<hbm>>
    %dma_start3A_20 = tpu.memref_squeeze %dma_start3A_19 : memref<1x5x80xi32, #tpu.memory_space<hbm>> -> memref<5x80xi32, #tpu.memory_space<hbm>>
    %dma_start3A_21 = arith.constant 0 : i32
    %dma_start3A_22 = arith.constant 0 : i32
    %dma_start3A_23 = tpu.memref_slice %arg7[%rem3A_10, %dma_start3A_21, %dma_start3A_22] : memref<2x5x80xi32, #tpu.memory_space<vmem>> -> memref<1x5x80xi32, #tpu.memory_space<vmem>>
    %dma_start3A_24 = tpu.memref_squeeze %dma_start3A_23 : memref<1x5x80xi32, #tpu.memory_space<vmem>> -> memref<5x80xi32, #tpu.memory_space<vmem>>
    %dma_start3A_25 = arith.constant 0 : i32
    %dma_start3A_26 = tpu.memref_slice %arg3[%dma_start3A, %add3A_8, %dma_start3A_25] : memref<2x20000x80xi32, #tpu.memory_space<hbm>> -> memref<1x5x80xi32, #tpu.memory_space<hbm>>
    %dma_start3A_27 = tpu.memref_squeeze %dma_start3A_26 : memref<1x5x80xi32, #tpu.memory_space<hbm>> -> memref<5x80xi32, #tpu.memory_space<hbm>>
    tpu.enqueue_dma source(%dma_start3A_27 : memref<5x80xi32, #tpu.memory_space<hbm>>) target(%dma_start3A_24 : memref<5x80xi32, #tpu.memory_space<vmem>>) target_semaphore(%arg10 : memref<!tpu.dma_semaphore, #tpu.memory_space<semaphore_mem>>)
    %dma_start3A_28 = arith.constant 1 : i32
    %dma_start3A_29 = arith.constant 0 : i32
    %dma_start3A_30 = arith.constant 0 : i32
    %dma_start3A_31 = tpu.memref_slice %arg8[%rem3A_13, %dma_start3A_29, %dma_start3A_30] : memref<3x5x80xi32, #tpu.memory_space<vmem>> -> memref<1x5x80xi32, #tpu.memory_space<vmem>>
    %dma_start3A_32 = tpu.memref_squeeze %dma_start3A_31 : memref<1x5x80xi32, #tpu.memory_space<vmem>> -> memref<5x80xi32, #tpu.memory_space<vmem>>
    %dma_start3A_33 = arith.constant 0 : i32
    %dma_start3A_34 = tpu.memref_slice %arg3[%dma_start3A_28, %add3A_8, %dma_start3A_33] : memref<2x20000x80xi32, #tpu.memory_space<hbm>> -> memref<1x5x80xi32, #tpu.memory_space<hbm>>
    %dma_start3A_35 = tpu.memref_squeeze %dma_start3A_34 : memref<1x5x80xi32, #tpu.memory_space<hbm>> -> memref<5x80xi32, #tpu.memory_space<hbm>>
    %dma_start3A_36 = arith.constant 0 : i32
    %dma_start3A_37 = arith.constant 0 : i32
    %dma_start3A_38 = tpu.memref_slice %arg8[%rem3A_13, %dma_start3A_36, %dma_start3A_37] : memref<3x5x80xi32, #tpu.memory_space<vmem>> -> memref<1x5x80xi32, #tpu.memory_space<vmem>>
    %dma_start3A_39 = tpu.memref_squeeze %dma_start3A_38 : memref<1x5x80xi32, #tpu.memory_space<vmem>> -> memref<5x80xi32, #tpu.memory_space<vmem>>
    %dma_start3A_40 = arith.constant 0 : i32
    %dma_start3A_41 = tpu.memref_slice %arg3[%dma_start3A_28, %add3A_8, %dma_start3A_40] : memref<2x20000x80xi32, #tpu.memory_space<hbm>> -> memref<1x5x80xi32, #tpu.memory_space<hbm>>
    %dma_start3A_42 = tpu.memref_squeeze %dma_start3A_41 : memref<1x5x80xi32, #tpu.memory_space<hbm>> -> memref<5x80xi32, #tpu.memory_space<hbm>>
    tpu.enqueue_dma source(%dma_start3A_42 : memref<5x80xi32, #tpu.memory_space<hbm>>) target(%dma_start3A_39 : memref<5x80xi32, #tpu.memory_space<vmem>>) target_semaphore(%arg10 : memref<!tpu.dma_semaphore, #tpu.memory_space<semaphore_mem>>)
    %scan3A = arith.constant 0 : i32
    %scan3A_43 = arith.constant 0 : i32
    %scan3A_44 = arith.constant 125 : i32
    %scan3A_45 = arith.addi %scan3A_43, %scan3A_44 : i32
    %scan3A_46 = arith.constant 1 : i32
    scf.for %scan3A_117 = %scan3A_43 to %scan3A_45 step %scan3A_46  : i32 {
      %rem3A_118 = arith.constant 2 : i32
      %rem3A_119 = arith.remsi %scan3A_117, %rem3A_118 : i32
      %rem3A_120 = arith.constant 3 : i32
      %rem3A_121 = arith.remsi %scan3A_117, %rem3A_120 : i32
      %add3A_122 = arith.constant 2 : i32
      %add3A_123 = arith.addi %scan3A_117, %add3A_122 : i32
      %rem3A_124 = arith.constant 3 : i32
      %rem3A_125 = arith.remsi %add3A_123, %rem3A_124 : i32
      %mul3A_126 = arith.constant 5 : i32
      %mul3A_127 = arith.muli %scan3A_117, %mul3A_126 : i32
      %add3A_128 = arith.addi %mul3A_2, %mul3A_127 : i32
      %rem3A_129 = arith.constant 2 : i32
      %rem3A_130 = arith.remsi %scan3A_117, %rem3A_129 : i32
      %rem3A_131 = arith.constant 3 : i32
      %rem3A_132 = arith.remsi %scan3A_117, %rem3A_131 : i32
      %dma_wait3A_133 = arith.constant 0 : i32
      %dma_wait3A_134 = arith.constant 0 : i32
      %dma_wait3A_135 = arith.constant 0 : i32
      %dma_wait3A_136 = tpu.memref_slice %arg7[%rem3A_130, %dma_wait3A_134, %dma_wait3A_135] : memref<2x5x80xi32, #tpu.memory_space<vmem>> -> memref<1x5x80xi32, #tpu.memory_space<vmem>>
      %dma_wait3A_137 = tpu.memref_squeeze %dma_wait3A_136 : memref<1x5x80xi32, #tpu.memory_space<vmem>> -> memref<5x80xi32, #tpu.memory_space<vmem>>
      %dma_wait3A_138 = arith.constant 0 : i32
      %dma_wait3A_139 = tpu.memref_slice %arg3[%dma_wait3A_133, %add3A_128, %dma_wait3A_138] : memref<2x20000x80xi32, #tpu.memory_space<hbm>> -> memref<1x5x80xi32, #tpu.memory_space<hbm>>
      %dma_wait3A_140 = tpu.memref_squeeze %dma_wait3A_139 : memref<1x5x80xi32, #tpu.memory_space<hbm>> -> memref<5x80xi32, #tpu.memory_space<hbm>>
      %dma_wait3A_141 = arith.constant 0 : i32
      %dma_wait3A_142 = arith.constant 0 : i32
      %dma_wait3A_143 = tpu.memref_slice %arg7[%rem3A_130, %dma_wait3A_141, %dma_wait3A_142] : memref<2x5x80xi32, #tpu.memory_space<vmem>> -> memref<1x5x80xi32, #tpu.memory_space<vmem>>
      %dma_wait3A_144 = tpu.memref_squeeze %dma_wait3A_143 : memref<1x5x80xi32, #tpu.memory_space<vmem>> -> memref<5x80xi32, #tpu.memory_space<vmem>>
      %dma_wait3A_145 = arith.constant 0 : i32
      %dma_wait3A_146 = tpu.memref_slice %arg3[%dma_wait3A_133, %add3A_128, %dma_wait3A_145] : memref<2x20000x80xi32, #tpu.memory_space<hbm>> -> memref<1x5x80xi32, #tpu.memory_space<hbm>>
      %dma_wait3A_147 = tpu.memref_squeeze %dma_wait3A_146 : memref<1x5x80xi32, #tpu.memory_space<hbm>> -> memref<5x80xi32, #tpu.memory_space<hbm>>
      tpu.wait_dma2 semaphore(%arg10 : memref<!tpu.dma_semaphore, #tpu.memory_space<semaphore_mem>>) src(%dma_wait3A_147 : memref<5x80xi32, #tpu.memory_space<hbm>>) dst(%dma_wait3A_144 : memref<5x80xi32, #tpu.memory_space<vmem>>)
      %dma_wait3A_148 = arith.constant 1 : i32
      %dma_wait3A_149 = arith.constant 0 : i32
      %dma_wait3A_150 = arith.constant 0 : i32
      %dma_wait3A_151 = tpu.memref_slice %arg8[%rem3A_132, %dma_wait3A_149, %dma_wait3A_150] : memref<3x5x80xi32, #tpu.memory_space<vmem>> -> memref<1x5x80xi32, #tpu.memory_space<vmem>>
      %dma_wait3A_152 = tpu.memref_squeeze %dma_wait3A_151 : memref<1x5x80xi32, #tpu.memory_space<vmem>> -> memref<5x80xi32, #tpu.memory_space<vmem>>
      %dma_wait3A_153 = arith.constant 0 : i32
      %dma_wait3A_154 = tpu.memref_slice %arg3[%dma_wait3A_148, %add3A_128, %dma_wait3A_153] : memref<2x20000x80xi32, #tpu.memory_space<hbm>> -> memref<1x5x80xi32, #tpu.memory_space<hbm>>
      %dma_wait3A_155 = tpu.memref_squeeze %dma_wait3A_154 : memref<1x5x80xi32, #tpu.memory_space<hbm>> -> memref<5x80xi32, #tpu.memory_space<hbm>>
      %dma_wait3A_156 = arith.constant 0 : i32
      %dma_wait3A_157 = arith.constant 0 : i32
      %dma_wait3A_158 = tpu.memref_slice %arg8[%rem3A_132, %dma_wait3A_156, %dma_wait3A_157] : memref<3x5x80xi32, #tpu.memory_space<vmem>> -> memref<1x5x80xi32, #tpu.memory_space<vmem>>
      %dma_wait3A_159 = tpu.memref_squeeze %dma_wait3A_158 : memref<1x5x80xi32, #tpu.memory_space<vmem>> -> memref<5x80xi32, #tpu.memory_space<vmem>>
      %dma_wait3A_160 = arith.constant 0 : i32
      %dma_wait3A_161 = tpu.memref_slice %arg3[%dma_wait3A_148, %add3A_128, %dma_wait3A_160] : memref<2x20000x80xi32, #tpu.memory_space<hbm>> -> memref<1x5x80xi32, #tpu.memory_space<hbm>>
      %dma_wait3A_162 = tpu.memref_squeeze %dma_wait3A_161 : memref<1x5x80xi32, #tpu.memory_space<hbm>> -> memref<5x80xi32, #tpu.memory_space<hbm>>
      tpu.wait_dma2 semaphore(%arg10 : memref<!tpu.dma_semaphore, #tpu.memory_space<semaphore_mem>>) src(%dma_wait3A_162 : memref<5x80xi32, #tpu.memory_space<hbm>>) dst(%dma_wait3A_159 : memref<5x80xi32, #tpu.memory_space<vmem>>)
      %add3A_163 = arith.constant 1 : i32
      %add3A_164 = arith.addi %scan3A_117, %add3A_163 : i32
      %lt3A = arith.constant 125 : i32
      %lt3A_165 = arith.cmpi slt, %add3A_164, %lt3A : i32
      %convert_element_type3A = arith.extui %lt3A_165 : i1 to i32
      %cond3A = arith.constant 0 : i32
      %cond3A_166 = arith.cmpi ne, %convert_element_type3A, %cond3A : i32
      scf.if %cond3A_166 {
        %add3A_371 = arith.constant 1 : i32
        %add3A_372 = arith.addi %scan3A_117, %add3A_371 : i32
        %mul3A_373 = arith.constant 5 : i32
        %mul3A_374 = arith.muli %add3A_372, %mul3A_373 : i32
        %add3A_375 = arith.addi %mul3A_2, %mul3A_374 : i32
        %rem3A_376 = arith.constant 2 : i32
        %rem3A_377 = arith.remsi %add3A_372, %rem3A_376 : i32
        %rem3A_378 = arith.constant 3 : i32
        %rem3A_379 = arith.remsi %add3A_372, %rem3A_378 : i32
        %dma_start3A_380 = arith.constant 0 : i32
        %dma_start3A_381 = arith.constant 0 : i32
        %dma_start3A_382 = arith.constant 0 : i32
        %dma_start3A_383 = tpu.memref_slice %arg7[%rem3A_377, %dma_start3A_381, %dma_start3A_382] : memref<2x5x80xi32, #tpu.memory_space<vmem>> -> memref<1x5x80xi32, #tpu.memory_space<vmem>>
        %dma_start3A_384 = tpu.memref_squeeze %dma_start3A_383 : memref<1x5x80xi32, #tpu.memory_space<vmem>> -> memref<5x80xi32, #tpu.memory_space<vmem>>
        %dma_start3A_385 = arith.constant 0 : i32
        %dma_start3A_386 = tpu.memref_slice %arg3[%dma_start3A_380, %add3A_375, %dma_start3A_385] : memref<2x20000x80xi32, #tpu.memory_space<hbm>> -> memref<1x5x80xi32, #tpu.memory_space<hbm>>
        %dma_start3A_387 = tpu.memref_squeeze %dma_start3A_386 : memref<1x5x80xi32, #tpu.memory_space<hbm>> -> memref<5x80xi32, #tpu.memory_space<hbm>>
        %dma_start3A_388 = arith.constant 0 : i32
        %dma_start3A_389 = arith.constant 0 : i32
        %dma_start3A_390 = tpu.memref_slice %arg7[%rem3A_377, %dma_start3A_388, %dma_start3A_389] : memref<2x5x80xi32, #tpu.memory_space<vmem>> -> memref<1x5x80xi32, #tpu.memory_space<vmem>>
        %dma_start3A_391 = tpu.memref_squeeze %dma_start3A_390 : memref<1x5x80xi32, #tpu.memory_space<vmem>> -> memref<5x80xi32, #tpu.memory_space<vmem>>
        %dma_start3A_392 = arith.constant 0 : i32
        %dma_start3A_393 = tpu.memref_slice %arg3[%dma_start3A_380, %add3A_375, %dma_start3A_392] : memref<2x20000x80xi32, #tpu.memory_space<hbm>> -> memref<1x5x80xi32, #tpu.memory_space<hbm>>
        %dma_start3A_394 = tpu.memref_squeeze %dma_start3A_393 : memref<1x5x80xi32, #tpu.memory_space<hbm>> -> memref<5x80xi32, #tpu.memory_space<hbm>>
        tpu.enqueue_dma source(%dma_start3A_394 : memref<5x80xi32, #tpu.memory_space<hbm>>) target(%dma_start3A_391 : memref<5x80xi32, #tpu.memory_space<vmem>>) target_semaphore(%arg10 : memref<!tpu.dma_semaphore, #tpu.memory_space<semaphore_mem>>)
        %dma_start3A_395 = arith.constant 1 : i32
        %dma_start3A_396 = arith.constant 0 : i32
        %dma_start3A_397 = arith.constant 0 : i32
        %dma_start3A_398 = tpu.memref_slice %arg8[%rem3A_379, %dma_start3A_396, %dma_start3A_397] : memref<3x5x80xi32, #tpu.memory_space<vmem>> -> memref<1x5x80xi32, #tpu.memory_space<vmem>>
        %dma_start3A_399 = tpu.memref_squeeze %dma_start3A_398 : memref<1x5x80xi32, #tpu.memory_space<vmem>> -> memref<5x80xi32, #tpu.memory_space<vmem>>
        %dma_start3A_400 = arith.constant 0 : i32
        %dma_start3A_401 = tpu.memref_slice %arg3[%dma_start3A_395, %add3A_375, %dma_start3A_400] : memref<2x20000x80xi32, #tpu.memory_space<hbm>> -> memref<1x5x80xi32, #tpu.memory_space<hbm>>
        %dma_start3A_402 = tpu.memref_squeeze %dma_start3A_401 : memref<1x5x80xi32, #tpu.memory_space<hbm>> -> memref<5x80xi32, #tpu.memory_space<hbm>>
        %dma_start3A_403 = arith.constant 0 : i32
        %dma_start3A_404 = arith.constant 0 : i32
        %dma_start3A_405 = tpu.memref_slice %arg8[%rem3A_379, %dma_start3A_403, %dma_start3A_404] : memref<3x5x80xi32, #tpu.memory_space<vmem>> -> memref<1x5x80xi32, #tpu.memory_space<vmem>>
        %dma_start3A_406 = tpu.memref_squeeze %dma_start3A_405 : memref<1x5x80xi32, #tpu.memory_space<vmem>> -> memref<5x80xi32, #tpu.memory_space<vmem>>
        %dma_start3A_407 = arith.constant 0 : i32
        %dma_start3A_408 = tpu.memref_slice %arg3[%dma_start3A_395, %add3A_375, %dma_start3A_407] : memref<2x20000x80xi32, #tpu.memory_space<hbm>> -> memref<1x5x80xi32, #tpu.memory_space<hbm>>
        %dma_start3A_409 = tpu.memref_squeeze %dma_start3A_408 : memref<1x5x80xi32, #tpu.memory_space<hbm>> -> memref<5x80xi32, #tpu.memory_space<hbm>>
        tpu.enqueue_dma source(%dma_start3A_409 : memref<5x80xi32, #tpu.memory_space<hbm>>) target(%dma_start3A_406 : memref<5x80xi32, #tpu.memory_space<vmem>>) target_semaphore(%arg10 : memref<!tpu.dma_semaphore, #tpu.memory_space<semaphore_mem>>)
      } else {
      }
      %gt3A = arith.constant 0 : i32
      %gt3A_167 = arith.cmpi sgt, %scan3A_117, %gt3A : i32
      %convert_element_type3A_168 = arith.extui %gt3A_167 : i1 to i32
      %cond3A_169 = arith.constant 0 : i32
      %cond3A_170 = arith.cmpi ne, %convert_element_type3A_168, %cond3A_169 : i32
      scf.if %cond3A_170 {
        %dma_wait3A_371 = arith.constant 0 : i32
        %dma_wait3A_372 = arith.constant 0 : i32
        %dma_wait3A_373 = arith.constant 0 : i32
        %dma_wait3A_374 = arith.constant 0 : i32
        %dma_wait3A_375 = tpu.memref_slice %arg9[%dma_wait3A_371, %dma_wait3A_373, %dma_wait3A_374] : memref<5x80x16xf32, #tpu.memory_space<vmem>> -> memref<1x80x16xf32, #tpu.memory_space<vmem>>
        %dma_wait3A_376 = tpu.memref_squeeze %dma_wait3A_375 : memref<1x80x16xf32, #tpu.memory_space<vmem>> -> memref<80x16xf32, #tpu.memory_space<vmem>>
        %dma_wait3A_377 = arith.constant 0 : i32
        %dma_wait3A_378 = tpu.memref_slice %arg8[%rem3A_125, %dma_wait3A_372, %dma_wait3A_377] : memref<3x5x80xi32, #tpu.memory_space<vmem>> -> memref<1x1x80xi32, #tpu.memory_space<vmem>>
        %dma_wait3A_379 = tpu.memref_squeeze %dma_wait3A_378 : memref<1x1x80xi32, #tpu.memory_space<vmem>> -> memref<80xi32, #tpu.memory_space<vmem>>
        %dma_wait3A_380 = arith.constant 0 : i32
        %dma_wait3A_381 = arith.constant 0 : i32
        %dma_wait3A_382 = tpu.memref_slice %arg6[%dma_wait3A_380, %dma_wait3A_381] : memref<100000x16xf32, #tpu.memory_space<vmem_shared>> -> memref<100000x16xf32, #tpu.memory_space<vmem_shared>>
        tpu.wait_indirect_dma semaphore(%arg16 : memref<!tpu.dma_semaphore, #tpu.memory_space<semaphore_mem>>) src(%dma_wait3A_376 : memref<80x16xf32, #tpu.memory_space<vmem>>) dst(%dma_wait3A_382 : memref<100000x16xf32, #tpu.memory_space<vmem_shared>>)
      } else {
      }
      %dma_start3A_171 = arith.constant 0 : i32
      %dma_start3A_172 = arith.constant 0 : i32
      %dma_start3A_173 = arith.constant 0 : i32
      %dma_start3A_174 = arith.constant 0 : i32
      %dma_start3A_175 = tpu.memref_slice %arg9[%dma_start3A_172, %dma_start3A_173, %dma_start3A_174] : memref<5x80x16xf32, #tpu.memory_space<vmem>> -> memref<1x80x16xf32, #tpu.memory_space<vmem>>
      %dma_start3A_176 = tpu.memref_squeeze %dma_start3A_175 : memref<1x80x16xf32, #tpu.memory_space<vmem>> -> memref<80x16xf32, #tpu.memory_space<vmem>>
      %dma_start3A_177 = arith.constant 0 : i32
      %dma_start3A_178 = tpu.memref_slice %arg7[%rem3A_119, %dma_start3A_171, %dma_start3A_177] : memref<2x5x80xi32, #tpu.memory_space<vmem>> -> memref<1x1x80xi32, #tpu.memory_space<vmem>>
      %dma_start3A_179 = tpu.memref_squeeze %dma_start3A_178 : memref<1x1x80xi32, #tpu.memory_space<vmem>> -> memref<80xi32, #tpu.memory_space<vmem>>
      %dma_start3A_180 = arith.constant 0 : i32
      %dma_start3A_181 = arith.constant 0 : i32
      %dma_start3A_182 = tpu.memref_slice %arg2[%dma_start3A_180, %dma_start3A_181] : memref<100000x16xf32, #tpu.memory_space<hbm>> -> memref<100000x16xf32, #tpu.memory_space<hbm>>
      tpu.enqueue_indirect_dma source(%dma_start3A_182 : memref<100000x16xf32, #tpu.memory_space<hbm>>) target(%dma_start3A_176 : memref<80x16xf32, #tpu.memory_space<vmem>>) offsets(%dma_start3A_179 : memref<80xi32, #tpu.memory_space<vmem>>) semaphore(%arg11 : memref<!tpu.dma_semaphore, #tpu.memory_space<semaphore_mem>>)
      %gt3A_183 = arith.constant 0 : i32
      %gt3A_184 = arith.cmpi sgt, %scan3A_117, %gt3A_183 : i32
      %convert_element_type3A_185 = arith.extui %gt3A_184 : i1 to i32
      %cond3A_186 = arith.constant 0 : i32
      %cond3A_187 = arith.cmpi ne, %convert_element_type3A_185, %cond3A_186 : i32
      scf.if %cond3A_187 {
        %dma_wait3A_371 = arith.constant 1 : i32
        %dma_wait3A_372 = arith.constant 1 : i32
        %dma_wait3A_373 = arith.constant 0 : i32
        %dma_wait3A_374 = arith.constant 0 : i32
        %dma_wait3A_375 = tpu.memref_slice %arg9[%dma_wait3A_371, %dma_wait3A_373, %dma_wait3A_374] : memref<5x80x16xf32, #tpu.memory_space<vmem>> -> memref<1x80x16xf32, #tpu.memory_space<vmem>>
        %dma_wait3A_376 = tpu.memref_squeeze %dma_wait3A_375 : memref<1x80x16xf32, #tpu.memory_space<vmem>> -> memref<80x16xf32, #tpu.memory_space<vmem>>
        %dma_wait3A_377 = arith.constant 0 : i32
        %dma_wait3A_378 = tpu.memref_slice %arg8[%rem3A_125, %dma_wait3A_372, %dma_wait3A_377] : memref<3x5x80xi32, #tpu.memory_space<vmem>> -> memref<1x1x80xi32, #tpu.memory_space<vmem>>
        %dma_wait3A_379 = tpu.memref_squeeze %dma_wait3A_378 : memref<1x1x80xi32, #tpu.memory_space<vmem>> -> memref<80xi32, #tpu.memory_space<vmem>>
        %dma_wait3A_380 = arith.constant 0 : i32
        %dma_wait3A_381 = arith.constant 0 : i32
        %dma_wait3A_382 = tpu.memref_slice %arg6[%dma_wait3A_380, %dma_wait3A_381] : memref<100000x16xf32, #tpu.memory_space<vmem_shared>> -> memref<100000x16xf32, #tpu.memory_space<vmem_shared>>
        tpu.wait_indirect_dma semaphore(%arg17 : memref<!tpu.dma_semaphore, #tpu.memory_space<semaphore_mem>>) src(%dma_wait3A_376 : memref<80x16xf32, #tpu.memory_space<vmem>>) dst(%dma_wait3A_382 : memref<100000x16xf32, #tpu.memory_space<vmem_shared>>)
      } else {
      }
      %dma_start3A_188 = arith.constant 1 : i32
      %dma_start3A_189 = arith.constant 1 : i32
      %dma_start3A_190 = arith.constant 0 : i32
      %dma_start3A_191 = arith.constant 0 : i32
      %dma_start3A_192 = tpu.memref_slice %arg9[%dma_start3A_189, %dma_start3A_190, %dma_start3A_191] : memref<5x80x16xf32, #tpu.memory_space<vmem>> -> memref<1x80x16xf32, #tpu.memory_space<vmem>>
      %dma_start3A_193 = tpu.memref_squeeze %dma_start3A_192 : memref<1x80x16xf32, #tpu.memory_space<vmem>> -> memref<80x16xf32, #tpu.memory_space<vmem>>
      %dma_start3A_194 = arith.constant 0 : i32
      %dma_start3A_195 = tpu.memref_slice %arg7[%rem3A_119, %dma_start3A_188, %dma_start3A_194] : memref<2x5x80xi32, #tpu.memory_space<vmem>> -> memref<1x1x80xi32, #tpu.memory_space<vmem>>
      %dma_start3A_196 = tpu.memref_squeeze %dma_start3A_195 : memref<1x1x80xi32, #tpu.memory_space<vmem>> -> memref<80xi32, #tpu.memory_space<vmem>>
      %dma_start3A_197 = arith.constant 0 : i32
      %dma_start3A_198 = arith.constant 0 : i32
      %dma_start3A_199 = tpu.memref_slice %arg2[%dma_start3A_197, %dma_start3A_198] : memref<100000x16xf32, #tpu.memory_space<hbm>> -> memref<100000x16xf32, #tpu.memory_space<hbm>>
      tpu.enqueue_indirect_dma source(%dma_start3A_199 : memref<100000x16xf32, #tpu.memory_space<hbm>>) target(%dma_start3A_193 : memref<80x16xf32, #tpu.memory_space<vmem>>) offsets(%dma_start3A_196 : memref<80xi32, #tpu.memory_space<vmem>>) semaphore(%arg12 : memref<!tpu.dma_semaphore, #tpu.memory_space<semaphore_mem>>)
      %gt3A_200 = arith.constant 0 : i32
      %gt3A_201 = arith.cmpi sgt, %scan3A_117, %gt3A_200 : i32
      %convert_element_type3A_202 = arith.extui %gt3A_201 : i1 to i32
      %cond3A_203 = arith.constant 0 : i32
      %cond3A_204 = arith.cmpi ne, %convert_element_type3A_202, %cond3A_203 : i32
      scf.if %cond3A_204 {
        %dma_wait3A_371 = arith.constant 2 : i32
        %dma_wait3A_372 = arith.constant 2 : i32
        %dma_wait3A_373 = arith.constant 0 : i32
        %dma_wait3A_374 = arith.constant 0 : i32
        %dma_wait3A_375 = tpu.memref_slice %arg9[%dma_wait3A_371, %dma_wait3A_373, %dma_wait3A_374] : memref<5x80x16xf32, #tpu.memory_space<vmem>> -> memref<1x80x16xf32, #tpu.memory_space<vmem>>
        %dma_wait3A_376 = tpu.memref_squeeze %dma_wait3A_375 : memref<1x80x16xf32, #tpu.memory_space<vmem>> -> memref<80x16xf32, #tpu.memory_space<vmem>>
        %dma_wait3A_377 = arith.constant 0 : i32
        %dma_wait3A_378 = tpu.memref_slice %arg8[%rem3A_125, %dma_wait3A_372, %dma_wait3A_377] : memref<3x5x80xi32, #tpu.memory_space<vmem>> -> memref<1x1x80xi32, #tpu.memory_space<vmem>>
        %dma_wait3A_379 = tpu.memref_squeeze %dma_wait3A_378 : memref<1x1x80xi32, #tpu.memory_space<vmem>> -> memref<80xi32, #tpu.memory_space<vmem>>
        %dma_wait3A_380 = arith.constant 0 : i32
        %dma_wait3A_381 = arith.constant 0 : i32
        %dma_wait3A_382 = tpu.memref_slice %arg6[%dma_wait3A_380, %dma_wait3A_381] : memref<100000x16xf32, #tpu.memory_space<vmem_shared>> -> memref<100000x16xf32, #tpu.memory_space<vmem_shared>>
        tpu.wait_indirect_dma semaphore(%arg18 : memref<!tpu.dma_semaphore, #tpu.memory_space<semaphore_mem>>) src(%dma_wait3A_376 : memref<80x16xf32, #tpu.memory_space<vmem>>) dst(%dma_wait3A_382 : memref<100000x16xf32, #tpu.memory_space<vmem_shared>>)
      } else {
      }
      %dma_start3A_205 = arith.constant 2 : i32
      %dma_start3A_206 = arith.constant 2 : i32
      %dma_start3A_207 = arith.constant 0 : i32
      %dma_start3A_208 = arith.constant 0 : i32
      %dma_start3A_209 = tpu.memref_slice %arg9[%dma_start3A_206, %dma_start3A_207, %dma_start3A_208] : memref<5x80x16xf32, #tpu.memory_space<vmem>> -> memref<1x80x16xf32, #tpu.memory_space<vmem>>
      %dma_start3A_210 = tpu.memref_squeeze %dma_start3A_209 : memref<1x80x16xf32, #tpu.memory_space<vmem>> -> memref<80x16xf32, #tpu.memory_space<vmem>>
      %dma_start3A_211 = arith.constant 0 : i32
      %dma_start3A_212 = tpu.memref_slice %arg7[%rem3A_119, %dma_start3A_205, %dma_start3A_211] : memref<2x5x80xi32, #tpu.memory_space<vmem>> -> memref<1x1x80xi32, #tpu.memory_space<vmem>>
      %dma_start3A_213 = tpu.memref_squeeze %dma_start3A_212 : memref<1x1x80xi32, #tpu.memory_space<vmem>> -> memref<80xi32, #tpu.memory_space<vmem>>
      %dma_start3A_214 = arith.constant 0 : i32
      %dma_start3A_215 = arith.constant 0 : i32
      %dma_start3A_216 = tpu.memref_slice %arg2[%dma_start3A_214, %dma_start3A_215] : memref<100000x16xf32, #tpu.memory_space<hbm>> -> memref<100000x16xf32, #tpu.memory_space<hbm>>
      tpu.enqueue_indirect_dma source(%dma_start3A_216 : memref<100000x16xf32, #tpu.memory_space<hbm>>) target(%dma_start3A_210 : memref<80x16xf32, #tpu.memory_space<vmem>>) offsets(%dma_start3A_213 : memref<80xi32, #tpu.memory_space<vmem>>) semaphore(%arg13 : memref<!tpu.dma_semaphore, #tpu.memory_space<semaphore_mem>>)
      %gt3A_217 = arith.constant 0 : i32
      %gt3A_218 = arith.cmpi sgt, %scan3A_117, %gt3A_217 : i32
      %convert_element_type3A_219 = arith.extui %gt3A_218 : i1 to i32
      %cond3A_220 = arith.constant 0 : i32
      %cond3A_221 = arith.cmpi ne, %convert_element_type3A_219, %cond3A_220 : i32
      scf.if %cond3A_221 {
        %dma_wait3A_371 = arith.constant 3 : i32
        %dma_wait3A_372 = arith.constant 3 : i32
        %dma_wait3A_373 = arith.constant 0 : i32
        %dma_wait3A_374 = arith.constant 0 : i32
        %dma_wait3A_375 = tpu.memref_slice %arg9[%dma_wait3A_371, %dma_wait3A_373, %dma_wait3A_374] : memref<5x80x16xf32, #tpu.memory_space<vmem>> -> memref<1x80x16xf32, #tpu.memory_space<vmem>>
        %dma_wait3A_376 = tpu.memref_squeeze %dma_wait3A_375 : memref<1x80x16xf32, #tpu.memory_space<vmem>> -> memref<80x16xf32, #tpu.memory_space<vmem>>
        %dma_wait3A_377 = arith.constant 0 : i32
        %dma_wait3A_378 = tpu.memref_slice %arg8[%rem3A_125, %dma_wait3A_372, %dma_wait3A_377] : memref<3x5x80xi32, #tpu.memory_space<vmem>> -> memref<1x1x80xi32, #tpu.memory_space<vmem>>
        %dma_wait3A_379 = tpu.memref_squeeze %dma_wait3A_378 : memref<1x1x80xi32, #tpu.memory_space<vmem>> -> memref<80xi32, #tpu.memory_space<vmem>>
        %dma_wait3A_380 = arith.constant 0 : i32
        %dma_wait3A_381 = arith.constant 0 : i32
        %dma_wait3A_382 = tpu.memref_slice %arg6[%dma_wait3A_380, %dma_wait3A_381] : memref<100000x16xf32, #tpu.memory_space<vmem_shared>> -> memref<100000x16xf32, #tpu.memory_space<vmem_shared>>
        tpu.wait_indirect_dma semaphore(%arg19 : memref<!tpu.dma_semaphore, #tpu.memory_space<semaphore_mem>>) src(%dma_wait3A_376 : memref<80x16xf32, #tpu.memory_space<vmem>>) dst(%dma_wait3A_382 : memref<100000x16xf32, #tpu.memory_space<vmem_shared>>)
      } else {
      }
      %dma_start3A_222 = arith.constant 3 : i32
      %dma_start3A_223 = arith.constant 3 : i32
      %dma_start3A_224 = arith.constant 0 : i32
      %dma_start3A_225 = arith.constant 0 : i32
      %dma_start3A_226 = tpu.memref_slice %arg9[%dma_start3A_223, %dma_start3A_224, %dma_start3A_225] : memref<5x80x16xf32, #tpu.memory_space<vmem>> -> memref<1x80x16xf32, #tpu.memory_space<vmem>>
      %dma_start3A_227 = tpu.memref_squeeze %dma_start3A_226 : memref<1x80x16xf32, #tpu.memory_space<vmem>> -> memref<80x16xf32, #tpu.memory_space<vmem>>
      %dma_start3A_228 = arith.constant 0 : i32
      %dma_start3A_229 = tpu.memref_slice %arg7[%rem3A_119, %dma_start3A_222, %dma_start3A_228] : memref<2x5x80xi32, #tpu.memory_space<vmem>> -> memref<1x1x80xi32, #tpu.memory_space<vmem>>
      %dma_start3A_230 = tpu.memref_squeeze %dma_start3A_229 : memref<1x1x80xi32, #tpu.memory_space<vmem>> -> memref<80xi32, #tpu.memory_space<vmem>>
      %dma_start3A_231 = arith.constant 0 : i32
      %dma_start3A_232 = arith.constant 0 : i32
      %dma_start3A_233 = tpu.memref_slice %arg2[%dma_start3A_231, %dma_start3A_232] : memref<100000x16xf32, #tpu.memory_space<hbm>> -> memref<100000x16xf32, #tpu.memory_space<hbm>>
      tpu.enqueue_indirect_dma source(%dma_start3A_233 : memref<100000x16xf32, #tpu.memory_space<hbm>>) target(%dma_start3A_227 : memref<80x16xf32, #tpu.memory_space<vmem>>) offsets(%dma_start3A_230 : memref<80xi32, #tpu.memory_space<vmem>>) semaphore(%arg14 : memref<!tpu.dma_semaphore, #tpu.memory_space<semaphore_mem>>)
      %gt3A_234 = arith.constant 0 : i32
      %gt3A_235 = arith.cmpi sgt, %scan3A_117, %gt3A_234 : i32
      %convert_element_type3A_236 = arith.extui %gt3A_235 : i1 to i32
      %cond3A_237 = arith.constant 0 : i32
      %cond3A_238 = arith.cmpi ne, %convert_element_type3A_236, %cond3A_237 : i32
      scf.if %cond3A_238 {
        %dma_wait3A_371 = arith.constant 4 : i32
        %dma_wait3A_372 = arith.constant 4 : i32
        %dma_wait3A_373 = arith.constant 0 : i32
        %dma_wait3A_374 = arith.constant 0 : i32
        %dma_wait3A_375 = tpu.memref_slice %arg9[%dma_wait3A_371, %dma_wait3A_373, %dma_wait3A_374] : memref<5x80x16xf32, #tpu.memory_space<vmem>> -> memref<1x80x16xf32, #tpu.memory_space<vmem>>
        %dma_wait3A_376 = tpu.memref_squeeze %dma_wait3A_375 : memref<1x80x16xf32, #tpu.memory_space<vmem>> -> memref<80x16xf32, #tpu.memory_space<vmem>>
        %dma_wait3A_377 = arith.constant 0 : i32
        %dma_wait3A_378 = tpu.memref_slice %arg8[%rem3A_125, %dma_wait3A_372, %dma_wait3A_377] : memref<3x5x80xi32, #tpu.memory_space<vmem>> -> memref<1x1x80xi32, #tpu.memory_space<vmem>>
        %dma_wait3A_379 = tpu.memref_squeeze %dma_wait3A_378 : memref<1x1x80xi32, #tpu.memory_space<vmem>> -> memref<80xi32, #tpu.memory_space<vmem>>
        %dma_wait3A_380 = arith.constant 0 : i32
        %dma_wait3A_381 = arith.constant 0 : i32
        %dma_wait3A_382 = tpu.memref_slice %arg6[%dma_wait3A_380, %dma_wait3A_381] : memref<100000x16xf32, #tpu.memory_space<vmem_shared>> -> memref<100000x16xf32, #tpu.memory_space<vmem_shared>>
        tpu.wait_indirect_dma semaphore(%arg20 : memref<!tpu.dma_semaphore, #tpu.memory_space<semaphore_mem>>) src(%dma_wait3A_376 : memref<80x16xf32, #tpu.memory_space<vmem>>) dst(%dma_wait3A_382 : memref<100000x16xf32, #tpu.memory_space<vmem_shared>>)
      } else {
      }
      %dma_start3A_239 = arith.constant 4 : i32
      %dma_start3A_240 = arith.constant 4 : i32
      %dma_start3A_241 = arith.constant 0 : i32
      %dma_start3A_242 = arith.constant 0 : i32
      %dma_start3A_243 = tpu.memref_slice %arg9[%dma_start3A_240, %dma_start3A_241, %dma_start3A_242] : memref<5x80x16xf32, #tpu.memory_space<vmem>> -> memref<1x80x16xf32, #tpu.memory_space<vmem>>
      %dma_start3A_244 = tpu.memref_squeeze %dma_start3A_243 : memref<1x80x16xf32, #tpu.memory_space<vmem>> -> memref<80x16xf32, #tpu.memory_space<vmem>>
      %dma_start3A_245 = arith.constant 0 : i32
      %dma_start3A_246 = tpu.memref_slice %arg7[%rem3A_119, %dma_start3A_239, %dma_start3A_245] : memref<2x5x80xi32, #tpu.memory_space<vmem>> -> memref<1x1x80xi32, #tpu.memory_space<vmem>>
      %dma_start3A_247 = tpu.memref_squeeze %dma_start3A_246 : memref<1x1x80xi32, #tpu.memory_space<vmem>> -> memref<80xi32, #tpu.memory_space<vmem>>
      %dma_start3A_248 = arith.constant 0 : i32
      %dma_start3A_249 = arith.constant 0 : i32
      %dma_start3A_250 = tpu.memref_slice %arg2[%dma_start3A_248, %dma_start3A_249] : memref<100000x16xf32, #tpu.memory_space<hbm>> -> memref<100000x16xf32, #tpu.memory_space<hbm>>
      tpu.enqueue_indirect_dma source(%dma_start3A_250 : memref<100000x16xf32, #tpu.memory_space<hbm>>) target(%dma_start3A_244 : memref<80x16xf32, #tpu.memory_space<vmem>>) offsets(%dma_start3A_247 : memref<80xi32, #tpu.memory_space<vmem>>) semaphore(%arg15 : memref<!tpu.dma_semaphore, #tpu.memory_space<semaphore_mem>>)
      %dma_wait3A_251 = arith.constant 0 : i32
      %dma_wait3A_252 = arith.constant 0 : i32
      %dma_wait3A_253 = arith.constant 0 : i32
      %dma_wait3A_254 = arith.constant 0 : i32
      %dma_wait3A_255 = tpu.memref_slice %arg9[%dma_wait3A_252, %dma_wait3A_253, %dma_wait3A_254] : memref<5x80x16xf32, #tpu.memory_space<vmem>> -> memref<1x80x16xf32, #tpu.memory_space<vmem>>
      %dma_wait3A_256 = tpu.memref_squeeze %dma_wait3A_255 : memref<1x80x16xf32, #tpu.memory_space<vmem>> -> memref<80x16xf32, #tpu.memory_space<vmem>>
      %dma_wait3A_257 = arith.constant 0 : i32
      %dma_wait3A_258 = tpu.memref_slice %arg7[%rem3A_119, %dma_wait3A_251, %dma_wait3A_257] : memref<2x5x80xi32, #tpu.memory_space<vmem>> -> memref<1x1x80xi32, #tpu.memory_space<vmem>>
      %dma_wait3A_259 = tpu.memref_squeeze %dma_wait3A_258 : memref<1x1x80xi32, #tpu.memory_space<vmem>> -> memref<80xi32, #tpu.memory_space<vmem>>
      %dma_wait3A_260 = arith.constant 0 : i32
      %dma_wait3A_261 = arith.constant 0 : i32
      %dma_wait3A_262 = tpu.memref_slice %arg2[%dma_wait3A_260, %dma_wait3A_261] : memref<100000x16xf32, #tpu.memory_space<hbm>> -> memref<100000x16xf32, #tpu.memory_space<hbm>>
      tpu.wait_indirect_dma semaphore(%arg11 : memref<!tpu.dma_semaphore, #tpu.memory_space<semaphore_mem>>) src(%dma_wait3A_262 : memref<100000x16xf32, #tpu.memory_space<hbm>>) dst(%dma_wait3A_256 : memref<80x16xf32, #tpu.memory_space<vmem>>)
      %dma_start3A_263 = arith.constant 0 : i32
      %dma_start3A_264 = arith.constant 0 : i32
      %dma_start3A_265 = arith.constant 0 : i32
      %dma_start3A_266 = arith.constant 0 : i32
      %dma_start3A_267 = tpu.memref_slice %arg9[%dma_start3A_263, %dma_start3A_265, %dma_start3A_266] : memref<5x80x16xf32, #tpu.memory_space<vmem>> -> memref<1x80x16xf32, #tpu.memory_space<vmem>>
      %dma_start3A_268 = tpu.memref_squeeze %dma_start3A_267 : memref<1x80x16xf32, #tpu.memory_space<vmem>> -> memref<80x16xf32, #tpu.memory_space<vmem>>
      %dma_start3A_269 = arith.constant 0 : i32
      %dma_start3A_270 = tpu.memref_slice %arg8[%rem3A_121, %dma_start3A_264, %dma_start3A_269] : memref<3x5x80xi32, #tpu.memory_space<vmem>> -> memref<1x1x80xi32, #tpu.memory_space<vmem>>
      %dma_start3A_271 = tpu.memref_squeeze %dma_start3A_270 : memref<1x1x80xi32, #tpu.memory_space<vmem>> -> memref<80xi32, #tpu.memory_space<vmem>>
      %dma_start3A_272 = arith.constant 0 : i32
      %dma_start3A_273 = arith.constant 0 : i32
      %dma_start3A_274 = tpu.memref_slice %arg6[%dma_start3A_272, %dma_start3A_273] : memref<100000x16xf32, #tpu.memory_space<vmem_shared>> -> memref<100000x16xf32, #tpu.memory_space<vmem_shared>>
      tpu.enqueue_indirect_dma source(%dma_start3A_268 : memref<80x16xf32, #tpu.memory_space<vmem>>) target(%dma_start3A_274 : memref<100000x16xf32, #tpu.memory_space<vmem_shared>>) offsets(%dma_start3A_271 : memref<80xi32, #tpu.memory_space<vmem>>) semaphore(%arg16 : memref<!tpu.dma_semaphore, #tpu.memory_space<semaphore_mem>>) {add = true}
      %dma_wait3A_275 = arith.constant 1 : i32
      %dma_wait3A_276 = arith.constant 1 : i32
      %dma_wait3A_277 = arith.constant 0 : i32
      %dma_wait3A_278 = arith.constant 0 : i32
      %dma_wait3A_279 = tpu.memref_slice %arg9[%dma_wait3A_276, %dma_wait3A_277, %dma_wait3A_278] : memref<5x80x16xf32, #tpu.memory_space<vmem>> -> memref<1x80x16xf32, #tpu.memory_space<vmem>>
      %dma_wait3A_280 = tpu.memref_squeeze %dma_wait3A_279 : memref<1x80x16xf32, #tpu.memory_space<vmem>> -> memref<80x16xf32, #tpu.memory_space<vmem>>
      %dma_wait3A_281 = arith.constant 0 : i32
      %dma_wait3A_282 = tpu.memref_slice %arg7[%rem3A_119, %dma_wait3A_275, %dma_wait3A_281] : memref<2x5x80xi32, #tpu.memory_space<vmem>> -> memref<1x1x80xi32, #tpu.memory_space<vmem>>
      %dma_wait3A_283 = tpu.memref_squeeze %dma_wait3A_282 : memref<1x1x80xi32, #tpu.memory_space<vmem>> -> memref<80xi32, #tpu.memory_space<vmem>>
      %dma_wait3A_284 = arith.constant 0 : i32
      %dma_wait3A_285 = arith.constant 0 : i32
      %dma_wait3A_286 = tpu.memref_slice %arg2[%dma_wait3A_284, %dma_wait3A_285] : memref<100000x16xf32, #tpu.memory_space<hbm>> -> memref<100000x16xf32, #tpu.memory_space<hbm>>
      tpu.wait_indirect_dma semaphore(%arg12 : memref<!tpu.dma_semaphore, #tpu.memory_space<semaphore_mem>>) src(%dma_wait3A_286 : memref<100000x16xf32, #tpu.memory_space<hbm>>) dst(%dma_wait3A_280 : memref<80x16xf32, #tpu.memory_space<vmem>>)
      %dma_start3A_287 = arith.constant 1 : i32
      %dma_start3A_288 = arith.constant 1 : i32
      %dma_start3A_289 = arith.constant 0 : i32
      %dma_start3A_290 = arith.constant 0 : i32
      %dma_start3A_291 = tpu.memref_slice %arg9[%dma_start3A_287, %dma_start3A_289, %dma_start3A_290] : memref<5x80x16xf32, #tpu.memory_space<vmem>> -> memref<1x80x16xf32, #tpu.memory_space<vmem>>
      %dma_start3A_292 = tpu.memref_squeeze %dma_start3A_291 : memref<1x80x16xf32, #tpu.memory_space<vmem>> -> memref<80x16xf32, #tpu.memory_space<vmem>>
      %dma_start3A_293 = arith.constant 0 : i32
      %dma_start3A_294 = tpu.memref_slice %arg8[%rem3A_121, %dma_start3A_288, %dma_start3A_293] : memref<3x5x80xi32, #tpu.memory_space<vmem>> -> memref<1x1x80xi32, #tpu.memory_space<vmem>>
      %dma_start3A_295 = tpu.memref_squeeze %dma_start3A_294 : memref<1x1x80xi32, #tpu.memory_space<vmem>> -> memref<80xi32, #tpu.memory_space<vmem>>
      %dma_start3A_296 = arith.constant 0 : i32
      %dma_start3A_297 = arith.constant 0 : i32
      %dma_start3A_298 = tpu.memref_slice %arg6[%dma_start3A_296, %dma_start3A_297] : memref<100000x16xf32, #tpu.memory_space<vmem_shared>> -> memref<100000x16xf32, #tpu.memory_space<vmem_shared>>
      tpu.enqueue_indirect_dma source(%dma_start3A_292 : memref<80x16xf32, #tpu.memory_space<vmem>>) target(%dma_start3A_298 : memref<100000x16xf32, #tpu.memory_space<vmem_shared>>) offsets(%dma_start3A_295 : memref<80xi32, #tpu.memory_space<vmem>>) semaphore(%arg17 : memref<!tpu.dma_semaphore, #tpu.memory_space<semaphore_mem>>) {add = true}
      %dma_wait3A_299 = arith.constant 2 : i32
      %dma_wait3A_300 = arith.constant 2 : i32
      %dma_wait3A_301 = arith.constant 0 : i32
      %dma_wait3A_302 = arith.constant 0 : i32
      %dma_wait3A_303 = tpu.memref_slice %arg9[%dma_wait3A_300, %dma_wait3A_301, %dma_wait3A_302] : memref<5x80x16xf32, #tpu.memory_space<vmem>> -> memref<1x80x16xf32, #tpu.memory_space<vmem>>
      %dma_wait3A_304 = tpu.memref_squeeze %dma_wait3A_303 : memref<1x80x16xf32, #tpu.memory_space<vmem>> -> memref<80x16xf32, #tpu.memory_space<vmem>>
      %dma_wait3A_305 = arith.constant 0 : i32
      %dma_wait3A_306 = tpu.memref_slice %arg7[%rem3A_119, %dma_wait3A_299, %dma_wait3A_305] : memref<2x5x80xi32, #tpu.memory_space<vmem>> -> memref<1x1x80xi32, #tpu.memory_space<vmem>>
      %dma_wait3A_307 = tpu.memref_squeeze %dma_wait3A_306 : memref<1x1x80xi32, #tpu.memory_space<vmem>> -> memref<80xi32, #tpu.memory_space<vmem>>
      %dma_wait3A_308 = arith.constant 0 : i32
      %dma_wait3A_309 = arith.constant 0 : i32
      %dma_wait3A_310 = tpu.memref_slice %arg2[%dma_wait3A_308, %dma_wait3A_309] : memref<100000x16xf32, #tpu.memory_space<hbm>> -> memref<100000x16xf32, #tpu.memory_space<hbm>>
      tpu.wait_indirect_dma semaphore(%arg13 : memref<!tpu.dma_semaphore, #tpu.memory_space<semaphore_mem>>) src(%dma_wait3A_310 : memref<100000x16xf32, #tpu.memory_space<hbm>>) dst(%dma_wait3A_304 : memref<80x16xf32, #tpu.memory_space<vmem>>)
      %dma_start3A_311 = arith.constant 2 : i32
      %dma_start3A_312 = arith.constant 2 : i32
      %dma_start3A_313 = arith.constant 0 : i32
      %dma_start3A_314 = arith.constant 0 : i32
      %dma_start3A_315 = tpu.memref_slice %arg9[%dma_start3A_311, %dma_start3A_313, %dma_start3A_314] : memref<5x80x16xf32, #tpu.memory_space<vmem>> -> memref<1x80x16xf32, #tpu.memory_space<vmem>>
      %dma_start3A_316 = tpu.memref_squeeze %dma_start3A_315 : memref<1x80x16xf32, #tpu.memory_space<vmem>> -> memref<80x16xf32, #tpu.memory_space<vmem>>
      %dma_start3A_317 = arith.constant 0 : i32
      %dma_start3A_318 = tpu.memref_slice %arg8[%rem3A_121, %dma_start3A_312, %dma_start3A_317] : memref<3x5x80xi32, #tpu.memory_space<vmem>> -> memref<1x1x80xi32, #tpu.memory_space<vmem>>
      %dma_start3A_319 = tpu.memref_squeeze %dma_start3A_318 : memref<1x1x80xi32, #tpu.memory_space<vmem>> -> memref<80xi32, #tpu.memory_space<vmem>>
      %dma_start3A_320 = arith.constant 0 : i32
      %dma_start3A_321 = arith.constant 0 : i32
      %dma_start3A_322 = tpu.memref_slice %arg6[%dma_start3A_320, %dma_start3A_321] : memref<100000x16xf32, #tpu.memory_space<vmem_shared>> -> memref<100000x16xf32, #tpu.memory_space<vmem_shared>>
      tpu.enqueue_indirect_dma source(%dma_start3A_316 : memref<80x16xf32, #tpu.memory_space<vmem>>) target(%dma_start3A_322 : memref<100000x16xf32, #tpu.memory_space<vmem_shared>>) offsets(%dma_start3A_319 : memref<80xi32, #tpu.memory_space<vmem>>) semaphore(%arg18 : memref<!tpu.dma_semaphore, #tpu.memory_space<semaphore_mem>>) {add = true}
      %dma_wait3A_323 = arith.constant 3 : i32
      %dma_wait3A_324 = arith.constant 3 : i32
      %dma_wait3A_325 = arith.constant 0 : i32
      %dma_wait3A_326 = arith.constant 0 : i32
      %dma_wait3A_327 = tpu.memref_slice %arg9[%dma_wait3A_324, %dma_wait3A_325, %dma_wait3A_326] : memref<5x80x16xf32, #tpu.memory_space<vmem>> -> memref<1x80x16xf32, #tpu.memory_space<vmem>>
      %dma_wait3A_328 = tpu.memref_squeeze %dma_wait3A_327 : memref<1x80x16xf32, #tpu.memory_space<vmem>> -> memref<80x16xf32, #tpu.memory_space<vmem>>
      %dma_wait3A_329 = arith.constant 0 : i32
      %dma_wait3A_330 = tpu.memref_slice %arg7[%rem3A_119, %dma_wait3A_323, %dma_wait3A_329] : memref<2x5x80xi32, #tpu.memory_space<vmem>> -> memref<1x1x80xi32, #tpu.memory_space<vmem>>
      %dma_wait3A_331 = tpu.memref_squeeze %dma_wait3A_330 : memref<1x1x80xi32, #tpu.memory_space<vmem>> -> memref<80xi32, #tpu.memory_space<vmem>>
      %dma_wait3A_332 = arith.constant 0 : i32
      %dma_wait3A_333 = arith.constant 0 : i32
      %dma_wait3A_334 = tpu.memref_slice %arg2[%dma_wait3A_332, %dma_wait3A_333] : memref<100000x16xf32, #tpu.memory_space<hbm>> -> memref<100000x16xf32, #tpu.memory_space<hbm>>
      tpu.wait_indirect_dma semaphore(%arg14 : memref<!tpu.dma_semaphore, #tpu.memory_space<semaphore_mem>>) src(%dma_wait3A_334 : memref<100000x16xf32, #tpu.memory_space<hbm>>) dst(%dma_wait3A_328 : memref<80x16xf32, #tpu.memory_space<vmem>>)
      %dma_start3A_335 = arith.constant 3 : i32
      %dma_start3A_336 = arith.constant 3 : i32
      %dma_start3A_337 = arith.constant 0 : i32
      %dma_start3A_338 = arith.constant 0 : i32
      %dma_start3A_339 = tpu.memref_slice %arg9[%dma_start3A_335, %dma_start3A_337, %dma_start3A_338] : memref<5x80x16xf32, #tpu.memory_space<vmem>> -> memref<1x80x16xf32, #tpu.memory_space<vmem>>
      %dma_start3A_340 = tpu.memref_squeeze %dma_start3A_339 : memref<1x80x16xf32, #tpu.memory_space<vmem>> -> memref<80x16xf32, #tpu.memory_space<vmem>>
      %dma_start3A_341 = arith.constant 0 : i32
      %dma_start3A_342 = tpu.memref_slice %arg8[%rem3A_121, %dma_start3A_336, %dma_start3A_341] : memref<3x5x80xi32, #tpu.memory_space<vmem>> -> memref<1x1x80xi32, #tpu.memory_space<vmem>>
      %dma_start3A_343 = tpu.memref_squeeze %dma_start3A_342 : memref<1x1x80xi32, #tpu.memory_space<vmem>> -> memref<80xi32, #tpu.memory_space<vmem>>
      %dma_start3A_344 = arith.constant 0 : i32
      %dma_start3A_345 = arith.constant 0 : i32
      %dma_start3A_346 = tpu.memref_slice %arg6[%dma_start3A_344, %dma_start3A_345] : memref<100000x16xf32, #tpu.memory_space<vmem_shared>> -> memref<100000x16xf32, #tpu.memory_space<vmem_shared>>
      tpu.enqueue_indirect_dma source(%dma_start3A_340 : memref<80x16xf32, #tpu.memory_space<vmem>>) target(%dma_start3A_346 : memref<100000x16xf32, #tpu.memory_space<vmem_shared>>) offsets(%dma_start3A_343 : memref<80xi32, #tpu.memory_space<vmem>>) semaphore(%arg19 : memref<!tpu.dma_semaphore, #tpu.memory_space<semaphore_mem>>) {add = true}
      %dma_wait3A_347 = arith.constant 4 : i32
      %dma_wait3A_348 = arith.constant 4 : i32
      %dma_wait3A_349 = arith.constant 0 : i32
      %dma_wait3A_350 = arith.constant 0 : i32
      %dma_wait3A_351 = tpu.memref_slice %arg9[%dma_wait3A_348, %dma_wait3A_349, %dma_wait3A_350] : memref<5x80x16xf32, #tpu.memory_space<vmem>> -> memref<1x80x16xf32, #tpu.memory_space<vmem>>
      %dma_wait3A_352 = tpu.memref_squeeze %dma_wait3A_351 : memref<1x80x16xf32, #tpu.memory_space<vmem>> -> memref<80x16xf32, #tpu.memory_space<vmem>>
      %dma_wait3A_353 = arith.constant 0 : i32
      %dma_wait3A_354 = tpu.memref_slice %arg7[%rem3A_119, %dma_wait3A_347, %dma_wait3A_353] : memref<2x5x80xi32, #tpu.memory_space<vmem>> -> memref<1x1x80xi32, #tpu.memory_space<vmem>>
      %dma_wait3A_355 = tpu.memref_squeeze %dma_wait3A_354 : memref<1x1x80xi32, #tpu.memory_space<vmem>> -> memref<80xi32, #tpu.memory_space<vmem>>
      %dma_wait3A_356 = arith.constant 0 : i32
      %dma_wait3A_357 = arith.constant 0 : i32
      %dma_wait3A_358 = tpu.memref_slice %arg2[%dma_wait3A_356, %dma_wait3A_357] : memref<100000x16xf32, #tpu.memory_space<hbm>> -> memref<100000x16xf32, #tpu.memory_space<hbm>>
      tpu.wait_indirect_dma semaphore(%arg15 : memref<!tpu.dma_semaphore, #tpu.memory_space<semaphore_mem>>) src(%dma_wait3A_358 : memref<100000x16xf32, #tpu.memory_space<hbm>>) dst(%dma_wait3A_352 : memref<80x16xf32, #tpu.memory_space<vmem>>)
      %dma_start3A_359 = arith.constant 4 : i32
      %dma_start3A_360 = arith.constant 4 : i32
      %dma_start3A_361 = arith.constant 0 : i32
      %dma_start3A_362 = arith.constant 0 : i32
      %dma_start3A_363 = tpu.memref_slice %arg9[%dma_start3A_359, %dma_start3A_361, %dma_start3A_362] : memref<5x80x16xf32, #tpu.memory_space<vmem>> -> memref<1x80x16xf32, #tpu.memory_space<vmem>>
      %dma_start3A_364 = tpu.memref_squeeze %dma_start3A_363 : memref<1x80x16xf32, #tpu.memory_space<vmem>> -> memref<80x16xf32, #tpu.memory_space<vmem>>
      %dma_start3A_365 = arith.constant 0 : i32
      %dma_start3A_366 = tpu.memref_slice %arg8[%rem3A_121, %dma_start3A_360, %dma_start3A_365] : memref<3x5x80xi32, #tpu.memory_space<vmem>> -> memref<1x1x80xi32, #tpu.memory_space<vmem>>
      %dma_start3A_367 = tpu.memref_squeeze %dma_start3A_366 : memref<1x1x80xi32, #tpu.memory_space<vmem>> -> memref<80xi32, #tpu.memory_space<vmem>>
      %dma_start3A_368 = arith.constant 0 : i32
      %dma_start3A_369 = arith.constant 0 : i32
      %dma_start3A_370 = tpu.memref_slice %arg6[%dma_start3A_368, %dma_start3A_369] : memref<100000x16xf32, #tpu.memory_space<vmem_shared>> -> memref<100000x16xf32, #tpu.memory_space<vmem_shared>>
      tpu.enqueue_indirect_dma source(%dma_start3A_364 : memref<80x16xf32, #tpu.memory_space<vmem>>) target(%dma_start3A_370 : memref<100000x16xf32, #tpu.memory_space<vmem_shared>>) offsets(%dma_start3A_367 : memref<80xi32, #tpu.memory_space<vmem>>) semaphore(%arg20 : memref<!tpu.dma_semaphore, #tpu.memory_space<semaphore_mem>>) {add = true}
    }
    %scan3A_47 = arith.constant 125 : i32
    %dma_wait3A = arith.constant 0 : i32
    %dma_wait3A_48 = arith.constant 1 : i32
    %dma_wait3A_49 = arith.constant 0 : i32
    %dma_wait3A_50 = arith.constant 0 : i32
    %dma_wait3A_51 = arith.constant 0 : i32
    %dma_wait3A_52 = tpu.memref_slice %arg9[%dma_wait3A, %dma_wait3A_50, %dma_wait3A_51] : memref<5x80x16xf32, #tpu.memory_space<vmem>> -> memref<1x80x16xf32, #tpu.memory_space<vmem>>
    %dma_wait3A_53 = tpu.memref_squeeze %dma_wait3A_52 : memref<1x80x16xf32, #tpu.memory_space<vmem>> -> memref<80x16xf32, #tpu.memory_space<vmem>>
    %dma_wait3A_54 = arith.constant 0 : i32
    %dma_wait3A_55 = tpu.memref_slice %arg8[%dma_wait3A_48, %dma_wait3A_49, %dma_wait3A_54] : memref<3x5x80xi32, #tpu.memory_space<vmem>> -> memref<1x1x80xi32, #tpu.memory_space<vmem>>
    %dma_wait3A_56 = tpu.memref_squeeze %dma_wait3A_55 : memref<1x1x80xi32, #tpu.memory_space<vmem>> -> memref<80xi32, #tpu.memory_space<vmem>>
    %dma_wait3A_57 = arith.constant 0 : i32
    %dma_wait3A_58 = arith.constant 0 : i32
    %dma_wait3A_59 = tpu.memref_slice %arg6[%dma_wait3A_57, %dma_wait3A_58] : memref<100000x16xf32, #tpu.memory_space<vmem_shared>> -> memref<100000x16xf32, #tpu.memory_space<vmem_shared>>
    tpu.wait_indirect_dma semaphore(%arg16 : memref<!tpu.dma_semaphore, #tpu.memory_space<semaphore_mem>>) src(%dma_wait3A_53 : memref<80x16xf32, #tpu.memory_space<vmem>>) dst(%dma_wait3A_59 : memref<100000x16xf32, #tpu.memory_space<vmem_shared>>)
    %dma_wait3A_60 = arith.constant 1 : i32
    %dma_wait3A_61 = arith.constant 1 : i32
    %dma_wait3A_62 = arith.constant 1 : i32
    %dma_wait3A_63 = arith.constant 0 : i32
    %dma_wait3A_64 = arith.constant 0 : i32
    %dma_wait3A_65 = tpu.memref_slice %arg9[%dma_wait3A_60, %dma_wait3A_63, %dma_wait3A_64] : memref<5x80x16xf32, #tpu.memory_space<vmem>> -> memref<1x80x16xf32, #tpu.memory_space<vmem>>
    %dma_wait3A_66 = tpu.memref_squeeze %dma_wait3A_65 : memref<1x80x16xf32, #tpu.memory_space<vmem>> -> memref<80x16xf32, #tpu.memory_space<vmem>>
    %dma_wait3A_67 = arith.constant 0 : i32
    %dma_wait3A_68 = tpu.memref_slice %arg8[%dma_wait3A_61, %dma_wait3A_62, %dma_wait3A_67] : memref<3x5x80xi32, #tpu.memory_space<vmem>> -> memref<1x1x80xi32, #tpu.memory_space<vmem>>
    %dma_wait3A_69 = tpu.memref_squeeze %dma_wait3A_68 : memref<1x1x80xi32, #tpu.memory_space<vmem>> -> memref<80xi32, #tpu.memory_space<vmem>>
    %dma_wait3A_70 = arith.constant 0 : i32
    %dma_wait3A_71 = arith.constant 0 : i32
    %dma_wait3A_72 = tpu.memref_slice %arg6[%dma_wait3A_70, %dma_wait3A_71] : memref<100000x16xf32, #tpu.memory_space<vmem_shared>> -> memref<100000x16xf32, #tpu.memory_space<vmem_shared>>
    tpu.wait_indirect_dma semaphore(%arg17 : memref<!tpu.dma_semaphore, #tpu.memory_space<semaphore_mem>>) src(%dma_wait3A_66 : memref<80x16xf32, #tpu.memory_space<vmem>>) dst(%dma_wait3A_72 : memref<100000x16xf32, #tpu.memory_space<vmem_shared>>)
    %dma_wait3A_73 = arith.constant 2 : i32
    %dma_wait3A_74 = arith.constant 1 : i32
    %dma_wait3A_75 = arith.constant 2 : i32
    %dma_wait3A_76 = arith.constant 0 : i32
    %dma_wait3A_77 = arith.constant 0 : i32
    %dma_wait3A_78 = tpu.memref_slice %arg9[%dma_wait3A_73, %dma_wait3A_76, %dma_wait3A_77] : memref<5x80x16xf32, #tpu.memory_space<vmem>> -> memref<1x80x16xf32, #tpu.memory_space<vmem>>
    %dma_wait3A_79 = tpu.memref_squeeze %dma_wait3A_78 : memref<1x80x16xf32, #tpu.memory_space<vmem>> -> memref<80x16xf32, #tpu.memory_space<vmem>>
    %dma_wait3A_80 = arith.constant 0 : i32
    %dma_wait3A_81 = tpu.memref_slice %arg8[%dma_wait3A_74, %dma_wait3A_75, %dma_wait3A_80] : memref<3x5x80xi32, #tpu.memory_space<vmem>> -> memref<1x1x80xi32, #tpu.memory_space<vmem>>
    %dma_wait3A_82 = tpu.memref_squeeze %dma_wait3A_81 : memref<1x1x80xi32, #tpu.memory_space<vmem>> -> memref<80xi32, #tpu.memory_space<vmem>>
    %dma_wait3A_83 = arith.constant 0 : i32
    %dma_wait3A_84 = arith.constant 0 : i32
    %dma_wait3A_85 = tpu.memref_slice %arg6[%dma_wait3A_83, %dma_wait3A_84] : memref<100000x16xf32, #tpu.memory_space<vmem_shared>> -> memref<100000x16xf32, #tpu.memory_space<vmem_shared>>
    tpu.wait_indirect_dma semaphore(%arg18 : memref<!tpu.dma_semaphore, #tpu.memory_space<semaphore_mem>>) src(%dma_wait3A_79 : memref<80x16xf32, #tpu.memory_space<vmem>>) dst(%dma_wait3A_85 : memref<100000x16xf32, #tpu.memory_space<vmem_shared>>)
    %dma_wait3A_86 = arith.constant 3 : i32
    %dma_wait3A_87 = arith.constant 1 : i32
    %dma_wait3A_88 = arith.constant 3 : i32
    %dma_wait3A_89 = arith.constant 0 : i32
    %dma_wait3A_90 = arith.constant 0 : i32
    %dma_wait3A_91 = tpu.memref_slice %arg9[%dma_wait3A_86, %dma_wait3A_89, %dma_wait3A_90] : memref<5x80x16xf32, #tpu.memory_space<vmem>> -> memref<1x80x16xf32, #tpu.memory_space<vmem>>
    %dma_wait3A_92 = tpu.memref_squeeze %dma_wait3A_91 : memref<1x80x16xf32, #tpu.memory_space<vmem>> -> memref<80x16xf32, #tpu.memory_space<vmem>>
    %dma_wait3A_93 = arith.constant 0 : i32
    %dma_wait3A_94 = tpu.memref_slice %arg8[%dma_wait3A_87, %dma_wait3A_88, %dma_wait3A_93] : memref<3x5x80xi32, #tpu.memory_space<vmem>> -> memref<1x1x80xi32, #tpu.memory_space<vmem>>
    %dma_wait3A_95 = tpu.memref_squeeze %dma_wait3A_94 : memref<1x1x80xi32, #tpu.memory_space<vmem>> -> memref<80xi32, #tpu.memory_space<vmem>>
    %dma_wait3A_96 = arith.constant 0 : i32
    %dma_wait3A_97 = arith.constant 0 : i32
    %dma_wait3A_98 = tpu.memref_slice %arg6[%dma_wait3A_96, %dma_wait3A_97] : memref<100000x16xf32, #tpu.memory_space<vmem_shared>> -> memref<100000x16xf32, #tpu.memory_space<vmem_shared>>
    tpu.wait_indirect_dma semaphore(%arg19 : memref<!tpu.dma_semaphore, #tpu.memory_space<semaphore_mem>>) src(%dma_wait3A_92 : memref<80x16xf32, #tpu.memory_space<vmem>>) dst(%dma_wait3A_98 : memref<100000x16xf32, #tpu.memory_space<vmem_shared>>)
    %dma_wait3A_99 = arith.constant 4 : i32
    %dma_wait3A_100 = arith.constant 1 : i32
    %dma_wait3A_101 = arith.constant 4 : i32
    %dma_wait3A_102 = arith.constant 0 : i32
    %dma_wait3A_103 = arith.constant 0 : i32
    %dma_wait3A_104 = tpu.memref_slice %arg9[%dma_wait3A_99, %dma_wait3A_102, %dma_wait3A_103] : memref<5x80x16xf32, #tpu.memory_space<vmem>> -> memref<1x80x16xf32, #tpu.memory_space<vmem>>
    %dma_wait3A_105 = tpu.memref_squeeze %dma_wait3A_104 : memref<1x80x16xf32, #tpu.memory_space<vmem>> -> memref<80x16xf32, #tpu.memory_space<vmem>>
    %dma_wait3A_106 = arith.constant 0 : i32
    %dma_wait3A_107 = tpu.memref_slice %arg8[%dma_wait3A_100, %dma_wait3A_101, %dma_wait3A_106] : memref<3x5x80xi32, #tpu.memory_space<vmem>> -> memref<1x1x80xi32, #tpu.memory_space<vmem>>
    %dma_wait3A_108 = tpu.memref_squeeze %dma_wait3A_107 : memref<1x1x80xi32, #tpu.memory_space<vmem>> -> memref<80xi32, #tpu.memory_space<vmem>>
    %dma_wait3A_109 = arith.constant 0 : i32
    %dma_wait3A_110 = arith.constant 0 : i32
    %dma_wait3A_111 = tpu.memref_slice %arg6[%dma_wait3A_109, %dma_wait3A_110] : memref<100000x16xf32, #tpu.memory_space<vmem_shared>> -> memref<100000x16xf32, #tpu.memory_space<vmem_shared>>
    tpu.wait_indirect_dma semaphore(%arg20 : memref<!tpu.dma_semaphore, #tpu.memory_space<semaphore_mem>>) src(%dma_wait3A_105 : memref<80x16xf32, #tpu.memory_space<vmem>>) dst(%dma_wait3A_111 : memref<100000x16xf32, #tpu.memory_space<vmem_shared>>)
    %barrier3A_112 = arith.constant 0 : index
    tpu.barrier barrier_id(%barrier3A_112)
    %mul3A_113 = arith.constant 6250 : i32
    %mul3A_114 = arith.muli %arg1, %mul3A_113 : i32
    %mul3A_115 = arith.constant 6250 : i32
    %mul3A_116 = arith.muli %arg1, %mul3A_115 : i32
    "tpu.region"() ({
      %run_scoped3A = tpu.sem_alloc : memref<!tpu.dma_semaphore, #tpu.memory_space<semaphore_mem>>
      %dma_start3A_117 = arith.constant 0 : i32
      %dma_start3A_118 = arith.constant 0 : i32
      %dma_start3A_119 = tpu.memref_slice %arg5[%arg0, %dma_start3A_117, %dma_start3A_118] : memref<2x100000x16xf32, #tpu.memory_space<hbm>> -> memref<1x100000x16xf32, #tpu.memory_space<hbm>>
      %dma_start3A_120 = tpu.memref_squeeze %dma_start3A_119 : memref<1x100000x16xf32, #tpu.memory_space<hbm>> -> memref<100000x16xf32, #tpu.memory_space<hbm>>
      %dma_start3A_121 = arith.constant 0 : i32
      %dma_start3A_122 = tpu.memref_slice %dma_start3A_120[%mul3A_116, %dma_start3A_121] : memref<100000x16xf32, #tpu.memory_space<hbm>> -> memref<6250x16xf32, #tpu.memory_space<hbm>>
      %dma_start3A_123 = arith.constant 0 : i32
      %dma_start3A_124 = tpu.memref_slice %arg6[%mul3A_114, %dma_start3A_123] : memref<100000x16xf32, #tpu.memory_space<vmem_shared>> -> memref<6250x16xf32, #tpu.memory_space<vmem_shared>>
      tpu.enqueue_dma source(%dma_start3A_124 : memref<6250x16xf32, #tpu.memory_space<vmem_shared>>) target(%dma_start3A_122 : memref<6250x16xf32, #tpu.memory_space<hbm>>) target_semaphore(%run_scoped3A : memref<!tpu.dma_semaphore, #tpu.memory_space<semaphore_mem>>)
      %dma_wait3A_125 = arith.constant 0 : i32
      %dma_wait3A_126 = arith.constant 0 : i32
      %dma_wait3A_127 = tpu.memref_slice %arg5[%arg0, %dma_wait3A_125, %dma_wait3A_126] : memref<2x100000x16xf32, #tpu.memory_space<hbm>> -> memref<1x100000x16xf32, #tpu.memory_space<hbm>>
      %dma_wait3A_128 = tpu.memref_squeeze %dma_wait3A_127 : memref<1x100000x16xf32, #tpu.memory_space<hbm>> -> memref<100000x16xf32, #tpu.memory_space<hbm>>
      %dma_wait3A_129 = arith.constant 0 : i32
      %dma_wait3A_130 = tpu.memref_slice %dma_wait3A_128[%mul3A_116, %dma_wait3A_129] : memref<100000x16xf32, #tpu.memory_space<hbm>> -> memref<6250x16xf32, #tpu.memory_space<hbm>>
      %dma_wait3A_131 = arith.constant 0 : i32
      %dma_wait3A_132 = tpu.memref_slice %arg6[%mul3A_114, %dma_wait3A_131] : memref<100000x16xf32, #tpu.memory_space<vmem_shared>> -> memref<6250x16xf32, #tpu.memory_space<vmem_shared>>
      tpu.wait_dma2 semaphore(%run_scoped3A : memref<!tpu.dma_semaphore, #tpu.memory_space<semaphore_mem>>) src(%dma_wait3A_132 : memref<6250x16xf32, #tpu.memory_space<vmem_shared>>) dst(%dma_wait3A_130 : memref<6250x16xf32, #tpu.memory_space<hbm>>)
      tpu.yield
    }) : () -> ()
    return
  }
}

#map = affine_map<(d0, d1) -> (0, 0)>
#map1 = affine_map<(d0, d1) -> (0, 0, 0)>
module attributes {stable_mosaic.version = 14 : i64} {
  func.func @agg(%arg0: i32, %arg1: i32, %arg2: memref<100000x8xf32, #tpu.memory_space<hbm>>, %arg3: memref<2x20000x80xi32, #tpu.memory_space<hbm>>, %arg4: memref<100000x8xf32, #tpu.memory_space<hbm>>, %arg5: memref<2x100000x8xf32, #tpu.memory_space<hbm>>, %arg6: memref<100000x8xf32, #tpu.memory_space<vmem_shared>>, %arg7: memref<2x5x80xi32, #tpu.memory_space<vmem>>, %arg8: memref<3x5x80xi32, #tpu.memory_space<vmem>>, %arg9: memref<5x80x8xf32, #tpu.memory_space<vmem>>, %arg10: memref<!tpu.dma_semaphore, #tpu.memory_space<semaphore_mem>>, %arg11: memref<!tpu.dma_semaphore, #tpu.memory_space<semaphore_mem>>, %arg12: memref<!tpu.dma_semaphore, #tpu.memory_space<semaphore_mem>>, %arg13: memref<!tpu.dma_semaphore, #tpu.memory_space<semaphore_mem>>, %arg14: memref<!tpu.dma_semaphore, #tpu.memory_space<semaphore_mem>>, %arg15: memref<!tpu.dma_semaphore, #tpu.memory_space<semaphore_mem>>, %arg16: memref<!tpu.dma_semaphore, #tpu.memory_space<semaphore_mem>>, %arg17: memref<!tpu.dma_semaphore, #tpu.memory_space<semaphore_mem>>, %arg18: memref<!tpu.dma_semaphore, #tpu.memory_space<semaphore_mem>>, %arg19: memref<!tpu.dma_semaphore, #tpu.memory_space<semaphore_mem>>, %arg20: memref<!tpu.dma_semaphore, #tpu.memory_space<semaphore_mem>>) attributes {dimension_semantics = [#tpu.dimension_semantics<core_parallel>, #tpu.dimension_semantics<subcore_parallel>], iteration_bounds = array<i64: 2, 16>, scalar_prefetch = 0 : i64, scratch_operands = 15 : i64, tpu.core_type = #tpu.core_type<sc_vector_subcore>, window_params = [{transform_indices = #map}, {transform_indices = #map1}, {transform_indices = #map}, {transform_indices = #map1}]} {
    %mul3A = arith.constant 16 : i32
    %mul3A_0 = arith.muli %arg0, %mul3A : i32
    %add3A = arith.addi %mul3A_0, %arg1 : i32
    %mul3A_1 = arith.constant 625 : i32
    %mul3A_2 = arith.muli %add3A, %mul3A_1 : i32
    %mul3A_3 = arith.constant 6250 : i32
    %mul3A_4 = arith.muli %arg1, %mul3A_3 : i32
    %mul3A_5 = arith.constant 6250 : i32
    %mul3A_6 = arith.muli %arg1, %mul3A_5 : i32
    "tpu.region"() ({
      %run_scoped3A = tpu.sem_alloc : memref<!tpu.dma_semaphore, #tpu.memory_space<semaphore_mem>>
      %dma_start3A_117 = arith.constant 0 : i32
      %dma_start3A_118 = tpu.memref_slice %arg6[%mul3A_6, %dma_start3A_117] : memref<100000x8xf32, #tpu.memory_space<vmem_shared>> -> memref<6250x8xf32, #tpu.memory_space<vmem_shared>>
      %dma_start3A_119 = arith.constant 0 : i32
      %dma_start3A_120 = tpu.memref_slice %arg4[%mul3A_4, %dma_start3A_119] : memref<100000x8xf32, #tpu.memory_space<hbm>> -> memref<6250x8xf32, #tpu.memory_space<hbm>>
      tpu.enqueue_dma source(%dma_start3A_120 : memref<6250x8xf32, #tpu.memory_space<hbm>>) target(%dma_start3A_118 : memref<6250x8xf32, #tpu.memory_space<vmem_shared>>) target_semaphore(%run_scoped3A : memref<!tpu.dma_semaphore, #tpu.memory_space<semaphore_mem>>)
      %dma_wait3A_121 = arith.constant 0 : i32
      %dma_wait3A_122 = tpu.memref_slice %arg6[%mul3A_6, %dma_wait3A_121] : memref<100000x8xf32, #tpu.memory_space<vmem_shared>> -> memref<6250x8xf32, #tpu.memory_space<vmem_shared>>
      %dma_wait3A_123 = arith.constant 0 : i32
      %dma_wait3A_124 = tpu.memref_slice %arg4[%mul3A_4, %dma_wait3A_123] : memref<100000x8xf32, #tpu.memory_space<hbm>> -> memref<6250x8xf32, #tpu.memory_space<hbm>>
      tpu.wait_dma2 semaphore(%run_scoped3A : memref<!tpu.dma_semaphore, #tpu.memory_space<semaphore_mem>>) src(%dma_wait3A_124 : memref<6250x8xf32, #tpu.memory_space<hbm>>) dst(%dma_wait3A_122 : memref<6250x8xf32, #tpu.memory_space<vmem_shared>>)
      tpu.yield
    }) : () -> ()
    %barrier3A = arith.constant 0 : index
    tpu.barrier barrier_id(%barrier3A)
    %add3A_7 = arith.constant 0 : i32
    %add3A_8 = arith.addi %mul3A_2, %add3A_7 : i32
    %rem3A = arith.constant 0 : i32
    %rem3A_9 = arith.constant 2 : i32
    %rem3A_10 = arith.remsi %rem3A, %rem3A_9 : i32
    %rem3A_11 = arith.constant 0 : i32
    %rem3A_12 = arith.constant 3 : i32
    %rem3A_13 = arith.remsi %rem3A_11, %rem3A_12 : i32
    %dma_start3A = arith.constant 0 : i32
    %dma_start3A_14 = arith.constant 0 : i32
    %dma_start3A_15 = arith.constant 0 : i32
    %dma_start3A_16 = tpu.memref_slice %arg7[%rem3A_10, %dma_start3A_14, %dma_start3A_15] : memref<2x5x80xi32, #tpu.memory_space<vmem>> -> memref<1x5x80xi32, #tpu.memory_space<vmem>>
    %dma_start3A_17 = tpu.memref_squeeze %dma_start3A_16 : memref<1x5x80xi32, #tpu.memory_space<vmem>> -> memref<5x80xi32, #tpu.memory_space<vmem>>
    %dma_start3A_18 = arith.constant 0 : i32
    %dma_start3A_19 = tpu.memref_slice %arg3[%dma_start3A, %add3A_8, %dma_start3A_18] : memref<2x20000x80xi32, #tpu.memory_space<hbm>> -> memref<1x5x80xi32, #tpu.memory_space<hbm>>
    %dma_start3A_20 = tpu.memref_squeeze %dma_start3A_19 : memref<1x5x80xi32, #tpu.memory_space<hbm>> -> memref<5x80xi32, #tpu.memory_space<hbm>>
    %dma_start3A_21 = arith.constant 0 : i32
    %dma_start3A_22 = arith.constant 0 : i32
    %dma_start3A_23 = tpu.memref_slice %arg7[%rem3A_10, %dma_start3A_21, %dma_start3A_22] : memref<2x5x80xi32, #tpu.memory_space<vmem>> -> memref<1x5x80xi32, #tpu.memory_space<vmem>>
    %dma_start3A_24 = tpu.memref_squeeze %dma_start3A_23 : memref<1x5x80xi32, #tpu.memory_space<vmem>> -> memref<5x80xi32, #tpu.memory_space<vmem>>
    %dma_start3A_25 = arith.constant 0 : i32
    %dma_start3A_26 = tpu.memref_slice %arg3[%dma_start3A, %add3A_8, %dma_start3A_25] : memref<2x20000x80xi32, #tpu.memory_space<hbm>> -> memref<1x5x80xi32, #tpu.memory_space<hbm>>
    %dma_start3A_27 = tpu.memref_squeeze %dma_start3A_26 : memref<1x5x80xi32, #tpu.memory_space<hbm>> -> memref<5x80xi32, #tpu.memory_space<hbm>>
    tpu.enqueue_dma source(%dma_start3A_27 : memref<5x80xi32, #tpu.memory_space<hbm>>) target(%dma_start3A_24 : memref<5x80xi32, #tpu.memory_space<vmem>>) target_semaphore(%arg10 : memref<!tpu.dma_semaphore, #tpu.memory_space<semaphore_mem>>)
    %dma_start3A_28 = arith.constant 1 : i32
    %dma_start3A_29 = arith.constant 0 : i32
    %dma_start3A_30 = arith.constant 0 : i32
    %dma_start3A_31 = tpu.memref_slice %arg8[%rem3A_13, %dma_start3A_29, %dma_start3A_30] : memref<3x5x80xi32, #tpu.memory_space<vmem>> -> memref<1x5x80xi32, #tpu.memory_space<vmem>>
    %dma_start3A_32 = tpu.memref_squeeze %dma_start3A_31 : memref<1x5x80xi32, #tpu.memory_space<vmem>> -> memref<5x80xi32, #tpu.memory_space<vmem>>
    %dma_start3A_33 = arith.constant 0 : i32
    %dma_start3A_34 = tpu.memref_slice %arg3[%dma_start3A_28, %add3A_8, %dma_start3A_33] : memref<2x20000x80xi32, #tpu.memory_space<hbm>> -> memref<1x5x80xi32, #tpu.memory_space<hbm>>
    %dma_start3A_35 = tpu.memref_squeeze %dma_start3A_34 : memref<1x5x80xi32, #tpu.memory_space<hbm>> -> memref<5x80xi32, #tpu.memory_space<hbm>>
    %dma_start3A_36 = arith.constant 0 : i32
    %dma_start3A_37 = arith.constant 0 : i32
    %dma_start3A_38 = tpu.memref_slice %arg8[%rem3A_13, %dma_start3A_36, %dma_start3A_37] : memref<3x5x80xi32, #tpu.memory_space<vmem>> -> memref<1x5x80xi32, #tpu.memory_space<vmem>>
    %dma_start3A_39 = tpu.memref_squeeze %dma_start3A_38 : memref<1x5x80xi32, #tpu.memory_space<vmem>> -> memref<5x80xi32, #tpu.memory_space<vmem>>
    %dma_start3A_40 = arith.constant 0 : i32
    %dma_start3A_41 = tpu.memref_slice %arg3[%dma_start3A_28, %add3A_8, %dma_start3A_40] : memref<2x20000x80xi32, #tpu.memory_space<hbm>> -> memref<1x5x80xi32, #tpu.memory_space<hbm>>
    %dma_start3A_42 = tpu.memref_squeeze %dma_start3A_41 : memref<1x5x80xi32, #tpu.memory_space<hbm>> -> memref<5x80xi32, #tpu.memory_space<hbm>>
    tpu.enqueue_dma source(%dma_start3A_42 : memref<5x80xi32, #tpu.memory_space<hbm>>) target(%dma_start3A_39 : memref<5x80xi32, #tpu.memory_space<vmem>>) target_semaphore(%arg10 : memref<!tpu.dma_semaphore, #tpu.memory_space<semaphore_mem>>)
    %scan3A = arith.constant 0 : i32
    %scan3A_43 = arith.constant 0 : i32
    %scan3A_44 = arith.constant 125 : i32
    %scan3A_45 = arith.addi %scan3A_43, %scan3A_44 : i32
    %scan3A_46 = arith.constant 1 : i32
    scf.for %scan3A_117 = %scan3A_43 to %scan3A_45 step %scan3A_46  : i32 {
      %rem3A_118 = arith.constant 2 : i32
      %rem3A_119 = arith.remsi %scan3A_117, %rem3A_118 : i32
      %rem3A_120 = arith.constant 3 : i32
      %rem3A_121 = arith.remsi %scan3A_117, %rem3A_120 : i32
      %add3A_122 = arith.constant 2 : i32
      %add3A_123 = arith.addi %scan3A_117, %add3A_122 : i32
      %rem3A_124 = arith.constant 3 : i32
      %rem3A_125 = arith.remsi %add3A_123, %rem3A_124 : i32
      %mul3A_126 = arith.constant 5 : i32
      %mul3A_127 = arith.muli %scan3A_117, %mul3A_126 : i32
      %add3A_128 = arith.addi %mul3A_2, %mul3A_127 : i32
      %rem3A_129 = arith.constant 2 : i32
      %rem3A_130 = arith.remsi %scan3A_117, %rem3A_129 : i32
      %rem3A_131 = arith.constant 3 : i32
      %rem3A_132 = arith.remsi %scan3A_117, %rem3A_131 : i32
      %dma_wait3A_133 = arith.constant 0 : i32
      %dma_wait3A_134 = arith.constant 0 : i32
      %dma_wait3A_135 = arith.constant 0 : i32
      %dma_wait3A_136 = tpu.memref_slice %arg7[%rem3A_130, %dma_wait3A_134, %dma_wait3A_135] : memref<2x5x80xi32, #tpu.memory_space<vmem>> -> memref<1x5x80xi32, #tpu.memory_space<vmem>>
      %dma_wait3A_137 = tpu.memref_squeeze %dma_wait3A_136 : memref<1x5x80xi32, #tpu.memory_space<vmem>> -> memref<5x80xi32, #tpu.memory_space<vmem>>
      %dma_wait3A_138 = arith.constant 0 : i32
      %dma_wait3A_139 = tpu.memref_slice %arg3[%dma_wait3A_133, %add3A_128, %dma_wait3A_138] : memref<2x20000x80xi32, #tpu.memory_space<hbm>> -> memref<1x5x80xi32, #tpu.memory_space<hbm>>
      %dma_wait3A_140 = tpu.memref_squeeze %dma_wait3A_139 : memref<1x5x80xi32, #tpu.memory_space<hbm>> -> memref<5x80xi32, #tpu.memory_space<hbm>>
      %dma_wait3A_141 = arith.constant 0 : i32
      %dma_wait3A_142 = arith.constant 0 : i32
      %dma_wait3A_143 = tpu.memref_slice %arg7[%rem3A_130, %dma_wait3A_141, %dma_wait3A_142] : memref<2x5x80xi32, #tpu.memory_space<vmem>> -> memref<1x5x80xi32, #tpu.memory_space<vmem>>
      %dma_wait3A_144 = tpu.memref_squeeze %dma_wait3A_143 : memref<1x5x80xi32, #tpu.memory_space<vmem>> -> memref<5x80xi32, #tpu.memory_space<vmem>>
      %dma_wait3A_145 = arith.constant 0 : i32
      %dma_wait3A_146 = tpu.memref_slice %arg3[%dma_wait3A_133, %add3A_128, %dma_wait3A_145] : memref<2x20000x80xi32, #tpu.memory_space<hbm>> -> memref<1x5x80xi32, #tpu.memory_space<hbm>>
      %dma_wait3A_147 = tpu.memref_squeeze %dma_wait3A_146 : memref<1x5x80xi32, #tpu.memory_space<hbm>> -> memref<5x80xi32, #tpu.memory_space<hbm>>
      tpu.wait_dma2 semaphore(%arg10 : memref<!tpu.dma_semaphore, #tpu.memory_space<semaphore_mem>>) src(%dma_wait3A_147 : memref<5x80xi32, #tpu.memory_space<hbm>>) dst(%dma_wait3A_144 : memref<5x80xi32, #tpu.memory_space<vmem>>)
      %dma_wait3A_148 = arith.constant 1 : i32
      %dma_wait3A_149 = arith.constant 0 : i32
      %dma_wait3A_150 = arith.constant 0 : i32
      %dma_wait3A_151 = tpu.memref_slice %arg8[%rem3A_132, %dma_wait3A_149, %dma_wait3A_150] : memref<3x5x80xi32, #tpu.memory_space<vmem>> -> memref<1x5x80xi32, #tpu.memory_space<vmem>>
      %dma_wait3A_152 = tpu.memref_squeeze %dma_wait3A_151 : memref<1x5x80xi32, #tpu.memory_space<vmem>> -> memref<5x80xi32, #tpu.memory_space<vmem>>
      %dma_wait3A_153 = arith.constant 0 : i32
      %dma_wait3A_154 = tpu.memref_slice %arg3[%dma_wait3A_148, %add3A_128, %dma_wait3A_153] : memref<2x20000x80xi32, #tpu.memory_space<hbm>> -> memref<1x5x80xi32, #tpu.memory_space<hbm>>
      %dma_wait3A_155 = tpu.memref_squeeze %dma_wait3A_154 : memref<1x5x80xi32, #tpu.memory_space<hbm>> -> memref<5x80xi32, #tpu.memory_space<hbm>>
      %dma_wait3A_156 = arith.constant 0 : i32
      %dma_wait3A_157 = arith.constant 0 : i32
      %dma_wait3A_158 = tpu.memref_slice %arg8[%rem3A_132, %dma_wait3A_156, %dma_wait3A_157] : memref<3x5x80xi32, #tpu.memory_space<vmem>> -> memref<1x5x80xi32, #tpu.memory_space<vmem>>
      %dma_wait3A_159 = tpu.memref_squeeze %dma_wait3A_158 : memref<1x5x80xi32, #tpu.memory_space<vmem>> -> memref<5x80xi32, #tpu.memory_space<vmem>>
      %dma_wait3A_160 = arith.constant 0 : i32
      %dma_wait3A_161 = tpu.memref_slice %arg3[%dma_wait3A_148, %add3A_128, %dma_wait3A_160] : memref<2x20000x80xi32, #tpu.memory_space<hbm>> -> memref<1x5x80xi32, #tpu.memory_space<hbm>>
      %dma_wait3A_162 = tpu.memref_squeeze %dma_wait3A_161 : memref<1x5x80xi32, #tpu.memory_space<hbm>> -> memref<5x80xi32, #tpu.memory_space<hbm>>
      tpu.wait_dma2 semaphore(%arg10 : memref<!tpu.dma_semaphore, #tpu.memory_space<semaphore_mem>>) src(%dma_wait3A_162 : memref<5x80xi32, #tpu.memory_space<hbm>>) dst(%dma_wait3A_159 : memref<5x80xi32, #tpu.memory_space<vmem>>)
      %add3A_163 = arith.constant 1 : i32
      %add3A_164 = arith.addi %scan3A_117, %add3A_163 : i32
      %lt3A = arith.constant 125 : i32
      %lt3A_165 = arith.cmpi slt, %add3A_164, %lt3A : i32
      %convert_element_type3A = arith.extui %lt3A_165 : i1 to i32
      %cond3A = arith.constant 0 : i32
      %cond3A_166 = arith.cmpi ne, %convert_element_type3A, %cond3A : i32
      scf.if %cond3A_166 {
        %add3A_371 = arith.constant 1 : i32
        %add3A_372 = arith.addi %scan3A_117, %add3A_371 : i32
        %mul3A_373 = arith.constant 5 : i32
        %mul3A_374 = arith.muli %add3A_372, %mul3A_373 : i32
        %add3A_375 = arith.addi %mul3A_2, %mul3A_374 : i32
        %rem3A_376 = arith.constant 2 : i32
        %rem3A_377 = arith.remsi %add3A_372, %rem3A_376 : i32
        %rem3A_378 = arith.constant 3 : i32
        %rem3A_379 = arith.remsi %add3A_372, %rem3A_378 : i32
        %dma_start3A_380 = arith.constant 0 : i32
        %dma_start3A_381 = arith.constant 0 : i32
        %dma_start3A_382 = arith.constant 0 : i32
        %dma_start3A_383 = tpu.memref_slice %arg7[%rem3A_377, %dma_start3A_381, %dma_start3A_382] : memref<2x5x80xi32, #tpu.memory_space<vmem>> -> memref<1x5x80xi32, #tpu.memory_space<vmem>>
        %dma_start3A_384 = tpu.memref_squeeze %dma_start3A_383 : memref<1x5x80xi32, #tpu.memory_space<vmem>> -> memref<5x80xi32, #tpu.memory_space<vmem>>
        %dma_start3A_385 = arith.constant 0 : i32
        %dma_start3A_386 = tpu.memref_slice %arg3[%dma_start3A_380, %add3A_375, %dma_start3A_385] : memref<2x20000x80xi32, #tpu.memory_space<hbm>> -> memref<1x5x80xi32, #tpu.memory_space<hbm>>
        %dma_start3A_387 = tpu.memref_squeeze %dma_start3A_386 : memref<1x5x80xi32, #tpu.memory_space<hbm>> -> memref<5x80xi32, #tpu.memory_space<hbm>>
        %dma_start3A_388 = arith.constant 0 : i32
        %dma_start3A_389 = arith.constant 0 : i32
        %dma_start3A_390 = tpu.memref_slice %arg7[%rem3A_377, %dma_start3A_388, %dma_start3A_389] : memref<2x5x80xi32, #tpu.memory_space<vmem>> -> memref<1x5x80xi32, #tpu.memory_space<vmem>>
        %dma_start3A_391 = tpu.memref_squeeze %dma_start3A_390 : memref<1x5x80xi32, #tpu.memory_space<vmem>> -> memref<5x80xi32, #tpu.memory_space<vmem>>
        %dma_start3A_392 = arith.constant 0 : i32
        %dma_start3A_393 = tpu.memref_slice %arg3[%dma_start3A_380, %add3A_375, %dma_start3A_392] : memref<2x20000x80xi32, #tpu.memory_space<hbm>> -> memref<1x5x80xi32, #tpu.memory_space<hbm>>
        %dma_start3A_394 = tpu.memref_squeeze %dma_start3A_393 : memref<1x5x80xi32, #tpu.memory_space<hbm>> -> memref<5x80xi32, #tpu.memory_space<hbm>>
        tpu.enqueue_dma source(%dma_start3A_394 : memref<5x80xi32, #tpu.memory_space<hbm>>) target(%dma_start3A_391 : memref<5x80xi32, #tpu.memory_space<vmem>>) target_semaphore(%arg10 : memref<!tpu.dma_semaphore, #tpu.memory_space<semaphore_mem>>)
        %dma_start3A_395 = arith.constant 1 : i32
        %dma_start3A_396 = arith.constant 0 : i32
        %dma_start3A_397 = arith.constant 0 : i32
        %dma_start3A_398 = tpu.memref_slice %arg8[%rem3A_379, %dma_start3A_396, %dma_start3A_397] : memref<3x5x80xi32, #tpu.memory_space<vmem>> -> memref<1x5x80xi32, #tpu.memory_space<vmem>>
        %dma_start3A_399 = tpu.memref_squeeze %dma_start3A_398 : memref<1x5x80xi32, #tpu.memory_space<vmem>> -> memref<5x80xi32, #tpu.memory_space<vmem>>
        %dma_start3A_400 = arith.constant 0 : i32
        %dma_start3A_401 = tpu.memref_slice %arg3[%dma_start3A_395, %add3A_375, %dma_start3A_400] : memref<2x20000x80xi32, #tpu.memory_space<hbm>> -> memref<1x5x80xi32, #tpu.memory_space<hbm>>
        %dma_start3A_402 = tpu.memref_squeeze %dma_start3A_401 : memref<1x5x80xi32, #tpu.memory_space<hbm>> -> memref<5x80xi32, #tpu.memory_space<hbm>>
        %dma_start3A_403 = arith.constant 0 : i32
        %dma_start3A_404 = arith.constant 0 : i32
        %dma_start3A_405 = tpu.memref_slice %arg8[%rem3A_379, %dma_start3A_403, %dma_start3A_404] : memref<3x5x80xi32, #tpu.memory_space<vmem>> -> memref<1x5x80xi32, #tpu.memory_space<vmem>>
        %dma_start3A_406 = tpu.memref_squeeze %dma_start3A_405 : memref<1x5x80xi32, #tpu.memory_space<vmem>> -> memref<5x80xi32, #tpu.memory_space<vmem>>
        %dma_start3A_407 = arith.constant 0 : i32
        %dma_start3A_408 = tpu.memref_slice %arg3[%dma_start3A_395, %add3A_375, %dma_start3A_407] : memref<2x20000x80xi32, #tpu.memory_space<hbm>> -> memref<1x5x80xi32, #tpu.memory_space<hbm>>
        %dma_start3A_409 = tpu.memref_squeeze %dma_start3A_408 : memref<1x5x80xi32, #tpu.memory_space<hbm>> -> memref<5x80xi32, #tpu.memory_space<hbm>>
        tpu.enqueue_dma source(%dma_start3A_409 : memref<5x80xi32, #tpu.memory_space<hbm>>) target(%dma_start3A_406 : memref<5x80xi32, #tpu.memory_space<vmem>>) target_semaphore(%arg10 : memref<!tpu.dma_semaphore, #tpu.memory_space<semaphore_mem>>)
      } else {
      }
      %gt3A = arith.constant 0 : i32
      %gt3A_167 = arith.cmpi sgt, %scan3A_117, %gt3A : i32
      %convert_element_type3A_168 = arith.extui %gt3A_167 : i1 to i32
      %cond3A_169 = arith.constant 0 : i32
      %cond3A_170 = arith.cmpi ne, %convert_element_type3A_168, %cond3A_169 : i32
      scf.if %cond3A_170 {
        %dma_wait3A_371 = arith.constant 0 : i32
        %dma_wait3A_372 = arith.constant 0 : i32
        %dma_wait3A_373 = arith.constant 0 : i32
        %dma_wait3A_374 = arith.constant 0 : i32
        %dma_wait3A_375 = tpu.memref_slice %arg9[%dma_wait3A_371, %dma_wait3A_373, %dma_wait3A_374] : memref<5x80x8xf32, #tpu.memory_space<vmem>> -> memref<1x80x8xf32, #tpu.memory_space<vmem>>
        %dma_wait3A_376 = tpu.memref_squeeze %dma_wait3A_375 : memref<1x80x8xf32, #tpu.memory_space<vmem>> -> memref<80x8xf32, #tpu.memory_space<vmem>>
        %dma_wait3A_377 = arith.constant 0 : i32
        %dma_wait3A_378 = tpu.memref_slice %arg8[%rem3A_125, %dma_wait3A_372, %dma_wait3A_377] : memref<3x5x80xi32, #tpu.memory_space<vmem>> -> memref<1x1x80xi32, #tpu.memory_space<vmem>>
        %dma_wait3A_379 = tpu.memref_squeeze %dma_wait3A_378 : memref<1x1x80xi32, #tpu.memory_space<vmem>> -> memref<80xi32, #tpu.memory_space<vmem>>
        %dma_wait3A_380 = arith.constant 0 : i32
        %dma_wait3A_381 = arith.constant 0 : i32
        %dma_wait3A_382 = tpu.memref_slice %arg6[%dma_wait3A_380, %dma_wait3A_381] : memref<100000x8xf32, #tpu.memory_space<vmem_shared>> -> memref<100000x8xf32, #tpu.memory_space<vmem_shared>>
        tpu.wait_indirect_dma semaphore(%arg16 : memref<!tpu.dma_semaphore, #tpu.memory_space<semaphore_mem>>) src(%dma_wait3A_376 : memref<80x8xf32, #tpu.memory_space<vmem>>) dst(%dma_wait3A_382 : memref<100000x8xf32, #tpu.memory_space<vmem_shared>>)
      } else {
      }
      %dma_start3A_171 = arith.constant 0 : i32
      %dma_start3A_172 = arith.constant 0 : i32
      %dma_start3A_173 = arith.constant 0 : i32
      %dma_start3A_174 = arith.constant 0 : i32
      %dma_start3A_175 = tpu.memref_slice %arg9[%dma_start3A_172, %dma_start3A_173, %dma_start3A_174] : memref<5x80x8xf32, #tpu.memory_space<vmem>> -> memref<1x80x8xf32, #tpu.memory_space<vmem>>
      %dma_start3A_176 = tpu.memref_squeeze %dma_start3A_175 : memref<1x80x8xf32, #tpu.memory_space<vmem>> -> memref<80x8xf32, #tpu.memory_space<vmem>>
      %dma_start3A_177 = arith.constant 0 : i32
      %dma_start3A_178 = tpu.memref_slice %arg7[%rem3A_119, %dma_start3A_171, %dma_start3A_177] : memref<2x5x80xi32, #tpu.memory_space<vmem>> -> memref<1x1x80xi32, #tpu.memory_space<vmem>>
      %dma_start3A_179 = tpu.memref_squeeze %dma_start3A_178 : memref<1x1x80xi32, #tpu.memory_space<vmem>> -> memref<80xi32, #tpu.memory_space<vmem>>
      %dma_start3A_180 = arith.constant 0 : i32
      %dma_start3A_181 = arith.constant 0 : i32
      %dma_start3A_182 = tpu.memref_slice %arg2[%dma_start3A_180, %dma_start3A_181] : memref<100000x8xf32, #tpu.memory_space<hbm>> -> memref<100000x8xf32, #tpu.memory_space<hbm>>
      tpu.enqueue_indirect_dma source(%dma_start3A_182 : memref<100000x8xf32, #tpu.memory_space<hbm>>) target(%dma_start3A_176 : memref<80x8xf32, #tpu.memory_space<vmem>>) offsets(%dma_start3A_179 : memref<80xi32, #tpu.memory_space<vmem>>) semaphore(%arg11 : memref<!tpu.dma_semaphore, #tpu.memory_space<semaphore_mem>>)
      %gt3A_183 = arith.constant 0 : i32
      %gt3A_184 = arith.cmpi sgt, %scan3A_117, %gt3A_183 : i32
      %convert_element_type3A_185 = arith.extui %gt3A_184 : i1 to i32
      %cond3A_186 = arith.constant 0 : i32
      %cond3A_187 = arith.cmpi ne, %convert_element_type3A_185, %cond3A_186 : i32
      scf.if %cond3A_187 {
        %dma_wait3A_371 = arith.constant 1 : i32
        %dma_wait3A_372 = arith.constant 1 : i32
        %dma_wait3A_373 = arith.constant 0 : i32
        %dma_wait3A_374 = arith.constant 0 : i32
        %dma_wait3A_375 = tpu.memref_slice %arg9[%dma_wait3A_371, %dma_wait3A_373, %dma_wait3A_374] : memref<5x80x8xf32, #tpu.memory_space<vmem>> -> memref<1x80x8xf32, #tpu.memory_space<vmem>>
        %dma_wait3A_376 = tpu.memref_squeeze %dma_wait3A_375 : memref<1x80x8xf32, #tpu.memory_space<vmem>> -> memref<80x8xf32, #tpu.memory_space<vmem>>
        %dma_wait3A_377 = arith.constant 0 : i32
        %dma_wait3A_378 = tpu.memref_slice %arg8[%rem3A_125, %dma_wait3A_372, %dma_wait3A_377] : memref<3x5x80xi32, #tpu.memory_space<vmem>> -> memref<1x1x80xi32, #tpu.memory_space<vmem>>
        %dma_wait3A_379 = tpu.memref_squeeze %dma_wait3A_378 : memref<1x1x80xi32, #tpu.memory_space<vmem>> -> memref<80xi32, #tpu.memory_space<vmem>>
        %dma_wait3A_380 = arith.constant 0 : i32
        %dma_wait3A_381 = arith.constant 0 : i32
        %dma_wait3A_382 = tpu.memref_slice %arg6[%dma_wait3A_380, %dma_wait3A_381] : memref<100000x8xf32, #tpu.memory_space<vmem_shared>> -> memref<100000x8xf32, #tpu.memory_space<vmem_shared>>
        tpu.wait_indirect_dma semaphore(%arg17 : memref<!tpu.dma_semaphore, #tpu.memory_space<semaphore_mem>>) src(%dma_wait3A_376 : memref<80x8xf32, #tpu.memory_space<vmem>>) dst(%dma_wait3A_382 : memref<100000x8xf32, #tpu.memory_space<vmem_shared>>)
      } else {
      }
      %dma_start3A_188 = arith.constant 1 : i32
      %dma_start3A_189 = arith.constant 1 : i32
      %dma_start3A_190 = arith.constant 0 : i32
      %dma_start3A_191 = arith.constant 0 : i32
      %dma_start3A_192 = tpu.memref_slice %arg9[%dma_start3A_189, %dma_start3A_190, %dma_start3A_191] : memref<5x80x8xf32, #tpu.memory_space<vmem>> -> memref<1x80x8xf32, #tpu.memory_space<vmem>>
      %dma_start3A_193 = tpu.memref_squeeze %dma_start3A_192 : memref<1x80x8xf32, #tpu.memory_space<vmem>> -> memref<80x8xf32, #tpu.memory_space<vmem>>
      %dma_start3A_194 = arith.constant 0 : i32
      %dma_start3A_195 = tpu.memref_slice %arg7[%rem3A_119, %dma_start3A_188, %dma_start3A_194] : memref<2x5x80xi32, #tpu.memory_space<vmem>> -> memref<1x1x80xi32, #tpu.memory_space<vmem>>
      %dma_start3A_196 = tpu.memref_squeeze %dma_start3A_195 : memref<1x1x80xi32, #tpu.memory_space<vmem>> -> memref<80xi32, #tpu.memory_space<vmem>>
      %dma_start3A_197 = arith.constant 0 : i32
      %dma_start3A_198 = arith.constant 0 : i32
      %dma_start3A_199 = tpu.memref_slice %arg2[%dma_start3A_197, %dma_start3A_198] : memref<100000x8xf32, #tpu.memory_space<hbm>> -> memref<100000x8xf32, #tpu.memory_space<hbm>>
      tpu.enqueue_indirect_dma source(%dma_start3A_199 : memref<100000x8xf32, #tpu.memory_space<hbm>>) target(%dma_start3A_193 : memref<80x8xf32, #tpu.memory_space<vmem>>) offsets(%dma_start3A_196 : memref<80xi32, #tpu.memory_space<vmem>>) semaphore(%arg12 : memref<!tpu.dma_semaphore, #tpu.memory_space<semaphore_mem>>)
      %gt3A_200 = arith.constant 0 : i32
      %gt3A_201 = arith.cmpi sgt, %scan3A_117, %gt3A_200 : i32
      %convert_element_type3A_202 = arith.extui %gt3A_201 : i1 to i32
      %cond3A_203 = arith.constant 0 : i32
      %cond3A_204 = arith.cmpi ne, %convert_element_type3A_202, %cond3A_203 : i32
      scf.if %cond3A_204 {
        %dma_wait3A_371 = arith.constant 2 : i32
        %dma_wait3A_372 = arith.constant 2 : i32
        %dma_wait3A_373 = arith.constant 0 : i32
        %dma_wait3A_374 = arith.constant 0 : i32
        %dma_wait3A_375 = tpu.memref_slice %arg9[%dma_wait3A_371, %dma_wait3A_373, %dma_wait3A_374] : memref<5x80x8xf32, #tpu.memory_space<vmem>> -> memref<1x80x8xf32, #tpu.memory_space<vmem>>
        %dma_wait3A_376 = tpu.memref_squeeze %dma_wait3A_375 : memref<1x80x8xf32, #tpu.memory_space<vmem>> -> memref<80x8xf32, #tpu.memory_space<vmem>>
        %dma_wait3A_377 = arith.constant 0 : i32
        %dma_wait3A_378 = tpu.memref_slice %arg8[%rem3A_125, %dma_wait3A_372, %dma_wait3A_377] : memref<3x5x80xi32, #tpu.memory_space<vmem>> -> memref<1x1x80xi32, #tpu.memory_space<vmem>>
        %dma_wait3A_379 = tpu.memref_squeeze %dma_wait3A_378 : memref<1x1x80xi32, #tpu.memory_space<vmem>> -> memref<80xi32, #tpu.memory_space<vmem>>
        %dma_wait3A_380 = arith.constant 0 : i32
        %dma_wait3A_381 = arith.constant 0 : i32
        %dma_wait3A_382 = tpu.memref_slice %arg6[%dma_wait3A_380, %dma_wait3A_381] : memref<100000x8xf32, #tpu.memory_space<vmem_shared>> -> memref<100000x8xf32, #tpu.memory_space<vmem_shared>>
        tpu.wait_indirect_dma semaphore(%arg18 : memref<!tpu.dma_semaphore, #tpu.memory_space<semaphore_mem>>) src(%dma_wait3A_376 : memref<80x8xf32, #tpu.memory_space<vmem>>) dst(%dma_wait3A_382 : memref<100000x8xf32, #tpu.memory_space<vmem_shared>>)
      } else {
      }
      %dma_start3A_205 = arith.constant 2 : i32
      %dma_start3A_206 = arith.constant 2 : i32
      %dma_start3A_207 = arith.constant 0 : i32
      %dma_start3A_208 = arith.constant 0 : i32
      %dma_start3A_209 = tpu.memref_slice %arg9[%dma_start3A_206, %dma_start3A_207, %dma_start3A_208] : memref<5x80x8xf32, #tpu.memory_space<vmem>> -> memref<1x80x8xf32, #tpu.memory_space<vmem>>
      %dma_start3A_210 = tpu.memref_squeeze %dma_start3A_209 : memref<1x80x8xf32, #tpu.memory_space<vmem>> -> memref<80x8xf32, #tpu.memory_space<vmem>>
      %dma_start3A_211 = arith.constant 0 : i32
      %dma_start3A_212 = tpu.memref_slice %arg7[%rem3A_119, %dma_start3A_205, %dma_start3A_211] : memref<2x5x80xi32, #tpu.memory_space<vmem>> -> memref<1x1x80xi32, #tpu.memory_space<vmem>>
      %dma_start3A_213 = tpu.memref_squeeze %dma_start3A_212 : memref<1x1x80xi32, #tpu.memory_space<vmem>> -> memref<80xi32, #tpu.memory_space<vmem>>
      %dma_start3A_214 = arith.constant 0 : i32
      %dma_start3A_215 = arith.constant 0 : i32
      %dma_start3A_216 = tpu.memref_slice %arg2[%dma_start3A_214, %dma_start3A_215] : memref<100000x8xf32, #tpu.memory_space<hbm>> -> memref<100000x8xf32, #tpu.memory_space<hbm>>
      tpu.enqueue_indirect_dma source(%dma_start3A_216 : memref<100000x8xf32, #tpu.memory_space<hbm>>) target(%dma_start3A_210 : memref<80x8xf32, #tpu.memory_space<vmem>>) offsets(%dma_start3A_213 : memref<80xi32, #tpu.memory_space<vmem>>) semaphore(%arg13 : memref<!tpu.dma_semaphore, #tpu.memory_space<semaphore_mem>>)
      %gt3A_217 = arith.constant 0 : i32
      %gt3A_218 = arith.cmpi sgt, %scan3A_117, %gt3A_217 : i32
      %convert_element_type3A_219 = arith.extui %gt3A_218 : i1 to i32
      %cond3A_220 = arith.constant 0 : i32
      %cond3A_221 = arith.cmpi ne, %convert_element_type3A_219, %cond3A_220 : i32
      scf.if %cond3A_221 {
        %dma_wait3A_371 = arith.constant 3 : i32
        %dma_wait3A_372 = arith.constant 3 : i32
        %dma_wait3A_373 = arith.constant 0 : i32
        %dma_wait3A_374 = arith.constant 0 : i32
        %dma_wait3A_375 = tpu.memref_slice %arg9[%dma_wait3A_371, %dma_wait3A_373, %dma_wait3A_374] : memref<5x80x8xf32, #tpu.memory_space<vmem>> -> memref<1x80x8xf32, #tpu.memory_space<vmem>>
        %dma_wait3A_376 = tpu.memref_squeeze %dma_wait3A_375 : memref<1x80x8xf32, #tpu.memory_space<vmem>> -> memref<80x8xf32, #tpu.memory_space<vmem>>
        %dma_wait3A_377 = arith.constant 0 : i32
        %dma_wait3A_378 = tpu.memref_slice %arg8[%rem3A_125, %dma_wait3A_372, %dma_wait3A_377] : memref<3x5x80xi32, #tpu.memory_space<vmem>> -> memref<1x1x80xi32, #tpu.memory_space<vmem>>
        %dma_wait3A_379 = tpu.memref_squeeze %dma_wait3A_378 : memref<1x1x80xi32, #tpu.memory_space<vmem>> -> memref<80xi32, #tpu.memory_space<vmem>>
        %dma_wait3A_380 = arith.constant 0 : i32
        %dma_wait3A_381 = arith.constant 0 : i32
        %dma_wait3A_382 = tpu.memref_slice %arg6[%dma_wait3A_380, %dma_wait3A_381] : memref<100000x8xf32, #tpu.memory_space<vmem_shared>> -> memref<100000x8xf32, #tpu.memory_space<vmem_shared>>
        tpu.wait_indirect_dma semaphore(%arg19 : memref<!tpu.dma_semaphore, #tpu.memory_space<semaphore_mem>>) src(%dma_wait3A_376 : memref<80x8xf32, #tpu.memory_space<vmem>>) dst(%dma_wait3A_382 : memref<100000x8xf32, #tpu.memory_space<vmem_shared>>)
      } else {
      }
      %dma_start3A_222 = arith.constant 3 : i32
      %dma_start3A_223 = arith.constant 3 : i32
      %dma_start3A_224 = arith.constant 0 : i32
      %dma_start3A_225 = arith.constant 0 : i32
      %dma_start3A_226 = tpu.memref_slice %arg9[%dma_start3A_223, %dma_start3A_224, %dma_start3A_225] : memref<5x80x8xf32, #tpu.memory_space<vmem>> -> memref<1x80x8xf32, #tpu.memory_space<vmem>>
      %dma_start3A_227 = tpu.memref_squeeze %dma_start3A_226 : memref<1x80x8xf32, #tpu.memory_space<vmem>> -> memref<80x8xf32, #tpu.memory_space<vmem>>
      %dma_start3A_228 = arith.constant 0 : i32
      %dma_start3A_229 = tpu.memref_slice %arg7[%rem3A_119, %dma_start3A_222, %dma_start3A_228] : memref<2x5x80xi32, #tpu.memory_space<vmem>> -> memref<1x1x80xi32, #tpu.memory_space<vmem>>
      %dma_start3A_230 = tpu.memref_squeeze %dma_start3A_229 : memref<1x1x80xi32, #tpu.memory_space<vmem>> -> memref<80xi32, #tpu.memory_space<vmem>>
      %dma_start3A_231 = arith.constant 0 : i32
      %dma_start3A_232 = arith.constant 0 : i32
      %dma_start3A_233 = tpu.memref_slice %arg2[%dma_start3A_231, %dma_start3A_232] : memref<100000x8xf32, #tpu.memory_space<hbm>> -> memref<100000x8xf32, #tpu.memory_space<hbm>>
      tpu.enqueue_indirect_dma source(%dma_start3A_233 : memref<100000x8xf32, #tpu.memory_space<hbm>>) target(%dma_start3A_227 : memref<80x8xf32, #tpu.memory_space<vmem>>) offsets(%dma_start3A_230 : memref<80xi32, #tpu.memory_space<vmem>>) semaphore(%arg14 : memref<!tpu.dma_semaphore, #tpu.memory_space<semaphore_mem>>)
      %gt3A_234 = arith.constant 0 : i32
      %gt3A_235 = arith.cmpi sgt, %scan3A_117, %gt3A_234 : i32
      %convert_element_type3A_236 = arith.extui %gt3A_235 : i1 to i32
      %cond3A_237 = arith.constant 0 : i32
      %cond3A_238 = arith.cmpi ne, %convert_element_type3A_236, %cond3A_237 : i32
      scf.if %cond3A_238 {
        %dma_wait3A_371 = arith.constant 4 : i32
        %dma_wait3A_372 = arith.constant 4 : i32
        %dma_wait3A_373 = arith.constant 0 : i32
        %dma_wait3A_374 = arith.constant 0 : i32
        %dma_wait3A_375 = tpu.memref_slice %arg9[%dma_wait3A_371, %dma_wait3A_373, %dma_wait3A_374] : memref<5x80x8xf32, #tpu.memory_space<vmem>> -> memref<1x80x8xf32, #tpu.memory_space<vmem>>
        %dma_wait3A_376 = tpu.memref_squeeze %dma_wait3A_375 : memref<1x80x8xf32, #tpu.memory_space<vmem>> -> memref<80x8xf32, #tpu.memory_space<vmem>>
        %dma_wait3A_377 = arith.constant 0 : i32
        %dma_wait3A_378 = tpu.memref_slice %arg8[%rem3A_125, %dma_wait3A_372, %dma_wait3A_377] : memref<3x5x80xi32, #tpu.memory_space<vmem>> -> memref<1x1x80xi32, #tpu.memory_space<vmem>>
        %dma_wait3A_379 = tpu.memref_squeeze %dma_wait3A_378 : memref<1x1x80xi32, #tpu.memory_space<vmem>> -> memref<80xi32, #tpu.memory_space<vmem>>
        %dma_wait3A_380 = arith.constant 0 : i32
        %dma_wait3A_381 = arith.constant 0 : i32
        %dma_wait3A_382 = tpu.memref_slice %arg6[%dma_wait3A_380, %dma_wait3A_381] : memref<100000x8xf32, #tpu.memory_space<vmem_shared>> -> memref<100000x8xf32, #tpu.memory_space<vmem_shared>>
        tpu.wait_indirect_dma semaphore(%arg20 : memref<!tpu.dma_semaphore, #tpu.memory_space<semaphore_mem>>) src(%dma_wait3A_376 : memref<80x8xf32, #tpu.memory_space<vmem>>) dst(%dma_wait3A_382 : memref<100000x8xf32, #tpu.memory_space<vmem_shared>>)
      } else {
      }
      %dma_start3A_239 = arith.constant 4 : i32
      %dma_start3A_240 = arith.constant 4 : i32
      %dma_start3A_241 = arith.constant 0 : i32
      %dma_start3A_242 = arith.constant 0 : i32
      %dma_start3A_243 = tpu.memref_slice %arg9[%dma_start3A_240, %dma_start3A_241, %dma_start3A_242] : memref<5x80x8xf32, #tpu.memory_space<vmem>> -> memref<1x80x8xf32, #tpu.memory_space<vmem>>
      %dma_start3A_244 = tpu.memref_squeeze %dma_start3A_243 : memref<1x80x8xf32, #tpu.memory_space<vmem>> -> memref<80x8xf32, #tpu.memory_space<vmem>>
      %dma_start3A_245 = arith.constant 0 : i32
      %dma_start3A_246 = tpu.memref_slice %arg7[%rem3A_119, %dma_start3A_239, %dma_start3A_245] : memref<2x5x80xi32, #tpu.memory_space<vmem>> -> memref<1x1x80xi32, #tpu.memory_space<vmem>>
      %dma_start3A_247 = tpu.memref_squeeze %dma_start3A_246 : memref<1x1x80xi32, #tpu.memory_space<vmem>> -> memref<80xi32, #tpu.memory_space<vmem>>
      %dma_start3A_248 = arith.constant 0 : i32
      %dma_start3A_249 = arith.constant 0 : i32
      %dma_start3A_250 = tpu.memref_slice %arg2[%dma_start3A_248, %dma_start3A_249] : memref<100000x8xf32, #tpu.memory_space<hbm>> -> memref<100000x8xf32, #tpu.memory_space<hbm>>
      tpu.enqueue_indirect_dma source(%dma_start3A_250 : memref<100000x8xf32, #tpu.memory_space<hbm>>) target(%dma_start3A_244 : memref<80x8xf32, #tpu.memory_space<vmem>>) offsets(%dma_start3A_247 : memref<80xi32, #tpu.memory_space<vmem>>) semaphore(%arg15 : memref<!tpu.dma_semaphore, #tpu.memory_space<semaphore_mem>>)
      %dma_wait3A_251 = arith.constant 0 : i32
      %dma_wait3A_252 = arith.constant 0 : i32
      %dma_wait3A_253 = arith.constant 0 : i32
      %dma_wait3A_254 = arith.constant 0 : i32
      %dma_wait3A_255 = tpu.memref_slice %arg9[%dma_wait3A_252, %dma_wait3A_253, %dma_wait3A_254] : memref<5x80x8xf32, #tpu.memory_space<vmem>> -> memref<1x80x8xf32, #tpu.memory_space<vmem>>
      %dma_wait3A_256 = tpu.memref_squeeze %dma_wait3A_255 : memref<1x80x8xf32, #tpu.memory_space<vmem>> -> memref<80x8xf32, #tpu.memory_space<vmem>>
      %dma_wait3A_257 = arith.constant 0 : i32
      %dma_wait3A_258 = tpu.memref_slice %arg7[%rem3A_119, %dma_wait3A_251, %dma_wait3A_257] : memref<2x5x80xi32, #tpu.memory_space<vmem>> -> memref<1x1x80xi32, #tpu.memory_space<vmem>>
      %dma_wait3A_259 = tpu.memref_squeeze %dma_wait3A_258 : memref<1x1x80xi32, #tpu.memory_space<vmem>> -> memref<80xi32, #tpu.memory_space<vmem>>
      %dma_wait3A_260 = arith.constant 0 : i32
      %dma_wait3A_261 = arith.constant 0 : i32
      %dma_wait3A_262 = tpu.memref_slice %arg2[%dma_wait3A_260, %dma_wait3A_261] : memref<100000x8xf32, #tpu.memory_space<hbm>> -> memref<100000x8xf32, #tpu.memory_space<hbm>>
      tpu.wait_indirect_dma semaphore(%arg11 : memref<!tpu.dma_semaphore, #tpu.memory_space<semaphore_mem>>) src(%dma_wait3A_262 : memref<100000x8xf32, #tpu.memory_space<hbm>>) dst(%dma_wait3A_256 : memref<80x8xf32, #tpu.memory_space<vmem>>)
      %dma_start3A_263 = arith.constant 0 : i32
      %dma_start3A_264 = arith.constant 0 : i32
      %dma_start3A_265 = arith.constant 0 : i32
      %dma_start3A_266 = arith.constant 0 : i32
      %dma_start3A_267 = tpu.memref_slice %arg9[%dma_start3A_263, %dma_start3A_265, %dma_start3A_266] : memref<5x80x8xf32, #tpu.memory_space<vmem>> -> memref<1x80x8xf32, #tpu.memory_space<vmem>>
      %dma_start3A_268 = tpu.memref_squeeze %dma_start3A_267 : memref<1x80x8xf32, #tpu.memory_space<vmem>> -> memref<80x8xf32, #tpu.memory_space<vmem>>
      %dma_start3A_269 = arith.constant 0 : i32
      %dma_start3A_270 = tpu.memref_slice %arg8[%rem3A_121, %dma_start3A_264, %dma_start3A_269] : memref<3x5x80xi32, #tpu.memory_space<vmem>> -> memref<1x1x80xi32, #tpu.memory_space<vmem>>
      %dma_start3A_271 = tpu.memref_squeeze %dma_start3A_270 : memref<1x1x80xi32, #tpu.memory_space<vmem>> -> memref<80xi32, #tpu.memory_space<vmem>>
      %dma_start3A_272 = arith.constant 0 : i32
      %dma_start3A_273 = arith.constant 0 : i32
      %dma_start3A_274 = tpu.memref_slice %arg6[%dma_start3A_272, %dma_start3A_273] : memref<100000x8xf32, #tpu.memory_space<vmem_shared>> -> memref<100000x8xf32, #tpu.memory_space<vmem_shared>>
      tpu.enqueue_indirect_dma source(%dma_start3A_268 : memref<80x8xf32, #tpu.memory_space<vmem>>) target(%dma_start3A_274 : memref<100000x8xf32, #tpu.memory_space<vmem_shared>>) offsets(%dma_start3A_271 : memref<80xi32, #tpu.memory_space<vmem>>) semaphore(%arg16 : memref<!tpu.dma_semaphore, #tpu.memory_space<semaphore_mem>>) {add = true}
      %dma_wait3A_275 = arith.constant 1 : i32
      %dma_wait3A_276 = arith.constant 1 : i32
      %dma_wait3A_277 = arith.constant 0 : i32
      %dma_wait3A_278 = arith.constant 0 : i32
      %dma_wait3A_279 = tpu.memref_slice %arg9[%dma_wait3A_276, %dma_wait3A_277, %dma_wait3A_278] : memref<5x80x8xf32, #tpu.memory_space<vmem>> -> memref<1x80x8xf32, #tpu.memory_space<vmem>>
      %dma_wait3A_280 = tpu.memref_squeeze %dma_wait3A_279 : memref<1x80x8xf32, #tpu.memory_space<vmem>> -> memref<80x8xf32, #tpu.memory_space<vmem>>
      %dma_wait3A_281 = arith.constant 0 : i32
      %dma_wait3A_282 = tpu.memref_slice %arg7[%rem3A_119, %dma_wait3A_275, %dma_wait3A_281] : memref<2x5x80xi32, #tpu.memory_space<vmem>> -> memref<1x1x80xi32, #tpu.memory_space<vmem>>
      %dma_wait3A_283 = tpu.memref_squeeze %dma_wait3A_282 : memref<1x1x80xi32, #tpu.memory_space<vmem>> -> memref<80xi32, #tpu.memory_space<vmem>>
      %dma_wait3A_284 = arith.constant 0 : i32
      %dma_wait3A_285 = arith.constant 0 : i32
      %dma_wait3A_286 = tpu.memref_slice %arg2[%dma_wait3A_284, %dma_wait3A_285] : memref<100000x8xf32, #tpu.memory_space<hbm>> -> memref<100000x8xf32, #tpu.memory_space<hbm>>
      tpu.wait_indirect_dma semaphore(%arg12 : memref<!tpu.dma_semaphore, #tpu.memory_space<semaphore_mem>>) src(%dma_wait3A_286 : memref<100000x8xf32, #tpu.memory_space<hbm>>) dst(%dma_wait3A_280 : memref<80x8xf32, #tpu.memory_space<vmem>>)
      %dma_start3A_287 = arith.constant 1 : i32
      %dma_start3A_288 = arith.constant 1 : i32
      %dma_start3A_289 = arith.constant 0 : i32
      %dma_start3A_290 = arith.constant 0 : i32
      %dma_start3A_291 = tpu.memref_slice %arg9[%dma_start3A_287, %dma_start3A_289, %dma_start3A_290] : memref<5x80x8xf32, #tpu.memory_space<vmem>> -> memref<1x80x8xf32, #tpu.memory_space<vmem>>
      %dma_start3A_292 = tpu.memref_squeeze %dma_start3A_291 : memref<1x80x8xf32, #tpu.memory_space<vmem>> -> memref<80x8xf32, #tpu.memory_space<vmem>>
      %dma_start3A_293 = arith.constant 0 : i32
      %dma_start3A_294 = tpu.memref_slice %arg8[%rem3A_121, %dma_start3A_288, %dma_start3A_293] : memref<3x5x80xi32, #tpu.memory_space<vmem>> -> memref<1x1x80xi32, #tpu.memory_space<vmem>>
      %dma_start3A_295 = tpu.memref_squeeze %dma_start3A_294 : memref<1x1x80xi32, #tpu.memory_space<vmem>> -> memref<80xi32, #tpu.memory_space<vmem>>
      %dma_start3A_296 = arith.constant 0 : i32
      %dma_start3A_297 = arith.constant 0 : i32
      %dma_start3A_298 = tpu.memref_slice %arg6[%dma_start3A_296, %dma_start3A_297] : memref<100000x8xf32, #tpu.memory_space<vmem_shared>> -> memref<100000x8xf32, #tpu.memory_space<vmem_shared>>
      tpu.enqueue_indirect_dma source(%dma_start3A_292 : memref<80x8xf32, #tpu.memory_space<vmem>>) target(%dma_start3A_298 : memref<100000x8xf32, #tpu.memory_space<vmem_shared>>) offsets(%dma_start3A_295 : memref<80xi32, #tpu.memory_space<vmem>>) semaphore(%arg17 : memref<!tpu.dma_semaphore, #tpu.memory_space<semaphore_mem>>) {add = true}
      %dma_wait3A_299 = arith.constant 2 : i32
      %dma_wait3A_300 = arith.constant 2 : i32
      %dma_wait3A_301 = arith.constant 0 : i32
      %dma_wait3A_302 = arith.constant 0 : i32
      %dma_wait3A_303 = tpu.memref_slice %arg9[%dma_wait3A_300, %dma_wait3A_301, %dma_wait3A_302] : memref<5x80x8xf32, #tpu.memory_space<vmem>> -> memref<1x80x8xf32, #tpu.memory_space<vmem>>
      %dma_wait3A_304 = tpu.memref_squeeze %dma_wait3A_303 : memref<1x80x8xf32, #tpu.memory_space<vmem>> -> memref<80x8xf32, #tpu.memory_space<vmem>>
      %dma_wait3A_305 = arith.constant 0 : i32
      %dma_wait3A_306 = tpu.memref_slice %arg7[%rem3A_119, %dma_wait3A_299, %dma_wait3A_305] : memref<2x5x80xi32, #tpu.memory_space<vmem>> -> memref<1x1x80xi32, #tpu.memory_space<vmem>>
      %dma_wait3A_307 = tpu.memref_squeeze %dma_wait3A_306 : memref<1x1x80xi32, #tpu.memory_space<vmem>> -> memref<80xi32, #tpu.memory_space<vmem>>
      %dma_wait3A_308 = arith.constant 0 : i32
      %dma_wait3A_309 = arith.constant 0 : i32
      %dma_wait3A_310 = tpu.memref_slice %arg2[%dma_wait3A_308, %dma_wait3A_309] : memref<100000x8xf32, #tpu.memory_space<hbm>> -> memref<100000x8xf32, #tpu.memory_space<hbm>>
      tpu.wait_indirect_dma semaphore(%arg13 : memref<!tpu.dma_semaphore, #tpu.memory_space<semaphore_mem>>) src(%dma_wait3A_310 : memref<100000x8xf32, #tpu.memory_space<hbm>>) dst(%dma_wait3A_304 : memref<80x8xf32, #tpu.memory_space<vmem>>)
      %dma_start3A_311 = arith.constant 2 : i32
      %dma_start3A_312 = arith.constant 2 : i32
      %dma_start3A_313 = arith.constant 0 : i32
      %dma_start3A_314 = arith.constant 0 : i32
      %dma_start3A_315 = tpu.memref_slice %arg9[%dma_start3A_311, %dma_start3A_313, %dma_start3A_314] : memref<5x80x8xf32, #tpu.memory_space<vmem>> -> memref<1x80x8xf32, #tpu.memory_space<vmem>>
      %dma_start3A_316 = tpu.memref_squeeze %dma_start3A_315 : memref<1x80x8xf32, #tpu.memory_space<vmem>> -> memref<80x8xf32, #tpu.memory_space<vmem>>
      %dma_start3A_317 = arith.constant 0 : i32
      %dma_start3A_318 = tpu.memref_slice %arg8[%rem3A_121, %dma_start3A_312, %dma_start3A_317] : memref<3x5x80xi32, #tpu.memory_space<vmem>> -> memref<1x1x80xi32, #tpu.memory_space<vmem>>
      %dma_start3A_319 = tpu.memref_squeeze %dma_start3A_318 : memref<1x1x80xi32, #tpu.memory_space<vmem>> -> memref<80xi32, #tpu.memory_space<vmem>>
      %dma_start3A_320 = arith.constant 0 : i32
      %dma_start3A_321 = arith.constant 0 : i32
      %dma_start3A_322 = tpu.memref_slice %arg6[%dma_start3A_320, %dma_start3A_321] : memref<100000x8xf32, #tpu.memory_space<vmem_shared>> -> memref<100000x8xf32, #tpu.memory_space<vmem_shared>>
      tpu.enqueue_indirect_dma source(%dma_start3A_316 : memref<80x8xf32, #tpu.memory_space<vmem>>) target(%dma_start3A_322 : memref<100000x8xf32, #tpu.memory_space<vmem_shared>>) offsets(%dma_start3A_319 : memref<80xi32, #tpu.memory_space<vmem>>) semaphore(%arg18 : memref<!tpu.dma_semaphore, #tpu.memory_space<semaphore_mem>>) {add = true}
      %dma_wait3A_323 = arith.constant 3 : i32
      %dma_wait3A_324 = arith.constant 3 : i32
      %dma_wait3A_325 = arith.constant 0 : i32
      %dma_wait3A_326 = arith.constant 0 : i32
      %dma_wait3A_327 = tpu.memref_slice %arg9[%dma_wait3A_324, %dma_wait3A_325, %dma_wait3A_326] : memref<5x80x8xf32, #tpu.memory_space<vmem>> -> memref<1x80x8xf32, #tpu.memory_space<vmem>>
      %dma_wait3A_328 = tpu.memref_squeeze %dma_wait3A_327 : memref<1x80x8xf32, #tpu.memory_space<vmem>> -> memref<80x8xf32, #tpu.memory_space<vmem>>
      %dma_wait3A_329 = arith.constant 0 : i32
      %dma_wait3A_330 = tpu.memref_slice %arg7[%rem3A_119, %dma_wait3A_323, %dma_wait3A_329] : memref<2x5x80xi32, #tpu.memory_space<vmem>> -> memref<1x1x80xi32, #tpu.memory_space<vmem>>
      %dma_wait3A_331 = tpu.memref_squeeze %dma_wait3A_330 : memref<1x1x80xi32, #tpu.memory_space<vmem>> -> memref<80xi32, #tpu.memory_space<vmem>>
      %dma_wait3A_332 = arith.constant 0 : i32
      %dma_wait3A_333 = arith.constant 0 : i32
      %dma_wait3A_334 = tpu.memref_slice %arg2[%dma_wait3A_332, %dma_wait3A_333] : memref<100000x8xf32, #tpu.memory_space<hbm>> -> memref<100000x8xf32, #tpu.memory_space<hbm>>
      tpu.wait_indirect_dma semaphore(%arg14 : memref<!tpu.dma_semaphore, #tpu.memory_space<semaphore_mem>>) src(%dma_wait3A_334 : memref<100000x8xf32, #tpu.memory_space<hbm>>) dst(%dma_wait3A_328 : memref<80x8xf32, #tpu.memory_space<vmem>>)
      %dma_start3A_335 = arith.constant 3 : i32
      %dma_start3A_336 = arith.constant 3 : i32
      %dma_start3A_337 = arith.constant 0 : i32
      %dma_start3A_338 = arith.constant 0 : i32
      %dma_start3A_339 = tpu.memref_slice %arg9[%dma_start3A_335, %dma_start3A_337, %dma_start3A_338] : memref<5x80x8xf32, #tpu.memory_space<vmem>> -> memref<1x80x8xf32, #tpu.memory_space<vmem>>
      %dma_start3A_340 = tpu.memref_squeeze %dma_start3A_339 : memref<1x80x8xf32, #tpu.memory_space<vmem>> -> memref<80x8xf32, #tpu.memory_space<vmem>>
      %dma_start3A_341 = arith.constant 0 : i32
      %dma_start3A_342 = tpu.memref_slice %arg8[%rem3A_121, %dma_start3A_336, %dma_start3A_341] : memref<3x5x80xi32, #tpu.memory_space<vmem>> -> memref<1x1x80xi32, #tpu.memory_space<vmem>>
      %dma_start3A_343 = tpu.memref_squeeze %dma_start3A_342 : memref<1x1x80xi32, #tpu.memory_space<vmem>> -> memref<80xi32, #tpu.memory_space<vmem>>
      %dma_start3A_344 = arith.constant 0 : i32
      %dma_start3A_345 = arith.constant 0 : i32
      %dma_start3A_346 = tpu.memref_slice %arg6[%dma_start3A_344, %dma_start3A_345] : memref<100000x8xf32, #tpu.memory_space<vmem_shared>> -> memref<100000x8xf32, #tpu.memory_space<vmem_shared>>
      tpu.enqueue_indirect_dma source(%dma_start3A_340 : memref<80x8xf32, #tpu.memory_space<vmem>>) target(%dma_start3A_346 : memref<100000x8xf32, #tpu.memory_space<vmem_shared>>) offsets(%dma_start3A_343 : memref<80xi32, #tpu.memory_space<vmem>>) semaphore(%arg19 : memref<!tpu.dma_semaphore, #tpu.memory_space<semaphore_mem>>) {add = true}
      %dma_wait3A_347 = arith.constant 4 : i32
      %dma_wait3A_348 = arith.constant 4 : i32
      %dma_wait3A_349 = arith.constant 0 : i32
      %dma_wait3A_350 = arith.constant 0 : i32
      %dma_wait3A_351 = tpu.memref_slice %arg9[%dma_wait3A_348, %dma_wait3A_349, %dma_wait3A_350] : memref<5x80x8xf32, #tpu.memory_space<vmem>> -> memref<1x80x8xf32, #tpu.memory_space<vmem>>
      %dma_wait3A_352 = tpu.memref_squeeze %dma_wait3A_351 : memref<1x80x8xf32, #tpu.memory_space<vmem>> -> memref<80x8xf32, #tpu.memory_space<vmem>>
      %dma_wait3A_353 = arith.constant 0 : i32
      %dma_wait3A_354 = tpu.memref_slice %arg7[%rem3A_119, %dma_wait3A_347, %dma_wait3A_353] : memref<2x5x80xi32, #tpu.memory_space<vmem>> -> memref<1x1x80xi32, #tpu.memory_space<vmem>>
      %dma_wait3A_355 = tpu.memref_squeeze %dma_wait3A_354 : memref<1x1x80xi32, #tpu.memory_space<vmem>> -> memref<80xi32, #tpu.memory_space<vmem>>
      %dma_wait3A_356 = arith.constant 0 : i32
      %dma_wait3A_357 = arith.constant 0 : i32
      %dma_wait3A_358 = tpu.memref_slice %arg2[%dma_wait3A_356, %dma_wait3A_357] : memref<100000x8xf32, #tpu.memory_space<hbm>> -> memref<100000x8xf32, #tpu.memory_space<hbm>>
      tpu.wait_indirect_dma semaphore(%arg15 : memref<!tpu.dma_semaphore, #tpu.memory_space<semaphore_mem>>) src(%dma_wait3A_358 : memref<100000x8xf32, #tpu.memory_space<hbm>>) dst(%dma_wait3A_352 : memref<80x8xf32, #tpu.memory_space<vmem>>)
      %dma_start3A_359 = arith.constant 4 : i32
      %dma_start3A_360 = arith.constant 4 : i32
      %dma_start3A_361 = arith.constant 0 : i32
      %dma_start3A_362 = arith.constant 0 : i32
      %dma_start3A_363 = tpu.memref_slice %arg9[%dma_start3A_359, %dma_start3A_361, %dma_start3A_362] : memref<5x80x8xf32, #tpu.memory_space<vmem>> -> memref<1x80x8xf32, #tpu.memory_space<vmem>>
      %dma_start3A_364 = tpu.memref_squeeze %dma_start3A_363 : memref<1x80x8xf32, #tpu.memory_space<vmem>> -> memref<80x8xf32, #tpu.memory_space<vmem>>
      %dma_start3A_365 = arith.constant 0 : i32
      %dma_start3A_366 = tpu.memref_slice %arg8[%rem3A_121, %dma_start3A_360, %dma_start3A_365] : memref<3x5x80xi32, #tpu.memory_space<vmem>> -> memref<1x1x80xi32, #tpu.memory_space<vmem>>
      %dma_start3A_367 = tpu.memref_squeeze %dma_start3A_366 : memref<1x1x80xi32, #tpu.memory_space<vmem>> -> memref<80xi32, #tpu.memory_space<vmem>>
      %dma_start3A_368 = arith.constant 0 : i32
      %dma_start3A_369 = arith.constant 0 : i32
      %dma_start3A_370 = tpu.memref_slice %arg6[%dma_start3A_368, %dma_start3A_369] : memref<100000x8xf32, #tpu.memory_space<vmem_shared>> -> memref<100000x8xf32, #tpu.memory_space<vmem_shared>>
      tpu.enqueue_indirect_dma source(%dma_start3A_364 : memref<80x8xf32, #tpu.memory_space<vmem>>) target(%dma_start3A_370 : memref<100000x8xf32, #tpu.memory_space<vmem_shared>>) offsets(%dma_start3A_367 : memref<80xi32, #tpu.memory_space<vmem>>) semaphore(%arg20 : memref<!tpu.dma_semaphore, #tpu.memory_space<semaphore_mem>>) {add = true}
    }
    %scan3A_47 = arith.constant 125 : i32
    %dma_wait3A = arith.constant 0 : i32
    %dma_wait3A_48 = arith.constant 1 : i32
    %dma_wait3A_49 = arith.constant 0 : i32
    %dma_wait3A_50 = arith.constant 0 : i32
    %dma_wait3A_51 = arith.constant 0 : i32
    %dma_wait3A_52 = tpu.memref_slice %arg9[%dma_wait3A, %dma_wait3A_50, %dma_wait3A_51] : memref<5x80x8xf32, #tpu.memory_space<vmem>> -> memref<1x80x8xf32, #tpu.memory_space<vmem>>
    %dma_wait3A_53 = tpu.memref_squeeze %dma_wait3A_52 : memref<1x80x8xf32, #tpu.memory_space<vmem>> -> memref<80x8xf32, #tpu.memory_space<vmem>>
    %dma_wait3A_54 = arith.constant 0 : i32
    %dma_wait3A_55 = tpu.memref_slice %arg8[%dma_wait3A_48, %dma_wait3A_49, %dma_wait3A_54] : memref<3x5x80xi32, #tpu.memory_space<vmem>> -> memref<1x1x80xi32, #tpu.memory_space<vmem>>
    %dma_wait3A_56 = tpu.memref_squeeze %dma_wait3A_55 : memref<1x1x80xi32, #tpu.memory_space<vmem>> -> memref<80xi32, #tpu.memory_space<vmem>>
    %dma_wait3A_57 = arith.constant 0 : i32
    %dma_wait3A_58 = arith.constant 0 : i32
    %dma_wait3A_59 = tpu.memref_slice %arg6[%dma_wait3A_57, %dma_wait3A_58] : memref<100000x8xf32, #tpu.memory_space<vmem_shared>> -> memref<100000x8xf32, #tpu.memory_space<vmem_shared>>
    tpu.wait_indirect_dma semaphore(%arg16 : memref<!tpu.dma_semaphore, #tpu.memory_space<semaphore_mem>>) src(%dma_wait3A_53 : memref<80x8xf32, #tpu.memory_space<vmem>>) dst(%dma_wait3A_59 : memref<100000x8xf32, #tpu.memory_space<vmem_shared>>)
    %dma_wait3A_60 = arith.constant 1 : i32
    %dma_wait3A_61 = arith.constant 1 : i32
    %dma_wait3A_62 = arith.constant 1 : i32
    %dma_wait3A_63 = arith.constant 0 : i32
    %dma_wait3A_64 = arith.constant 0 : i32
    %dma_wait3A_65 = tpu.memref_slice %arg9[%dma_wait3A_60, %dma_wait3A_63, %dma_wait3A_64] : memref<5x80x8xf32, #tpu.memory_space<vmem>> -> memref<1x80x8xf32, #tpu.memory_space<vmem>>
    %dma_wait3A_66 = tpu.memref_squeeze %dma_wait3A_65 : memref<1x80x8xf32, #tpu.memory_space<vmem>> -> memref<80x8xf32, #tpu.memory_space<vmem>>
    %dma_wait3A_67 = arith.constant 0 : i32
    %dma_wait3A_68 = tpu.memref_slice %arg8[%dma_wait3A_61, %dma_wait3A_62, %dma_wait3A_67] : memref<3x5x80xi32, #tpu.memory_space<vmem>> -> memref<1x1x80xi32, #tpu.memory_space<vmem>>
    %dma_wait3A_69 = tpu.memref_squeeze %dma_wait3A_68 : memref<1x1x80xi32, #tpu.memory_space<vmem>> -> memref<80xi32, #tpu.memory_space<vmem>>
    %dma_wait3A_70 = arith.constant 0 : i32
    %dma_wait3A_71 = arith.constant 0 : i32
    %dma_wait3A_72 = tpu.memref_slice %arg6[%dma_wait3A_70, %dma_wait3A_71] : memref<100000x8xf32, #tpu.memory_space<vmem_shared>> -> memref<100000x8xf32, #tpu.memory_space<vmem_shared>>
    tpu.wait_indirect_dma semaphore(%arg17 : memref<!tpu.dma_semaphore, #tpu.memory_space<semaphore_mem>>) src(%dma_wait3A_66 : memref<80x8xf32, #tpu.memory_space<vmem>>) dst(%dma_wait3A_72 : memref<100000x8xf32, #tpu.memory_space<vmem_shared>>)
    %dma_wait3A_73 = arith.constant 2 : i32
    %dma_wait3A_74 = arith.constant 1 : i32
    %dma_wait3A_75 = arith.constant 2 : i32
    %dma_wait3A_76 = arith.constant 0 : i32
    %dma_wait3A_77 = arith.constant 0 : i32
    %dma_wait3A_78 = tpu.memref_slice %arg9[%dma_wait3A_73, %dma_wait3A_76, %dma_wait3A_77] : memref<5x80x8xf32, #tpu.memory_space<vmem>> -> memref<1x80x8xf32, #tpu.memory_space<vmem>>
    %dma_wait3A_79 = tpu.memref_squeeze %dma_wait3A_78 : memref<1x80x8xf32, #tpu.memory_space<vmem>> -> memref<80x8xf32, #tpu.memory_space<vmem>>
    %dma_wait3A_80 = arith.constant 0 : i32
    %dma_wait3A_81 = tpu.memref_slice %arg8[%dma_wait3A_74, %dma_wait3A_75, %dma_wait3A_80] : memref<3x5x80xi32, #tpu.memory_space<vmem>> -> memref<1x1x80xi32, #tpu.memory_space<vmem>>
    %dma_wait3A_82 = tpu.memref_squeeze %dma_wait3A_81 : memref<1x1x80xi32, #tpu.memory_space<vmem>> -> memref<80xi32, #tpu.memory_space<vmem>>
    %dma_wait3A_83 = arith.constant 0 : i32
    %dma_wait3A_84 = arith.constant 0 : i32
    %dma_wait3A_85 = tpu.memref_slice %arg6[%dma_wait3A_83, %dma_wait3A_84] : memref<100000x8xf32, #tpu.memory_space<vmem_shared>> -> memref<100000x8xf32, #tpu.memory_space<vmem_shared>>
    tpu.wait_indirect_dma semaphore(%arg18 : memref<!tpu.dma_semaphore, #tpu.memory_space<semaphore_mem>>) src(%dma_wait3A_79 : memref<80x8xf32, #tpu.memory_space<vmem>>) dst(%dma_wait3A_85 : memref<100000x8xf32, #tpu.memory_space<vmem_shared>>)
    %dma_wait3A_86 = arith.constant 3 : i32
    %dma_wait3A_87 = arith.constant 1 : i32
    %dma_wait3A_88 = arith.constant 3 : i32
    %dma_wait3A_89 = arith.constant 0 : i32
    %dma_wait3A_90 = arith.constant 0 : i32
    %dma_wait3A_91 = tpu.memref_slice %arg9[%dma_wait3A_86, %dma_wait3A_89, %dma_wait3A_90] : memref<5x80x8xf32, #tpu.memory_space<vmem>> -> memref<1x80x8xf32, #tpu.memory_space<vmem>>
    %dma_wait3A_92 = tpu.memref_squeeze %dma_wait3A_91 : memref<1x80x8xf32, #tpu.memory_space<vmem>> -> memref<80x8xf32, #tpu.memory_space<vmem>>
    %dma_wait3A_93 = arith.constant 0 : i32
    %dma_wait3A_94 = tpu.memref_slice %arg8[%dma_wait3A_87, %dma_wait3A_88, %dma_wait3A_93] : memref<3x5x80xi32, #tpu.memory_space<vmem>> -> memref<1x1x80xi32, #tpu.memory_space<vmem>>
    %dma_wait3A_95 = tpu.memref_squeeze %dma_wait3A_94 : memref<1x1x80xi32, #tpu.memory_space<vmem>> -> memref<80xi32, #tpu.memory_space<vmem>>
    %dma_wait3A_96 = arith.constant 0 : i32
    %dma_wait3A_97 = arith.constant 0 : i32
    %dma_wait3A_98 = tpu.memref_slice %arg6[%dma_wait3A_96, %dma_wait3A_97] : memref<100000x8xf32, #tpu.memory_space<vmem_shared>> -> memref<100000x8xf32, #tpu.memory_space<vmem_shared>>
    tpu.wait_indirect_dma semaphore(%arg19 : memref<!tpu.dma_semaphore, #tpu.memory_space<semaphore_mem>>) src(%dma_wait3A_92 : memref<80x8xf32, #tpu.memory_space<vmem>>) dst(%dma_wait3A_98 : memref<100000x8xf32, #tpu.memory_space<vmem_shared>>)
    %dma_wait3A_99 = arith.constant 4 : i32
    %dma_wait3A_100 = arith.constant 1 : i32
    %dma_wait3A_101 = arith.constant 4 : i32
    %dma_wait3A_102 = arith.constant 0 : i32
    %dma_wait3A_103 = arith.constant 0 : i32
    %dma_wait3A_104 = tpu.memref_slice %arg9[%dma_wait3A_99, %dma_wait3A_102, %dma_wait3A_103] : memref<5x80x8xf32, #tpu.memory_space<vmem>> -> memref<1x80x8xf32, #tpu.memory_space<vmem>>
    %dma_wait3A_105 = tpu.memref_squeeze %dma_wait3A_104 : memref<1x80x8xf32, #tpu.memory_space<vmem>> -> memref<80x8xf32, #tpu.memory_space<vmem>>
    %dma_wait3A_106 = arith.constant 0 : i32
    %dma_wait3A_107 = tpu.memref_slice %arg8[%dma_wait3A_100, %dma_wait3A_101, %dma_wait3A_106] : memref<3x5x80xi32, #tpu.memory_space<vmem>> -> memref<1x1x80xi32, #tpu.memory_space<vmem>>
    %dma_wait3A_108 = tpu.memref_squeeze %dma_wait3A_107 : memref<1x1x80xi32, #tpu.memory_space<vmem>> -> memref<80xi32, #tpu.memory_space<vmem>>
    %dma_wait3A_109 = arith.constant 0 : i32
    %dma_wait3A_110 = arith.constant 0 : i32
    %dma_wait3A_111 = tpu.memref_slice %arg6[%dma_wait3A_109, %dma_wait3A_110] : memref<100000x8xf32, #tpu.memory_space<vmem_shared>> -> memref<100000x8xf32, #tpu.memory_space<vmem_shared>>
    tpu.wait_indirect_dma semaphore(%arg20 : memref<!tpu.dma_semaphore, #tpu.memory_space<semaphore_mem>>) src(%dma_wait3A_105 : memref<80x8xf32, #tpu.memory_space<vmem>>) dst(%dma_wait3A_111 : memref<100000x8xf32, #tpu.memory_space<vmem_shared>>)
    %barrier3A_112 = arith.constant 0 : index
    tpu.barrier barrier_id(%barrier3A_112)
    %mul3A_113 = arith.constant 6250 : i32
    %mul3A_114 = arith.muli %arg1, %mul3A_113 : i32
    %mul3A_115 = arith.constant 6250 : i32
    %mul3A_116 = arith.muli %arg1, %mul3A_115 : i32
    "tpu.region"() ({
      %run_scoped3A = tpu.sem_alloc : memref<!tpu.dma_semaphore, #tpu.memory_space<semaphore_mem>>
      %dma_start3A_117 = arith.constant 0 : i32
      %dma_start3A_118 = arith.constant 0 : i32
      %dma_start3A_119 = tpu.memref_slice %arg5[%arg0, %dma_start3A_117, %dma_start3A_118] : memref<2x100000x8xf32, #tpu.memory_space<hbm>> -> memref<1x100000x8xf32, #tpu.memory_space<hbm>>
      %dma_start3A_120 = tpu.memref_squeeze %dma_start3A_119 : memref<1x100000x8xf32, #tpu.memory_space<hbm>> -> memref<100000x8xf32, #tpu.memory_space<hbm>>
      %dma_start3A_121 = arith.constant 0 : i32
      %dma_start3A_122 = tpu.memref_slice %dma_start3A_120[%mul3A_116, %dma_start3A_121] : memref<100000x8xf32, #tpu.memory_space<hbm>> -> memref<6250x8xf32, #tpu.memory_space<hbm>>
      %dma_start3A_123 = arith.constant 0 : i32
      %dma_start3A_124 = tpu.memref_slice %arg6[%mul3A_114, %dma_start3A_123] : memref<100000x8xf32, #tpu.memory_space<vmem_shared>> -> memref<6250x8xf32, #tpu.memory_space<vmem_shared>>
      tpu.enqueue_dma source(%dma_start3A_124 : memref<6250x8xf32, #tpu.memory_space<vmem_shared>>) target(%dma_start3A_122 : memref<6250x8xf32, #tpu.memory_space<hbm>>) target_semaphore(%run_scoped3A : memref<!tpu.dma_semaphore, #tpu.memory_space<semaphore_mem>>)
      %dma_wait3A_125 = arith.constant 0 : i32
      %dma_wait3A_126 = arith.constant 0 : i32
      %dma_wait3A_127 = tpu.memref_slice %arg5[%arg0, %dma_wait3A_125, %dma_wait3A_126] : memref<2x100000x8xf32, #tpu.memory_space<hbm>> -> memref<1x100000x8xf32, #tpu.memory_space<hbm>>
      %dma_wait3A_128 = tpu.memref_squeeze %dma_wait3A_127 : memref<1x100000x8xf32, #tpu.memory_space<hbm>> -> memref<100000x8xf32, #tpu.memory_space<hbm>>
      %dma_wait3A_129 = arith.constant 0 : i32
      %dma_wait3A_130 = tpu.memref_slice %dma_wait3A_128[%mul3A_116, %dma_wait3A_129] : memref<100000x8xf32, #tpu.memory_space<hbm>> -> memref<6250x8xf32, #tpu.memory_space<hbm>>
      %dma_wait3A_131 = arith.constant 0 : i32
      %dma_wait3A_132 = tpu.memref_slice %arg6[%mul3A_114, %dma_wait3A_131] : memref<100000x8xf32, #tpu.memory_space<vmem_shared>> -> memref<6250x8xf32, #tpu.memory_space<vmem_shared>>
      tpu.wait_dma2 semaphore(%run_scoped3A : memref<!tpu.dma_semaphore, #tpu.memory_space<semaphore_mem>>) src(%dma_wait3A_132 : memref<6250x8xf32, #tpu.memory_space<vmem_shared>>) dst(%dma_wait3A_130 : memref<6250x8xf32, #tpu.memory_space<hbm>>)
      tpu.yield
    }) : () -> ()
    return
  }
}

#map = affine_map<(d0, d1) -> (0, 0)>
#map1 = affine_map<(d0, d1) -> (0, 0, 0)>
module attributes {stable_mosaic.version = 14 : i64} {
  func.func @agg(%arg0: i32, %arg1: i32, %arg2: memref<100000x8xf32, #tpu.memory_space<hbm>>, %arg3: memref<2x20000x80xi32, #tpu.memory_space<hbm>>, %arg4: memref<100000x8xf32, #tpu.memory_space<hbm>>, %arg5: memref<2x100000x8xf32, #tpu.memory_space<hbm>>, %arg6: memref<100000x8xf32, #tpu.memory_space<vmem_shared>>, %arg7: memref<2x5x80xi32, #tpu.memory_space<vmem>>, %arg8: memref<3x5x80xi32, #tpu.memory_space<vmem>>, %arg9: memref<5x80x8xf32, #tpu.memory_space<vmem>>, %arg10: memref<!tpu.dma_semaphore, #tpu.memory_space<semaphore_mem>>, %arg11: memref<!tpu.dma_semaphore, #tpu.memory_space<semaphore_mem>>, %arg12: memref<!tpu.dma_semaphore, #tpu.memory_space<semaphore_mem>>, %arg13: memref<!tpu.dma_semaphore, #tpu.memory_space<semaphore_mem>>, %arg14: memref<!tpu.dma_semaphore, #tpu.memory_space<semaphore_mem>>, %arg15: memref<!tpu.dma_semaphore, #tpu.memory_space<semaphore_mem>>, %arg16: memref<!tpu.dma_semaphore, #tpu.memory_space<semaphore_mem>>, %arg17: memref<!tpu.dma_semaphore, #tpu.memory_space<semaphore_mem>>, %arg18: memref<!tpu.dma_semaphore, #tpu.memory_space<semaphore_mem>>, %arg19: memref<!tpu.dma_semaphore, #tpu.memory_space<semaphore_mem>>, %arg20: memref<!tpu.dma_semaphore, #tpu.memory_space<semaphore_mem>>) attributes {dimension_semantics = [#tpu.dimension_semantics<core_parallel>, #tpu.dimension_semantics<subcore_parallel>], iteration_bounds = array<i64: 2, 16>, scalar_prefetch = 0 : i64, scratch_operands = 15 : i64, tpu.core_type = #tpu.core_type<sc_vector_subcore>, window_params = [{transform_indices = #map}, {transform_indices = #map1}, {transform_indices = #map}, {transform_indices = #map1}]} {
    %mul3A = arith.constant 16 : i32
    %mul3A_0 = arith.muli %arg0, %mul3A : i32
    %add3A = arith.addi %mul3A_0, %arg1 : i32
    %mul3A_1 = arith.constant 625 : i32
    %mul3A_2 = arith.muli %add3A, %mul3A_1 : i32
    %mul3A_3 = arith.constant 6250 : i32
    %mul3A_4 = arith.muli %arg1, %mul3A_3 : i32
    %mul3A_5 = arith.constant 6250 : i32
    %mul3A_6 = arith.muli %arg1, %mul3A_5 : i32
    "tpu.region"() ({
      %run_scoped3A = tpu.sem_alloc : memref<!tpu.dma_semaphore, #tpu.memory_space<semaphore_mem>>
      %dma_start3A_117 = arith.constant 0 : i32
      %dma_start3A_118 = tpu.memref_slice %arg6[%mul3A_6, %dma_start3A_117] : memref<100000x8xf32, #tpu.memory_space<vmem_shared>> -> memref<6250x8xf32, #tpu.memory_space<vmem_shared>>
      %dma_start3A_119 = arith.constant 0 : i32
      %dma_start3A_120 = tpu.memref_slice %arg4[%mul3A_4, %dma_start3A_119] : memref<100000x8xf32, #tpu.memory_space<hbm>> -> memref<6250x8xf32, #tpu.memory_space<hbm>>
      tpu.enqueue_dma source(%dma_start3A_120 : memref<6250x8xf32, #tpu.memory_space<hbm>>) target(%dma_start3A_118 : memref<6250x8xf32, #tpu.memory_space<vmem_shared>>) target_semaphore(%run_scoped3A : memref<!tpu.dma_semaphore, #tpu.memory_space<semaphore_mem>>)
      %dma_wait3A_121 = arith.constant 0 : i32
      %dma_wait3A_122 = tpu.memref_slice %arg6[%mul3A_6, %dma_wait3A_121] : memref<100000x8xf32, #tpu.memory_space<vmem_shared>> -> memref<6250x8xf32, #tpu.memory_space<vmem_shared>>
      %dma_wait3A_123 = arith.constant 0 : i32
      %dma_wait3A_124 = tpu.memref_slice %arg4[%mul3A_4, %dma_wait3A_123] : memref<100000x8xf32, #tpu.memory_space<hbm>> -> memref<6250x8xf32, #tpu.memory_space<hbm>>
      tpu.wait_dma2 semaphore(%run_scoped3A : memref<!tpu.dma_semaphore, #tpu.memory_space<semaphore_mem>>) src(%dma_wait3A_124 : memref<6250x8xf32, #tpu.memory_space<hbm>>) dst(%dma_wait3A_122 : memref<6250x8xf32, #tpu.memory_space<vmem_shared>>)
      tpu.yield
    }) : () -> ()
    %barrier3A = arith.constant 0 : index
    tpu.barrier barrier_id(%barrier3A)
    %add3A_7 = arith.constant 0 : i32
    %add3A_8 = arith.addi %mul3A_2, %add3A_7 : i32
    %rem3A = arith.constant 0 : i32
    %rem3A_9 = arith.constant 2 : i32
    %rem3A_10 = arith.remsi %rem3A, %rem3A_9 : i32
    %rem3A_11 = arith.constant 0 : i32
    %rem3A_12 = arith.constant 3 : i32
    %rem3A_13 = arith.remsi %rem3A_11, %rem3A_12 : i32
    %dma_start3A = arith.constant 0 : i32
    %dma_start3A_14 = arith.constant 0 : i32
    %dma_start3A_15 = arith.constant 0 : i32
    %dma_start3A_16 = tpu.memref_slice %arg7[%rem3A_10, %dma_start3A_14, %dma_start3A_15] : memref<2x5x80xi32, #tpu.memory_space<vmem>> -> memref<1x5x80xi32, #tpu.memory_space<vmem>>
    %dma_start3A_17 = tpu.memref_squeeze %dma_start3A_16 : memref<1x5x80xi32, #tpu.memory_space<vmem>> -> memref<5x80xi32, #tpu.memory_space<vmem>>
    %dma_start3A_18 = arith.constant 0 : i32
    %dma_start3A_19 = tpu.memref_slice %arg3[%dma_start3A, %add3A_8, %dma_start3A_18] : memref<2x20000x80xi32, #tpu.memory_space<hbm>> -> memref<1x5x80xi32, #tpu.memory_space<hbm>>
    %dma_start3A_20 = tpu.memref_squeeze %dma_start3A_19 : memref<1x5x80xi32, #tpu.memory_space<hbm>> -> memref<5x80xi32, #tpu.memory_space<hbm>>
    %dma_start3A_21 = arith.constant 0 : i32
    %dma_start3A_22 = arith.constant 0 : i32
    %dma_start3A_23 = tpu.memref_slice %arg7[%rem3A_10, %dma_start3A_21, %dma_start3A_22] : memref<2x5x80xi32, #tpu.memory_space<vmem>> -> memref<1x5x80xi32, #tpu.memory_space<vmem>>
    %dma_start3A_24 = tpu.memref_squeeze %dma_start3A_23 : memref<1x5x80xi32, #tpu.memory_space<vmem>> -> memref<5x80xi32, #tpu.memory_space<vmem>>
    %dma_start3A_25 = arith.constant 0 : i32
    %dma_start3A_26 = tpu.memref_slice %arg3[%dma_start3A, %add3A_8, %dma_start3A_25] : memref<2x20000x80xi32, #tpu.memory_space<hbm>> -> memref<1x5x80xi32, #tpu.memory_space<hbm>>
    %dma_start3A_27 = tpu.memref_squeeze %dma_start3A_26 : memref<1x5x80xi32, #tpu.memory_space<hbm>> -> memref<5x80xi32, #tpu.memory_space<hbm>>
    tpu.enqueue_dma source(%dma_start3A_27 : memref<5x80xi32, #tpu.memory_space<hbm>>) target(%dma_start3A_24 : memref<5x80xi32, #tpu.memory_space<vmem>>) target_semaphore(%arg10 : memref<!tpu.dma_semaphore, #tpu.memory_space<semaphore_mem>>)
    %dma_start3A_28 = arith.constant 1 : i32
    %dma_start3A_29 = arith.constant 0 : i32
    %dma_start3A_30 = arith.constant 0 : i32
    %dma_start3A_31 = tpu.memref_slice %arg8[%rem3A_13, %dma_start3A_29, %dma_start3A_30] : memref<3x5x80xi32, #tpu.memory_space<vmem>> -> memref<1x5x80xi32, #tpu.memory_space<vmem>>
    %dma_start3A_32 = tpu.memref_squeeze %dma_start3A_31 : memref<1x5x80xi32, #tpu.memory_space<vmem>> -> memref<5x80xi32, #tpu.memory_space<vmem>>
    %dma_start3A_33 = arith.constant 0 : i32
    %dma_start3A_34 = tpu.memref_slice %arg3[%dma_start3A_28, %add3A_8, %dma_start3A_33] : memref<2x20000x80xi32, #tpu.memory_space<hbm>> -> memref<1x5x80xi32, #tpu.memory_space<hbm>>
    %dma_start3A_35 = tpu.memref_squeeze %dma_start3A_34 : memref<1x5x80xi32, #tpu.memory_space<hbm>> -> memref<5x80xi32, #tpu.memory_space<hbm>>
    %dma_start3A_36 = arith.constant 0 : i32
    %dma_start3A_37 = arith.constant 0 : i32
    %dma_start3A_38 = tpu.memref_slice %arg8[%rem3A_13, %dma_start3A_36, %dma_start3A_37] : memref<3x5x80xi32, #tpu.memory_space<vmem>> -> memref<1x5x80xi32, #tpu.memory_space<vmem>>
    %dma_start3A_39 = tpu.memref_squeeze %dma_start3A_38 : memref<1x5x80xi32, #tpu.memory_space<vmem>> -> memref<5x80xi32, #tpu.memory_space<vmem>>
    %dma_start3A_40 = arith.constant 0 : i32
    %dma_start3A_41 = tpu.memref_slice %arg3[%dma_start3A_28, %add3A_8, %dma_start3A_40] : memref<2x20000x80xi32, #tpu.memory_space<hbm>> -> memref<1x5x80xi32, #tpu.memory_space<hbm>>
    %dma_start3A_42 = tpu.memref_squeeze %dma_start3A_41 : memref<1x5x80xi32, #tpu.memory_space<hbm>> -> memref<5x80xi32, #tpu.memory_space<hbm>>
    tpu.enqueue_dma source(%dma_start3A_42 : memref<5x80xi32, #tpu.memory_space<hbm>>) target(%dma_start3A_39 : memref<5x80xi32, #tpu.memory_space<vmem>>) target_semaphore(%arg10 : memref<!tpu.dma_semaphore, #tpu.memory_space<semaphore_mem>>)
    %scan3A = arith.constant 0 : i32
    %scan3A_43 = arith.constant 0 : i32
    %scan3A_44 = arith.constant 125 : i32
    %scan3A_45 = arith.addi %scan3A_43, %scan3A_44 : i32
    %scan3A_46 = arith.constant 1 : i32
    scf.for %scan3A_117 = %scan3A_43 to %scan3A_45 step %scan3A_46  : i32 {
      %rem3A_118 = arith.constant 2 : i32
      %rem3A_119 = arith.remsi %scan3A_117, %rem3A_118 : i32
      %rem3A_120 = arith.constant 3 : i32
      %rem3A_121 = arith.remsi %scan3A_117, %rem3A_120 : i32
      %add3A_122 = arith.constant 2 : i32
      %add3A_123 = arith.addi %scan3A_117, %add3A_122 : i32
      %rem3A_124 = arith.constant 3 : i32
      %rem3A_125 = arith.remsi %add3A_123, %rem3A_124 : i32
      %mul3A_126 = arith.constant 5 : i32
      %mul3A_127 = arith.muli %scan3A_117, %mul3A_126 : i32
      %add3A_128 = arith.addi %mul3A_2, %mul3A_127 : i32
      %rem3A_129 = arith.constant 2 : i32
      %rem3A_130 = arith.remsi %scan3A_117, %rem3A_129 : i32
      %rem3A_131 = arith.constant 3 : i32
      %rem3A_132 = arith.remsi %scan3A_117, %rem3A_131 : i32
      %dma_wait3A_133 = arith.constant 0 : i32
      %dma_wait3A_134 = arith.constant 0 : i32
      %dma_wait3A_135 = arith.constant 0 : i32
      %dma_wait3A_136 = tpu.memref_slice %arg7[%rem3A_130, %dma_wait3A_134, %dma_wait3A_135] : memref<2x5x80xi32, #tpu.memory_space<vmem>> -> memref<1x5x80xi32, #tpu.memory_space<vmem>>
      %dma_wait3A_137 = tpu.memref_squeeze %dma_wait3A_136 : memref<1x5x80xi32, #tpu.memory_space<vmem>> -> memref<5x80xi32, #tpu.memory_space<vmem>>
      %dma_wait3A_138 = arith.constant 0 : i32
      %dma_wait3A_139 = tpu.memref_slice %arg3[%dma_wait3A_133, %add3A_128, %dma_wait3A_138] : memref<2x20000x80xi32, #tpu.memory_space<hbm>> -> memref<1x5x80xi32, #tpu.memory_space<hbm>>
      %dma_wait3A_140 = tpu.memref_squeeze %dma_wait3A_139 : memref<1x5x80xi32, #tpu.memory_space<hbm>> -> memref<5x80xi32, #tpu.memory_space<hbm>>
      %dma_wait3A_141 = arith.constant 0 : i32
      %dma_wait3A_142 = arith.constant 0 : i32
      %dma_wait3A_143 = tpu.memref_slice %arg7[%rem3A_130, %dma_wait3A_141, %dma_wait3A_142] : memref<2x5x80xi32, #tpu.memory_space<vmem>> -> memref<1x5x80xi32, #tpu.memory_space<vmem>>
      %dma_wait3A_144 = tpu.memref_squeeze %dma_wait3A_143 : memref<1x5x80xi32, #tpu.memory_space<vmem>> -> memref<5x80xi32, #tpu.memory_space<vmem>>
      %dma_wait3A_145 = arith.constant 0 : i32
      %dma_wait3A_146 = tpu.memref_slice %arg3[%dma_wait3A_133, %add3A_128, %dma_wait3A_145] : memref<2x20000x80xi32, #tpu.memory_space<hbm>> -> memref<1x5x80xi32, #tpu.memory_space<hbm>>
      %dma_wait3A_147 = tpu.memref_squeeze %dma_wait3A_146 : memref<1x5x80xi32, #tpu.memory_space<hbm>> -> memref<5x80xi32, #tpu.memory_space<hbm>>
      tpu.wait_dma2 semaphore(%arg10 : memref<!tpu.dma_semaphore, #tpu.memory_space<semaphore_mem>>) src(%dma_wait3A_147 : memref<5x80xi32, #tpu.memory_space<hbm>>) dst(%dma_wait3A_144 : memref<5x80xi32, #tpu.memory_space<vmem>>)
      %dma_wait3A_148 = arith.constant 1 : i32
      %dma_wait3A_149 = arith.constant 0 : i32
      %dma_wait3A_150 = arith.constant 0 : i32
      %dma_wait3A_151 = tpu.memref_slice %arg8[%rem3A_132, %dma_wait3A_149, %dma_wait3A_150] : memref<3x5x80xi32, #tpu.memory_space<vmem>> -> memref<1x5x80xi32, #tpu.memory_space<vmem>>
      %dma_wait3A_152 = tpu.memref_squeeze %dma_wait3A_151 : memref<1x5x80xi32, #tpu.memory_space<vmem>> -> memref<5x80xi32, #tpu.memory_space<vmem>>
      %dma_wait3A_153 = arith.constant 0 : i32
      %dma_wait3A_154 = tpu.memref_slice %arg3[%dma_wait3A_148, %add3A_128, %dma_wait3A_153] : memref<2x20000x80xi32, #tpu.memory_space<hbm>> -> memref<1x5x80xi32, #tpu.memory_space<hbm>>
      %dma_wait3A_155 = tpu.memref_squeeze %dma_wait3A_154 : memref<1x5x80xi32, #tpu.memory_space<hbm>> -> memref<5x80xi32, #tpu.memory_space<hbm>>
      %dma_wait3A_156 = arith.constant 0 : i32
      %dma_wait3A_157 = arith.constant 0 : i32
      %dma_wait3A_158 = tpu.memref_slice %arg8[%rem3A_132, %dma_wait3A_156, %dma_wait3A_157] : memref<3x5x80xi32, #tpu.memory_space<vmem>> -> memref<1x5x80xi32, #tpu.memory_space<vmem>>
      %dma_wait3A_159 = tpu.memref_squeeze %dma_wait3A_158 : memref<1x5x80xi32, #tpu.memory_space<vmem>> -> memref<5x80xi32, #tpu.memory_space<vmem>>
      %dma_wait3A_160 = arith.constant 0 : i32
      %dma_wait3A_161 = tpu.memref_slice %arg3[%dma_wait3A_148, %add3A_128, %dma_wait3A_160] : memref<2x20000x80xi32, #tpu.memory_space<hbm>> -> memref<1x5x80xi32, #tpu.memory_space<hbm>>
      %dma_wait3A_162 = tpu.memref_squeeze %dma_wait3A_161 : memref<1x5x80xi32, #tpu.memory_space<hbm>> -> memref<5x80xi32, #tpu.memory_space<hbm>>
      tpu.wait_dma2 semaphore(%arg10 : memref<!tpu.dma_semaphore, #tpu.memory_space<semaphore_mem>>) src(%dma_wait3A_162 : memref<5x80xi32, #tpu.memory_space<hbm>>) dst(%dma_wait3A_159 : memref<5x80xi32, #tpu.memory_space<vmem>>)
      %add3A_163 = arith.constant 1 : i32
      %add3A_164 = arith.addi %scan3A_117, %add3A_163 : i32
      %lt3A = arith.constant 125 : i32
      %lt3A_165 = arith.cmpi slt, %add3A_164, %lt3A : i32
      %convert_element_type3A = arith.extui %lt3A_165 : i1 to i32
      %cond3A = arith.constant 0 : i32
      %cond3A_166 = arith.cmpi ne, %convert_element_type3A, %cond3A : i32
      scf.if %cond3A_166 {
        %add3A_371 = arith.constant 1 : i32
        %add3A_372 = arith.addi %scan3A_117, %add3A_371 : i32
        %mul3A_373 = arith.constant 5 : i32
        %mul3A_374 = arith.muli %add3A_372, %mul3A_373 : i32
        %add3A_375 = arith.addi %mul3A_2, %mul3A_374 : i32
        %rem3A_376 = arith.constant 2 : i32
        %rem3A_377 = arith.remsi %add3A_372, %rem3A_376 : i32
        %rem3A_378 = arith.constant 3 : i32
        %rem3A_379 = arith.remsi %add3A_372, %rem3A_378 : i32
        %dma_start3A_380 = arith.constant 0 : i32
        %dma_start3A_381 = arith.constant 0 : i32
        %dma_start3A_382 = arith.constant 0 : i32
        %dma_start3A_383 = tpu.memref_slice %arg7[%rem3A_377, %dma_start3A_381, %dma_start3A_382] : memref<2x5x80xi32, #tpu.memory_space<vmem>> -> memref<1x5x80xi32, #tpu.memory_space<vmem>>
        %dma_start3A_384 = tpu.memref_squeeze %dma_start3A_383 : memref<1x5x80xi32, #tpu.memory_space<vmem>> -> memref<5x80xi32, #tpu.memory_space<vmem>>
        %dma_start3A_385 = arith.constant 0 : i32
        %dma_start3A_386 = tpu.memref_slice %arg3[%dma_start3A_380, %add3A_375, %dma_start3A_385] : memref<2x20000x80xi32, #tpu.memory_space<hbm>> -> memref<1x5x80xi32, #tpu.memory_space<hbm>>
        %dma_start3A_387 = tpu.memref_squeeze %dma_start3A_386 : memref<1x5x80xi32, #tpu.memory_space<hbm>> -> memref<5x80xi32, #tpu.memory_space<hbm>>
        %dma_start3A_388 = arith.constant 0 : i32
        %dma_start3A_389 = arith.constant 0 : i32
        %dma_start3A_390 = tpu.memref_slice %arg7[%rem3A_377, %dma_start3A_388, %dma_start3A_389] : memref<2x5x80xi32, #tpu.memory_space<vmem>> -> memref<1x5x80xi32, #tpu.memory_space<vmem>>
        %dma_start3A_391 = tpu.memref_squeeze %dma_start3A_390 : memref<1x5x80xi32, #tpu.memory_space<vmem>> -> memref<5x80xi32, #tpu.memory_space<vmem>>
        %dma_start3A_392 = arith.constant 0 : i32
        %dma_start3A_393 = tpu.memref_slice %arg3[%dma_start3A_380, %add3A_375, %dma_start3A_392] : memref<2x20000x80xi32, #tpu.memory_space<hbm>> -> memref<1x5x80xi32, #tpu.memory_space<hbm>>
        %dma_start3A_394 = tpu.memref_squeeze %dma_start3A_393 : memref<1x5x80xi32, #tpu.memory_space<hbm>> -> memref<5x80xi32, #tpu.memory_space<hbm>>
        tpu.enqueue_dma source(%dma_start3A_394 : memref<5x80xi32, #tpu.memory_space<hbm>>) target(%dma_start3A_391 : memref<5x80xi32, #tpu.memory_space<vmem>>) target_semaphore(%arg10 : memref<!tpu.dma_semaphore, #tpu.memory_space<semaphore_mem>>)
        %dma_start3A_395 = arith.constant 1 : i32
        %dma_start3A_396 = arith.constant 0 : i32
        %dma_start3A_397 = arith.constant 0 : i32
        %dma_start3A_398 = tpu.memref_slice %arg8[%rem3A_379, %dma_start3A_396, %dma_start3A_397] : memref<3x5x80xi32, #tpu.memory_space<vmem>> -> memref<1x5x80xi32, #tpu.memory_space<vmem>>
        %dma_start3A_399 = tpu.memref_squeeze %dma_start3A_398 : memref<1x5x80xi32, #tpu.memory_space<vmem>> -> memref<5x80xi32, #tpu.memory_space<vmem>>
        %dma_start3A_400 = arith.constant 0 : i32
        %dma_start3A_401 = tpu.memref_slice %arg3[%dma_start3A_395, %add3A_375, %dma_start3A_400] : memref<2x20000x80xi32, #tpu.memory_space<hbm>> -> memref<1x5x80xi32, #tpu.memory_space<hbm>>
        %dma_start3A_402 = tpu.memref_squeeze %dma_start3A_401 : memref<1x5x80xi32, #tpu.memory_space<hbm>> -> memref<5x80xi32, #tpu.memory_space<hbm>>
        %dma_start3A_403 = arith.constant 0 : i32
        %dma_start3A_404 = arith.constant 0 : i32
        %dma_start3A_405 = tpu.memref_slice %arg8[%rem3A_379, %dma_start3A_403, %dma_start3A_404] : memref<3x5x80xi32, #tpu.memory_space<vmem>> -> memref<1x5x80xi32, #tpu.memory_space<vmem>>
        %dma_start3A_406 = tpu.memref_squeeze %dma_start3A_405 : memref<1x5x80xi32, #tpu.memory_space<vmem>> -> memref<5x80xi32, #tpu.memory_space<vmem>>
        %dma_start3A_407 = arith.constant 0 : i32
        %dma_start3A_408 = tpu.memref_slice %arg3[%dma_start3A_395, %add3A_375, %dma_start3A_407] : memref<2x20000x80xi32, #tpu.memory_space<hbm>> -> memref<1x5x80xi32, #tpu.memory_space<hbm>>
        %dma_start3A_409 = tpu.memref_squeeze %dma_start3A_408 : memref<1x5x80xi32, #tpu.memory_space<hbm>> -> memref<5x80xi32, #tpu.memory_space<hbm>>
        tpu.enqueue_dma source(%dma_start3A_409 : memref<5x80xi32, #tpu.memory_space<hbm>>) target(%dma_start3A_406 : memref<5x80xi32, #tpu.memory_space<vmem>>) target_semaphore(%arg10 : memref<!tpu.dma_semaphore, #tpu.memory_space<semaphore_mem>>)
      } else {
      }
      %gt3A = arith.constant 0 : i32
      %gt3A_167 = arith.cmpi sgt, %scan3A_117, %gt3A : i32
      %convert_element_type3A_168 = arith.extui %gt3A_167 : i1 to i32
      %cond3A_169 = arith.constant 0 : i32
      %cond3A_170 = arith.cmpi ne, %convert_element_type3A_168, %cond3A_169 : i32
      scf.if %cond3A_170 {
        %dma_wait3A_371 = arith.constant 0 : i32
        %dma_wait3A_372 = arith.constant 0 : i32
        %dma_wait3A_373 = arith.constant 0 : i32
        %dma_wait3A_374 = arith.constant 0 : i32
        %dma_wait3A_375 = tpu.memref_slice %arg9[%dma_wait3A_371, %dma_wait3A_373, %dma_wait3A_374] : memref<5x80x8xf32, #tpu.memory_space<vmem>> -> memref<1x80x8xf32, #tpu.memory_space<vmem>>
        %dma_wait3A_376 = tpu.memref_squeeze %dma_wait3A_375 : memref<1x80x8xf32, #tpu.memory_space<vmem>> -> memref<80x8xf32, #tpu.memory_space<vmem>>
        %dma_wait3A_377 = arith.constant 0 : i32
        %dma_wait3A_378 = tpu.memref_slice %arg8[%rem3A_125, %dma_wait3A_372, %dma_wait3A_377] : memref<3x5x80xi32, #tpu.memory_space<vmem>> -> memref<1x1x80xi32, #tpu.memory_space<vmem>>
        %dma_wait3A_379 = tpu.memref_squeeze %dma_wait3A_378 : memref<1x1x80xi32, #tpu.memory_space<vmem>> -> memref<80xi32, #tpu.memory_space<vmem>>
        %dma_wait3A_380 = arith.constant 0 : i32
        %dma_wait3A_381 = arith.constant 0 : i32
        %dma_wait3A_382 = tpu.memref_slice %arg6[%dma_wait3A_380, %dma_wait3A_381] : memref<100000x8xf32, #tpu.memory_space<vmem_shared>> -> memref<100000x8xf32, #tpu.memory_space<vmem_shared>>
        tpu.wait_indirect_dma semaphore(%arg16 : memref<!tpu.dma_semaphore, #tpu.memory_space<semaphore_mem>>) src(%dma_wait3A_376 : memref<80x8xf32, #tpu.memory_space<vmem>>) dst(%dma_wait3A_382 : memref<100000x8xf32, #tpu.memory_space<vmem_shared>>)
      } else {
      }
      %dma_start3A_171 = arith.constant 0 : i32
      %dma_start3A_172 = arith.constant 0 : i32
      %dma_start3A_173 = arith.constant 0 : i32
      %dma_start3A_174 = arith.constant 0 : i32
      %dma_start3A_175 = tpu.memref_slice %arg9[%dma_start3A_172, %dma_start3A_173, %dma_start3A_174] : memref<5x80x8xf32, #tpu.memory_space<vmem>> -> memref<1x80x8xf32, #tpu.memory_space<vmem>>
      %dma_start3A_176 = tpu.memref_squeeze %dma_start3A_175 : memref<1x80x8xf32, #tpu.memory_space<vmem>> -> memref<80x8xf32, #tpu.memory_space<vmem>>
      %dma_start3A_177 = arith.constant 0 : i32
      %dma_start3A_178 = tpu.memref_slice %arg7[%rem3A_119, %dma_start3A_171, %dma_start3A_177] : memref<2x5x80xi32, #tpu.memory_space<vmem>> -> memref<1x1x80xi32, #tpu.memory_space<vmem>>
      %dma_start3A_179 = tpu.memref_squeeze %dma_start3A_178 : memref<1x1x80xi32, #tpu.memory_space<vmem>> -> memref<80xi32, #tpu.memory_space<vmem>>
      %dma_start3A_180 = arith.constant 0 : i32
      %dma_start3A_181 = arith.constant 0 : i32
      %dma_start3A_182 = tpu.memref_slice %arg2[%dma_start3A_180, %dma_start3A_181] : memref<100000x8xf32, #tpu.memory_space<hbm>> -> memref<100000x8xf32, #tpu.memory_space<hbm>>
      tpu.enqueue_indirect_dma source(%dma_start3A_182 : memref<100000x8xf32, #tpu.memory_space<hbm>>) target(%dma_start3A_176 : memref<80x8xf32, #tpu.memory_space<vmem>>) offsets(%dma_start3A_179 : memref<80xi32, #tpu.memory_space<vmem>>) semaphore(%arg11 : memref<!tpu.dma_semaphore, #tpu.memory_space<semaphore_mem>>)
      %gt3A_183 = arith.constant 0 : i32
      %gt3A_184 = arith.cmpi sgt, %scan3A_117, %gt3A_183 : i32
      %convert_element_type3A_185 = arith.extui %gt3A_184 : i1 to i32
      %cond3A_186 = arith.constant 0 : i32
      %cond3A_187 = arith.cmpi ne, %convert_element_type3A_185, %cond3A_186 : i32
      scf.if %cond3A_187 {
        %dma_wait3A_371 = arith.constant 1 : i32
        %dma_wait3A_372 = arith.constant 1 : i32
        %dma_wait3A_373 = arith.constant 0 : i32
        %dma_wait3A_374 = arith.constant 0 : i32
        %dma_wait3A_375 = tpu.memref_slice %arg9[%dma_wait3A_371, %dma_wait3A_373, %dma_wait3A_374] : memref<5x80x8xf32, #tpu.memory_space<vmem>> -> memref<1x80x8xf32, #tpu.memory_space<vmem>>
        %dma_wait3A_376 = tpu.memref_squeeze %dma_wait3A_375 : memref<1x80x8xf32, #tpu.memory_space<vmem>> -> memref<80x8xf32, #tpu.memory_space<vmem>>
        %dma_wait3A_377 = arith.constant 0 : i32
        %dma_wait3A_378 = tpu.memref_slice %arg8[%rem3A_125, %dma_wait3A_372, %dma_wait3A_377] : memref<3x5x80xi32, #tpu.memory_space<vmem>> -> memref<1x1x80xi32, #tpu.memory_space<vmem>>
        %dma_wait3A_379 = tpu.memref_squeeze %dma_wait3A_378 : memref<1x1x80xi32, #tpu.memory_space<vmem>> -> memref<80xi32, #tpu.memory_space<vmem>>
        %dma_wait3A_380 = arith.constant 0 : i32
        %dma_wait3A_381 = arith.constant 0 : i32
        %dma_wait3A_382 = tpu.memref_slice %arg6[%dma_wait3A_380, %dma_wait3A_381] : memref<100000x8xf32, #tpu.memory_space<vmem_shared>> -> memref<100000x8xf32, #tpu.memory_space<vmem_shared>>
        tpu.wait_indirect_dma semaphore(%arg17 : memref<!tpu.dma_semaphore, #tpu.memory_space<semaphore_mem>>) src(%dma_wait3A_376 : memref<80x8xf32, #tpu.memory_space<vmem>>) dst(%dma_wait3A_382 : memref<100000x8xf32, #tpu.memory_space<vmem_shared>>)
      } else {
      }
      %dma_start3A_188 = arith.constant 1 : i32
      %dma_start3A_189 = arith.constant 1 : i32
      %dma_start3A_190 = arith.constant 0 : i32
      %dma_start3A_191 = arith.constant 0 : i32
      %dma_start3A_192 = tpu.memref_slice %arg9[%dma_start3A_189, %dma_start3A_190, %dma_start3A_191] : memref<5x80x8xf32, #tpu.memory_space<vmem>> -> memref<1x80x8xf32, #tpu.memory_space<vmem>>
      %dma_start3A_193 = tpu.memref_squeeze %dma_start3A_192 : memref<1x80x8xf32, #tpu.memory_space<vmem>> -> memref<80x8xf32, #tpu.memory_space<vmem>>
      %dma_start3A_194 = arith.constant 0 : i32
      %dma_start3A_195 = tpu.memref_slice %arg7[%rem3A_119, %dma_start3A_188, %dma_start3A_194] : memref<2x5x80xi32, #tpu.memory_space<vmem>> -> memref<1x1x80xi32, #tpu.memory_space<vmem>>
      %dma_start3A_196 = tpu.memref_squeeze %dma_start3A_195 : memref<1x1x80xi32, #tpu.memory_space<vmem>> -> memref<80xi32, #tpu.memory_space<vmem>>
      %dma_start3A_197 = arith.constant 0 : i32
      %dma_start3A_198 = arith.constant 0 : i32
      %dma_start3A_199 = tpu.memref_slice %arg2[%dma_start3A_197, %dma_start3A_198] : memref<100000x8xf32, #tpu.memory_space<hbm>> -> memref<100000x8xf32, #tpu.memory_space<hbm>>
      tpu.enqueue_indirect_dma source(%dma_start3A_199 : memref<100000x8xf32, #tpu.memory_space<hbm>>) target(%dma_start3A_193 : memref<80x8xf32, #tpu.memory_space<vmem>>) offsets(%dma_start3A_196 : memref<80xi32, #tpu.memory_space<vmem>>) semaphore(%arg12 : memref<!tpu.dma_semaphore, #tpu.memory_space<semaphore_mem>>)
      %gt3A_200 = arith.constant 0 : i32
      %gt3A_201 = arith.cmpi sgt, %scan3A_117, %gt3A_200 : i32
      %convert_element_type3A_202 = arith.extui %gt3A_201 : i1 to i32
      %cond3A_203 = arith.constant 0 : i32
      %cond3A_204 = arith.cmpi ne, %convert_element_type3A_202, %cond3A_203 : i32
      scf.if %cond3A_204 {
        %dma_wait3A_371 = arith.constant 2 : i32
        %dma_wait3A_372 = arith.constant 2 : i32
        %dma_wait3A_373 = arith.constant 0 : i32
        %dma_wait3A_374 = arith.constant 0 : i32
        %dma_wait3A_375 = tpu.memref_slice %arg9[%dma_wait3A_371, %dma_wait3A_373, %dma_wait3A_374] : memref<5x80x8xf32, #tpu.memory_space<vmem>> -> memref<1x80x8xf32, #tpu.memory_space<vmem>>
        %dma_wait3A_376 = tpu.memref_squeeze %dma_wait3A_375 : memref<1x80x8xf32, #tpu.memory_space<vmem>> -> memref<80x8xf32, #tpu.memory_space<vmem>>
        %dma_wait3A_377 = arith.constant 0 : i32
        %dma_wait3A_378 = tpu.memref_slice %arg8[%rem3A_125, %dma_wait3A_372, %dma_wait3A_377] : memref<3x5x80xi32, #tpu.memory_space<vmem>> -> memref<1x1x80xi32, #tpu.memory_space<vmem>>
        %dma_wait3A_379 = tpu.memref_squeeze %dma_wait3A_378 : memref<1x1x80xi32, #tpu.memory_space<vmem>> -> memref<80xi32, #tpu.memory_space<vmem>>
        %dma_wait3A_380 = arith.constant 0 : i32
        %dma_wait3A_381 = arith.constant 0 : i32
        %dma_wait3A_382 = tpu.memref_slice %arg6[%dma_wait3A_380, %dma_wait3A_381] : memref<100000x8xf32, #tpu.memory_space<vmem_shared>> -> memref<100000x8xf32, #tpu.memory_space<vmem_shared>>
        tpu.wait_indirect_dma semaphore(%arg18 : memref<!tpu.dma_semaphore, #tpu.memory_space<semaphore_mem>>) src(%dma_wait3A_376 : memref<80x8xf32, #tpu.memory_space<vmem>>) dst(%dma_wait3A_382 : memref<100000x8xf32, #tpu.memory_space<vmem_shared>>)
      } else {
      }
      %dma_start3A_205 = arith.constant 2 : i32
      %dma_start3A_206 = arith.constant 2 : i32
      %dma_start3A_207 = arith.constant 0 : i32
      %dma_start3A_208 = arith.constant 0 : i32
      %dma_start3A_209 = tpu.memref_slice %arg9[%dma_start3A_206, %dma_start3A_207, %dma_start3A_208] : memref<5x80x8xf32, #tpu.memory_space<vmem>> -> memref<1x80x8xf32, #tpu.memory_space<vmem>>
      %dma_start3A_210 = tpu.memref_squeeze %dma_start3A_209 : memref<1x80x8xf32, #tpu.memory_space<vmem>> -> memref<80x8xf32, #tpu.memory_space<vmem>>
      %dma_start3A_211 = arith.constant 0 : i32
      %dma_start3A_212 = tpu.memref_slice %arg7[%rem3A_119, %dma_start3A_205, %dma_start3A_211] : memref<2x5x80xi32, #tpu.memory_space<vmem>> -> memref<1x1x80xi32, #tpu.memory_space<vmem>>
      %dma_start3A_213 = tpu.memref_squeeze %dma_start3A_212 : memref<1x1x80xi32, #tpu.memory_space<vmem>> -> memref<80xi32, #tpu.memory_space<vmem>>
      %dma_start3A_214 = arith.constant 0 : i32
      %dma_start3A_215 = arith.constant 0 : i32
      %dma_start3A_216 = tpu.memref_slice %arg2[%dma_start3A_214, %dma_start3A_215] : memref<100000x8xf32, #tpu.memory_space<hbm>> -> memref<100000x8xf32, #tpu.memory_space<hbm>>
      tpu.enqueue_indirect_dma source(%dma_start3A_216 : memref<100000x8xf32, #tpu.memory_space<hbm>>) target(%dma_start3A_210 : memref<80x8xf32, #tpu.memory_space<vmem>>) offsets(%dma_start3A_213 : memref<80xi32, #tpu.memory_space<vmem>>) semaphore(%arg13 : memref<!tpu.dma_semaphore, #tpu.memory_space<semaphore_mem>>)
      %gt3A_217 = arith.constant 0 : i32
      %gt3A_218 = arith.cmpi sgt, %scan3A_117, %gt3A_217 : i32
      %convert_element_type3A_219 = arith.extui %gt3A_218 : i1 to i32
      %cond3A_220 = arith.constant 0 : i32
      %cond3A_221 = arith.cmpi ne, %convert_element_type3A_219, %cond3A_220 : i32
      scf.if %cond3A_221 {
        %dma_wait3A_371 = arith.constant 3 : i32
        %dma_wait3A_372 = arith.constant 3 : i32
        %dma_wait3A_373 = arith.constant 0 : i32
        %dma_wait3A_374 = arith.constant 0 : i32
        %dma_wait3A_375 = tpu.memref_slice %arg9[%dma_wait3A_371, %dma_wait3A_373, %dma_wait3A_374] : memref<5x80x8xf32, #tpu.memory_space<vmem>> -> memref<1x80x8xf32, #tpu.memory_space<vmem>>
        %dma_wait3A_376 = tpu.memref_squeeze %dma_wait3A_375 : memref<1x80x8xf32, #tpu.memory_space<vmem>> -> memref<80x8xf32, #tpu.memory_space<vmem>>
        %dma_wait3A_377 = arith.constant 0 : i32
        %dma_wait3A_378 = tpu.memref_slice %arg8[%rem3A_125, %dma_wait3A_372, %dma_wait3A_377] : memref<3x5x80xi32, #tpu.memory_space<vmem>> -> memref<1x1x80xi32, #tpu.memory_space<vmem>>
        %dma_wait3A_379 = tpu.memref_squeeze %dma_wait3A_378 : memref<1x1x80xi32, #tpu.memory_space<vmem>> -> memref<80xi32, #tpu.memory_space<vmem>>
        %dma_wait3A_380 = arith.constant 0 : i32
        %dma_wait3A_381 = arith.constant 0 : i32
        %dma_wait3A_382 = tpu.memref_slice %arg6[%dma_wait3A_380, %dma_wait3A_381] : memref<100000x8xf32, #tpu.memory_space<vmem_shared>> -> memref<100000x8xf32, #tpu.memory_space<vmem_shared>>
        tpu.wait_indirect_dma semaphore(%arg19 : memref<!tpu.dma_semaphore, #tpu.memory_space<semaphore_mem>>) src(%dma_wait3A_376 : memref<80x8xf32, #tpu.memory_space<vmem>>) dst(%dma_wait3A_382 : memref<100000x8xf32, #tpu.memory_space<vmem_shared>>)
      } else {
      }
      %dma_start3A_222 = arith.constant 3 : i32
      %dma_start3A_223 = arith.constant 3 : i32
      %dma_start3A_224 = arith.constant 0 : i32
      %dma_start3A_225 = arith.constant 0 : i32
      %dma_start3A_226 = tpu.memref_slice %arg9[%dma_start3A_223, %dma_start3A_224, %dma_start3A_225] : memref<5x80x8xf32, #tpu.memory_space<vmem>> -> memref<1x80x8xf32, #tpu.memory_space<vmem>>
      %dma_start3A_227 = tpu.memref_squeeze %dma_start3A_226 : memref<1x80x8xf32, #tpu.memory_space<vmem>> -> memref<80x8xf32, #tpu.memory_space<vmem>>
      %dma_start3A_228 = arith.constant 0 : i32
      %dma_start3A_229 = tpu.memref_slice %arg7[%rem3A_119, %dma_start3A_222, %dma_start3A_228] : memref<2x5x80xi32, #tpu.memory_space<vmem>> -> memref<1x1x80xi32, #tpu.memory_space<vmem>>
      %dma_start3A_230 = tpu.memref_squeeze %dma_start3A_229 : memref<1x1x80xi32, #tpu.memory_space<vmem>> -> memref<80xi32, #tpu.memory_space<vmem>>
      %dma_start3A_231 = arith.constant 0 : i32
      %dma_start3A_232 = arith.constant 0 : i32
      %dma_start3A_233 = tpu.memref_slice %arg2[%dma_start3A_231, %dma_start3A_232] : memref<100000x8xf32, #tpu.memory_space<hbm>> -> memref<100000x8xf32, #tpu.memory_space<hbm>>
      tpu.enqueue_indirect_dma source(%dma_start3A_233 : memref<100000x8xf32, #tpu.memory_space<hbm>>) target(%dma_start3A_227 : memref<80x8xf32, #tpu.memory_space<vmem>>) offsets(%dma_start3A_230 : memref<80xi32, #tpu.memory_space<vmem>>) semaphore(%arg14 : memref<!tpu.dma_semaphore, #tpu.memory_space<semaphore_mem>>)
      %gt3A_234 = arith.constant 0 : i32
      %gt3A_235 = arith.cmpi sgt, %scan3A_117, %gt3A_234 : i32
      %convert_element_type3A_236 = arith.extui %gt3A_235 : i1 to i32
      %cond3A_237 = arith.constant 0 : i32
      %cond3A_238 = arith.cmpi ne, %convert_element_type3A_236, %cond3A_237 : i32
      scf.if %cond3A_238 {
        %dma_wait3A_371 = arith.constant 4 : i32
        %dma_wait3A_372 = arith.constant 4 : i32
        %dma_wait3A_373 = arith.constant 0 : i32
        %dma_wait3A_374 = arith.constant 0 : i32
        %dma_wait3A_375 = tpu.memref_slice %arg9[%dma_wait3A_371, %dma_wait3A_373, %dma_wait3A_374] : memref<5x80x8xf32, #tpu.memory_space<vmem>> -> memref<1x80x8xf32, #tpu.memory_space<vmem>>
        %dma_wait3A_376 = tpu.memref_squeeze %dma_wait3A_375 : memref<1x80x8xf32, #tpu.memory_space<vmem>> -> memref<80x8xf32, #tpu.memory_space<vmem>>
        %dma_wait3A_377 = arith.constant 0 : i32
        %dma_wait3A_378 = tpu.memref_slice %arg8[%rem3A_125, %dma_wait3A_372, %dma_wait3A_377] : memref<3x5x80xi32, #tpu.memory_space<vmem>> -> memref<1x1x80xi32, #tpu.memory_space<vmem>>
        %dma_wait3A_379 = tpu.memref_squeeze %dma_wait3A_378 : memref<1x1x80xi32, #tpu.memory_space<vmem>> -> memref<80xi32, #tpu.memory_space<vmem>>
        %dma_wait3A_380 = arith.constant 0 : i32
        %dma_wait3A_381 = arith.constant 0 : i32
        %dma_wait3A_382 = tpu.memref_slice %arg6[%dma_wait3A_380, %dma_wait3A_381] : memref<100000x8xf32, #tpu.memory_space<vmem_shared>> -> memref<100000x8xf32, #tpu.memory_space<vmem_shared>>
        tpu.wait_indirect_dma semaphore(%arg20 : memref<!tpu.dma_semaphore, #tpu.memory_space<semaphore_mem>>) src(%dma_wait3A_376 : memref<80x8xf32, #tpu.memory_space<vmem>>) dst(%dma_wait3A_382 : memref<100000x8xf32, #tpu.memory_space<vmem_shared>>)
      } else {
      }
      %dma_start3A_239 = arith.constant 4 : i32
      %dma_start3A_240 = arith.constant 4 : i32
      %dma_start3A_241 = arith.constant 0 : i32
      %dma_start3A_242 = arith.constant 0 : i32
      %dma_start3A_243 = tpu.memref_slice %arg9[%dma_start3A_240, %dma_start3A_241, %dma_start3A_242] : memref<5x80x8xf32, #tpu.memory_space<vmem>> -> memref<1x80x8xf32, #tpu.memory_space<vmem>>
      %dma_start3A_244 = tpu.memref_squeeze %dma_start3A_243 : memref<1x80x8xf32, #tpu.memory_space<vmem>> -> memref<80x8xf32, #tpu.memory_space<vmem>>
      %dma_start3A_245 = arith.constant 0 : i32
      %dma_start3A_246 = tpu.memref_slice %arg7[%rem3A_119, %dma_start3A_239, %dma_start3A_245] : memref<2x5x80xi32, #tpu.memory_space<vmem>> -> memref<1x1x80xi32, #tpu.memory_space<vmem>>
      %dma_start3A_247 = tpu.memref_squeeze %dma_start3A_246 : memref<1x1x80xi32, #tpu.memory_space<vmem>> -> memref<80xi32, #tpu.memory_space<vmem>>
      %dma_start3A_248 = arith.constant 0 : i32
      %dma_start3A_249 = arith.constant 0 : i32
      %dma_start3A_250 = tpu.memref_slice %arg2[%dma_start3A_248, %dma_start3A_249] : memref<100000x8xf32, #tpu.memory_space<hbm>> -> memref<100000x8xf32, #tpu.memory_space<hbm>>
      tpu.enqueue_indirect_dma source(%dma_start3A_250 : memref<100000x8xf32, #tpu.memory_space<hbm>>) target(%dma_start3A_244 : memref<80x8xf32, #tpu.memory_space<vmem>>) offsets(%dma_start3A_247 : memref<80xi32, #tpu.memory_space<vmem>>) semaphore(%arg15 : memref<!tpu.dma_semaphore, #tpu.memory_space<semaphore_mem>>)
      %dma_wait3A_251 = arith.constant 0 : i32
      %dma_wait3A_252 = arith.constant 0 : i32
      %dma_wait3A_253 = arith.constant 0 : i32
      %dma_wait3A_254 = arith.constant 0 : i32
      %dma_wait3A_255 = tpu.memref_slice %arg9[%dma_wait3A_252, %dma_wait3A_253, %dma_wait3A_254] : memref<5x80x8xf32, #tpu.memory_space<vmem>> -> memref<1x80x8xf32, #tpu.memory_space<vmem>>
      %dma_wait3A_256 = tpu.memref_squeeze %dma_wait3A_255 : memref<1x80x8xf32, #tpu.memory_space<vmem>> -> memref<80x8xf32, #tpu.memory_space<vmem>>
      %dma_wait3A_257 = arith.constant 0 : i32
      %dma_wait3A_258 = tpu.memref_slice %arg7[%rem3A_119, %dma_wait3A_251, %dma_wait3A_257] : memref<2x5x80xi32, #tpu.memory_space<vmem>> -> memref<1x1x80xi32, #tpu.memory_space<vmem>>
      %dma_wait3A_259 = tpu.memref_squeeze %dma_wait3A_258 : memref<1x1x80xi32, #tpu.memory_space<vmem>> -> memref<80xi32, #tpu.memory_space<vmem>>
      %dma_wait3A_260 = arith.constant 0 : i32
      %dma_wait3A_261 = arith.constant 0 : i32
      %dma_wait3A_262 = tpu.memref_slice %arg2[%dma_wait3A_260, %dma_wait3A_261] : memref<100000x8xf32, #tpu.memory_space<hbm>> -> memref<100000x8xf32, #tpu.memory_space<hbm>>
      tpu.wait_indirect_dma semaphore(%arg11 : memref<!tpu.dma_semaphore, #tpu.memory_space<semaphore_mem>>) src(%dma_wait3A_262 : memref<100000x8xf32, #tpu.memory_space<hbm>>) dst(%dma_wait3A_256 : memref<80x8xf32, #tpu.memory_space<vmem>>)
      %dma_start3A_263 = arith.constant 0 : i32
      %dma_start3A_264 = arith.constant 0 : i32
      %dma_start3A_265 = arith.constant 0 : i32
      %dma_start3A_266 = arith.constant 0 : i32
      %dma_start3A_267 = tpu.memref_slice %arg9[%dma_start3A_263, %dma_start3A_265, %dma_start3A_266] : memref<5x80x8xf32, #tpu.memory_space<vmem>> -> memref<1x80x8xf32, #tpu.memory_space<vmem>>
      %dma_start3A_268 = tpu.memref_squeeze %dma_start3A_267 : memref<1x80x8xf32, #tpu.memory_space<vmem>> -> memref<80x8xf32, #tpu.memory_space<vmem>>
      %dma_start3A_269 = arith.constant 0 : i32
      %dma_start3A_270 = tpu.memref_slice %arg8[%rem3A_121, %dma_start3A_264, %dma_start3A_269] : memref<3x5x80xi32, #tpu.memory_space<vmem>> -> memref<1x1x80xi32, #tpu.memory_space<vmem>>
      %dma_start3A_271 = tpu.memref_squeeze %dma_start3A_270 : memref<1x1x80xi32, #tpu.memory_space<vmem>> -> memref<80xi32, #tpu.memory_space<vmem>>
      %dma_start3A_272 = arith.constant 0 : i32
      %dma_start3A_273 = arith.constant 0 : i32
      %dma_start3A_274 = tpu.memref_slice %arg6[%dma_start3A_272, %dma_start3A_273] : memref<100000x8xf32, #tpu.memory_space<vmem_shared>> -> memref<100000x8xf32, #tpu.memory_space<vmem_shared>>
      tpu.enqueue_indirect_dma source(%dma_start3A_268 : memref<80x8xf32, #tpu.memory_space<vmem>>) target(%dma_start3A_274 : memref<100000x8xf32, #tpu.memory_space<vmem_shared>>) offsets(%dma_start3A_271 : memref<80xi32, #tpu.memory_space<vmem>>) semaphore(%arg16 : memref<!tpu.dma_semaphore, #tpu.memory_space<semaphore_mem>>) {add = true}
      %dma_wait3A_275 = arith.constant 1 : i32
      %dma_wait3A_276 = arith.constant 1 : i32
      %dma_wait3A_277 = arith.constant 0 : i32
      %dma_wait3A_278 = arith.constant 0 : i32
      %dma_wait3A_279 = tpu.memref_slice %arg9[%dma_wait3A_276, %dma_wait3A_277, %dma_wait3A_278] : memref<5x80x8xf32, #tpu.memory_space<vmem>> -> memref<1x80x8xf32, #tpu.memory_space<vmem>>
      %dma_wait3A_280 = tpu.memref_squeeze %dma_wait3A_279 : memref<1x80x8xf32, #tpu.memory_space<vmem>> -> memref<80x8xf32, #tpu.memory_space<vmem>>
      %dma_wait3A_281 = arith.constant 0 : i32
      %dma_wait3A_282 = tpu.memref_slice %arg7[%rem3A_119, %dma_wait3A_275, %dma_wait3A_281] : memref<2x5x80xi32, #tpu.memory_space<vmem>> -> memref<1x1x80xi32, #tpu.memory_space<vmem>>
      %dma_wait3A_283 = tpu.memref_squeeze %dma_wait3A_282 : memref<1x1x80xi32, #tpu.memory_space<vmem>> -> memref<80xi32, #tpu.memory_space<vmem>>
      %dma_wait3A_284 = arith.constant 0 : i32
      %dma_wait3A_285 = arith.constant 0 : i32
      %dma_wait3A_286 = tpu.memref_slice %arg2[%dma_wait3A_284, %dma_wait3A_285] : memref<100000x8xf32, #tpu.memory_space<hbm>> -> memref<100000x8xf32, #tpu.memory_space<hbm>>
      tpu.wait_indirect_dma semaphore(%arg12 : memref<!tpu.dma_semaphore, #tpu.memory_space<semaphore_mem>>) src(%dma_wait3A_286 : memref<100000x8xf32, #tpu.memory_space<hbm>>) dst(%dma_wait3A_280 : memref<80x8xf32, #tpu.memory_space<vmem>>)
      %dma_start3A_287 = arith.constant 1 : i32
      %dma_start3A_288 = arith.constant 1 : i32
      %dma_start3A_289 = arith.constant 0 : i32
      %dma_start3A_290 = arith.constant 0 : i32
      %dma_start3A_291 = tpu.memref_slice %arg9[%dma_start3A_287, %dma_start3A_289, %dma_start3A_290] : memref<5x80x8xf32, #tpu.memory_space<vmem>> -> memref<1x80x8xf32, #tpu.memory_space<vmem>>
      %dma_start3A_292 = tpu.memref_squeeze %dma_start3A_291 : memref<1x80x8xf32, #tpu.memory_space<vmem>> -> memref<80x8xf32, #tpu.memory_space<vmem>>
      %dma_start3A_293 = arith.constant 0 : i32
      %dma_start3A_294 = tpu.memref_slice %arg8[%rem3A_121, %dma_start3A_288, %dma_start3A_293] : memref<3x5x80xi32, #tpu.memory_space<vmem>> -> memref<1x1x80xi32, #tpu.memory_space<vmem>>
      %dma_start3A_295 = tpu.memref_squeeze %dma_start3A_294 : memref<1x1x80xi32, #tpu.memory_space<vmem>> -> memref<80xi32, #tpu.memory_space<vmem>>
      %dma_start3A_296 = arith.constant 0 : i32
      %dma_start3A_297 = arith.constant 0 : i32
      %dma_start3A_298 = tpu.memref_slice %arg6[%dma_start3A_296, %dma_start3A_297] : memref<100000x8xf32, #tpu.memory_space<vmem_shared>> -> memref<100000x8xf32, #tpu.memory_space<vmem_shared>>
      tpu.enqueue_indirect_dma source(%dma_start3A_292 : memref<80x8xf32, #tpu.memory_space<vmem>>) target(%dma_start3A_298 : memref<100000x8xf32, #tpu.memory_space<vmem_shared>>) offsets(%dma_start3A_295 : memref<80xi32, #tpu.memory_space<vmem>>) semaphore(%arg17 : memref<!tpu.dma_semaphore, #tpu.memory_space<semaphore_mem>>) {add = true}
      %dma_wait3A_299 = arith.constant 2 : i32
      %dma_wait3A_300 = arith.constant 2 : i32
      %dma_wait3A_301 = arith.constant 0 : i32
      %dma_wait3A_302 = arith.constant 0 : i32
      %dma_wait3A_303 = tpu.memref_slice %arg9[%dma_wait3A_300, %dma_wait3A_301, %dma_wait3A_302] : memref<5x80x8xf32, #tpu.memory_space<vmem>> -> memref<1x80x8xf32, #tpu.memory_space<vmem>>
      %dma_wait3A_304 = tpu.memref_squeeze %dma_wait3A_303 : memref<1x80x8xf32, #tpu.memory_space<vmem>> -> memref<80x8xf32, #tpu.memory_space<vmem>>
      %dma_wait3A_305 = arith.constant 0 : i32
      %dma_wait3A_306 = tpu.memref_slice %arg7[%rem3A_119, %dma_wait3A_299, %dma_wait3A_305] : memref<2x5x80xi32, #tpu.memory_space<vmem>> -> memref<1x1x80xi32, #tpu.memory_space<vmem>>
      %dma_wait3A_307 = tpu.memref_squeeze %dma_wait3A_306 : memref<1x1x80xi32, #tpu.memory_space<vmem>> -> memref<80xi32, #tpu.memory_space<vmem>>
      %dma_wait3A_308 = arith.constant 0 : i32
      %dma_wait3A_309 = arith.constant 0 : i32
      %dma_wait3A_310 = tpu.memref_slice %arg2[%dma_wait3A_308, %dma_wait3A_309] : memref<100000x8xf32, #tpu.memory_space<hbm>> -> memref<100000x8xf32, #tpu.memory_space<hbm>>
      tpu.wait_indirect_dma semaphore(%arg13 : memref<!tpu.dma_semaphore, #tpu.memory_space<semaphore_mem>>) src(%dma_wait3A_310 : memref<100000x8xf32, #tpu.memory_space<hbm>>) dst(%dma_wait3A_304 : memref<80x8xf32, #tpu.memory_space<vmem>>)
      %dma_start3A_311 = arith.constant 2 : i32
      %dma_start3A_312 = arith.constant 2 : i32
      %dma_start3A_313 = arith.constant 0 : i32
      %dma_start3A_314 = arith.constant 0 : i32
      %dma_start3A_315 = tpu.memref_slice %arg9[%dma_start3A_311, %dma_start3A_313, %dma_start3A_314] : memref<5x80x8xf32, #tpu.memory_space<vmem>> -> memref<1x80x8xf32, #tpu.memory_space<vmem>>
      %dma_start3A_316 = tpu.memref_squeeze %dma_start3A_315 : memref<1x80x8xf32, #tpu.memory_space<vmem>> -> memref<80x8xf32, #tpu.memory_space<vmem>>
      %dma_start3A_317 = arith.constant 0 : i32
      %dma_start3A_318 = tpu.memref_slice %arg8[%rem3A_121, %dma_start3A_312, %dma_start3A_317] : memref<3x5x80xi32, #tpu.memory_space<vmem>> -> memref<1x1x80xi32, #tpu.memory_space<vmem>>
      %dma_start3A_319 = tpu.memref_squeeze %dma_start3A_318 : memref<1x1x80xi32, #tpu.memory_space<vmem>> -> memref<80xi32, #tpu.memory_space<vmem>>
      %dma_start3A_320 = arith.constant 0 : i32
      %dma_start3A_321 = arith.constant 0 : i32
      %dma_start3A_322 = tpu.memref_slice %arg6[%dma_start3A_320, %dma_start3A_321] : memref<100000x8xf32, #tpu.memory_space<vmem_shared>> -> memref<100000x8xf32, #tpu.memory_space<vmem_shared>>
      tpu.enqueue_indirect_dma source(%dma_start3A_316 : memref<80x8xf32, #tpu.memory_space<vmem>>) target(%dma_start3A_322 : memref<100000x8xf32, #tpu.memory_space<vmem_shared>>) offsets(%dma_start3A_319 : memref<80xi32, #tpu.memory_space<vmem>>) semaphore(%arg18 : memref<!tpu.dma_semaphore, #tpu.memory_space<semaphore_mem>>) {add = true}
      %dma_wait3A_323 = arith.constant 3 : i32
      %dma_wait3A_324 = arith.constant 3 : i32
      %dma_wait3A_325 = arith.constant 0 : i32
      %dma_wait3A_326 = arith.constant 0 : i32
      %dma_wait3A_327 = tpu.memref_slice %arg9[%dma_wait3A_324, %dma_wait3A_325, %dma_wait3A_326] : memref<5x80x8xf32, #tpu.memory_space<vmem>> -> memref<1x80x8xf32, #tpu.memory_space<vmem>>
      %dma_wait3A_328 = tpu.memref_squeeze %dma_wait3A_327 : memref<1x80x8xf32, #tpu.memory_space<vmem>> -> memref<80x8xf32, #tpu.memory_space<vmem>>
      %dma_wait3A_329 = arith.constant 0 : i32
      %dma_wait3A_330 = tpu.memref_slice %arg7[%rem3A_119, %dma_wait3A_323, %dma_wait3A_329] : memref<2x5x80xi32, #tpu.memory_space<vmem>> -> memref<1x1x80xi32, #tpu.memory_space<vmem>>
      %dma_wait3A_331 = tpu.memref_squeeze %dma_wait3A_330 : memref<1x1x80xi32, #tpu.memory_space<vmem>> -> memref<80xi32, #tpu.memory_space<vmem>>
      %dma_wait3A_332 = arith.constant 0 : i32
      %dma_wait3A_333 = arith.constant 0 : i32
      %dma_wait3A_334 = tpu.memref_slice %arg2[%dma_wait3A_332, %dma_wait3A_333] : memref<100000x8xf32, #tpu.memory_space<hbm>> -> memref<100000x8xf32, #tpu.memory_space<hbm>>
      tpu.wait_indirect_dma semaphore(%arg14 : memref<!tpu.dma_semaphore, #tpu.memory_space<semaphore_mem>>) src(%dma_wait3A_334 : memref<100000x8xf32, #tpu.memory_space<hbm>>) dst(%dma_wait3A_328 : memref<80x8xf32, #tpu.memory_space<vmem>>)
      %dma_start3A_335 = arith.constant 3 : i32
      %dma_start3A_336 = arith.constant 3 : i32
      %dma_start3A_337 = arith.constant 0 : i32
      %dma_start3A_338 = arith.constant 0 : i32
      %dma_start3A_339 = tpu.memref_slice %arg9[%dma_start3A_335, %dma_start3A_337, %dma_start3A_338] : memref<5x80x8xf32, #tpu.memory_space<vmem>> -> memref<1x80x8xf32, #tpu.memory_space<vmem>>
      %dma_start3A_340 = tpu.memref_squeeze %dma_start3A_339 : memref<1x80x8xf32, #tpu.memory_space<vmem>> -> memref<80x8xf32, #tpu.memory_space<vmem>>
      %dma_start3A_341 = arith.constant 0 : i32
      %dma_start3A_342 = tpu.memref_slice %arg8[%rem3A_121, %dma_start3A_336, %dma_start3A_341] : memref<3x5x80xi32, #tpu.memory_space<vmem>> -> memref<1x1x80xi32, #tpu.memory_space<vmem>>
      %dma_start3A_343 = tpu.memref_squeeze %dma_start3A_342 : memref<1x1x80xi32, #tpu.memory_space<vmem>> -> memref<80xi32, #tpu.memory_space<vmem>>
      %dma_start3A_344 = arith.constant 0 : i32
      %dma_start3A_345 = arith.constant 0 : i32
      %dma_start3A_346 = tpu.memref_slice %arg6[%dma_start3A_344, %dma_start3A_345] : memref<100000x8xf32, #tpu.memory_space<vmem_shared>> -> memref<100000x8xf32, #tpu.memory_space<vmem_shared>>
      tpu.enqueue_indirect_dma source(%dma_start3A_340 : memref<80x8xf32, #tpu.memory_space<vmem>>) target(%dma_start3A_346 : memref<100000x8xf32, #tpu.memory_space<vmem_shared>>) offsets(%dma_start3A_343 : memref<80xi32, #tpu.memory_space<vmem>>) semaphore(%arg19 : memref<!tpu.dma_semaphore, #tpu.memory_space<semaphore_mem>>) {add = true}
      %dma_wait3A_347 = arith.constant 4 : i32
      %dma_wait3A_348 = arith.constant 4 : i32
      %dma_wait3A_349 = arith.constant 0 : i32
      %dma_wait3A_350 = arith.constant 0 : i32
      %dma_wait3A_351 = tpu.memref_slice %arg9[%dma_wait3A_348, %dma_wait3A_349, %dma_wait3A_350] : memref<5x80x8xf32, #tpu.memory_space<vmem>> -> memref<1x80x8xf32, #tpu.memory_space<vmem>>
      %dma_wait3A_352 = tpu.memref_squeeze %dma_wait3A_351 : memref<1x80x8xf32, #tpu.memory_space<vmem>> -> memref<80x8xf32, #tpu.memory_space<vmem>>
      %dma_wait3A_353 = arith.constant 0 : i32
      %dma_wait3A_354 = tpu.memref_slice %arg7[%rem3A_119, %dma_wait3A_347, %dma_wait3A_353] : memref<2x5x80xi32, #tpu.memory_space<vmem>> -> memref<1x1x80xi32, #tpu.memory_space<vmem>>
      %dma_wait3A_355 = tpu.memref_squeeze %dma_wait3A_354 : memref<1x1x80xi32, #tpu.memory_space<vmem>> -> memref<80xi32, #tpu.memory_space<vmem>>
      %dma_wait3A_356 = arith.constant 0 : i32
      %dma_wait3A_357 = arith.constant 0 : i32
      %dma_wait3A_358 = tpu.memref_slice %arg2[%dma_wait3A_356, %dma_wait3A_357] : memref<100000x8xf32, #tpu.memory_space<hbm>> -> memref<100000x8xf32, #tpu.memory_space<hbm>>
      tpu.wait_indirect_dma semaphore(%arg15 : memref<!tpu.dma_semaphore, #tpu.memory_space<semaphore_mem>>) src(%dma_wait3A_358 : memref<100000x8xf32, #tpu.memory_space<hbm>>) dst(%dma_wait3A_352 : memref<80x8xf32, #tpu.memory_space<vmem>>)
      %dma_start3A_359 = arith.constant 4 : i32
      %dma_start3A_360 = arith.constant 4 : i32
      %dma_start3A_361 = arith.constant 0 : i32
      %dma_start3A_362 = arith.constant 0 : i32
      %dma_start3A_363 = tpu.memref_slice %arg9[%dma_start3A_359, %dma_start3A_361, %dma_start3A_362] : memref<5x80x8xf32, #tpu.memory_space<vmem>> -> memref<1x80x8xf32, #tpu.memory_space<vmem>>
      %dma_start3A_364 = tpu.memref_squeeze %dma_start3A_363 : memref<1x80x8xf32, #tpu.memory_space<vmem>> -> memref<80x8xf32, #tpu.memory_space<vmem>>
      %dma_start3A_365 = arith.constant 0 : i32
      %dma_start3A_366 = tpu.memref_slice %arg8[%rem3A_121, %dma_start3A_360, %dma_start3A_365] : memref<3x5x80xi32, #tpu.memory_space<vmem>> -> memref<1x1x80xi32, #tpu.memory_space<vmem>>
      %dma_start3A_367 = tpu.memref_squeeze %dma_start3A_366 : memref<1x1x80xi32, #tpu.memory_space<vmem>> -> memref<80xi32, #tpu.memory_space<vmem>>
      %dma_start3A_368 = arith.constant 0 : i32
      %dma_start3A_369 = arith.constant 0 : i32
      %dma_start3A_370 = tpu.memref_slice %arg6[%dma_start3A_368, %dma_start3A_369] : memref<100000x8xf32, #tpu.memory_space<vmem_shared>> -> memref<100000x8xf32, #tpu.memory_space<vmem_shared>>
      tpu.enqueue_indirect_dma source(%dma_start3A_364 : memref<80x8xf32, #tpu.memory_space<vmem>>) target(%dma_start3A_370 : memref<100000x8xf32, #tpu.memory_space<vmem_shared>>) offsets(%dma_start3A_367 : memref<80xi32, #tpu.memory_space<vmem>>) semaphore(%arg20 : memref<!tpu.dma_semaphore, #tpu.memory_space<semaphore_mem>>) {add = true}
    }
    %scan3A_47 = arith.constant 125 : i32
    %dma_wait3A = arith.constant 0 : i32
    %dma_wait3A_48 = arith.constant 1 : i32
    %dma_wait3A_49 = arith.constant 0 : i32
    %dma_wait3A_50 = arith.constant 0 : i32
    %dma_wait3A_51 = arith.constant 0 : i32
    %dma_wait3A_52 = tpu.memref_slice %arg9[%dma_wait3A, %dma_wait3A_50, %dma_wait3A_51] : memref<5x80x8xf32, #tpu.memory_space<vmem>> -> memref<1x80x8xf32, #tpu.memory_space<vmem>>
    %dma_wait3A_53 = tpu.memref_squeeze %dma_wait3A_52 : memref<1x80x8xf32, #tpu.memory_space<vmem>> -> memref<80x8xf32, #tpu.memory_space<vmem>>
    %dma_wait3A_54 = arith.constant 0 : i32
    %dma_wait3A_55 = tpu.memref_slice %arg8[%dma_wait3A_48, %dma_wait3A_49, %dma_wait3A_54] : memref<3x5x80xi32, #tpu.memory_space<vmem>> -> memref<1x1x80xi32, #tpu.memory_space<vmem>>
    %dma_wait3A_56 = tpu.memref_squeeze %dma_wait3A_55 : memref<1x1x80xi32, #tpu.memory_space<vmem>> -> memref<80xi32, #tpu.memory_space<vmem>>
    %dma_wait3A_57 = arith.constant 0 : i32
    %dma_wait3A_58 = arith.constant 0 : i32
    %dma_wait3A_59 = tpu.memref_slice %arg6[%dma_wait3A_57, %dma_wait3A_58] : memref<100000x8xf32, #tpu.memory_space<vmem_shared>> -> memref<100000x8xf32, #tpu.memory_space<vmem_shared>>
    tpu.wait_indirect_dma semaphore(%arg16 : memref<!tpu.dma_semaphore, #tpu.memory_space<semaphore_mem>>) src(%dma_wait3A_53 : memref<80x8xf32, #tpu.memory_space<vmem>>) dst(%dma_wait3A_59 : memref<100000x8xf32, #tpu.memory_space<vmem_shared>>)
    %dma_wait3A_60 = arith.constant 1 : i32
    %dma_wait3A_61 = arith.constant 1 : i32
    %dma_wait3A_62 = arith.constant 1 : i32
    %dma_wait3A_63 = arith.constant 0 : i32
    %dma_wait3A_64 = arith.constant 0 : i32
    %dma_wait3A_65 = tpu.memref_slice %arg9[%dma_wait3A_60, %dma_wait3A_63, %dma_wait3A_64] : memref<5x80x8xf32, #tpu.memory_space<vmem>> -> memref<1x80x8xf32, #tpu.memory_space<vmem>>
    %dma_wait3A_66 = tpu.memref_squeeze %dma_wait3A_65 : memref<1x80x8xf32, #tpu.memory_space<vmem>> -> memref<80x8xf32, #tpu.memory_space<vmem>>
    %dma_wait3A_67 = arith.constant 0 : i32
    %dma_wait3A_68 = tpu.memref_slice %arg8[%dma_wait3A_61, %dma_wait3A_62, %dma_wait3A_67] : memref<3x5x80xi32, #tpu.memory_space<vmem>> -> memref<1x1x80xi32, #tpu.memory_space<vmem>>
    %dma_wait3A_69 = tpu.memref_squeeze %dma_wait3A_68 : memref<1x1x80xi32, #tpu.memory_space<vmem>> -> memref<80xi32, #tpu.memory_space<vmem>>
    %dma_wait3A_70 = arith.constant 0 : i32
    %dma_wait3A_71 = arith.constant 0 : i32
    %dma_wait3A_72 = tpu.memref_slice %arg6[%dma_wait3A_70, %dma_wait3A_71] : memref<100000x8xf32, #tpu.memory_space<vmem_shared>> -> memref<100000x8xf32, #tpu.memory_space<vmem_shared>>
    tpu.wait_indirect_dma semaphore(%arg17 : memref<!tpu.dma_semaphore, #tpu.memory_space<semaphore_mem>>) src(%dma_wait3A_66 : memref<80x8xf32, #tpu.memory_space<vmem>>) dst(%dma_wait3A_72 : memref<100000x8xf32, #tpu.memory_space<vmem_shared>>)
    %dma_wait3A_73 = arith.constant 2 : i32
    %dma_wait3A_74 = arith.constant 1 : i32
    %dma_wait3A_75 = arith.constant 2 : i32
    %dma_wait3A_76 = arith.constant 0 : i32
    %dma_wait3A_77 = arith.constant 0 : i32
    %dma_wait3A_78 = tpu.memref_slice %arg9[%dma_wait3A_73, %dma_wait3A_76, %dma_wait3A_77] : memref<5x80x8xf32, #tpu.memory_space<vmem>> -> memref<1x80x8xf32, #tpu.memory_space<vmem>>
    %dma_wait3A_79 = tpu.memref_squeeze %dma_wait3A_78 : memref<1x80x8xf32, #tpu.memory_space<vmem>> -> memref<80x8xf32, #tpu.memory_space<vmem>>
    %dma_wait3A_80 = arith.constant 0 : i32
    %dma_wait3A_81 = tpu.memref_slice %arg8[%dma_wait3A_74, %dma_wait3A_75, %dma_wait3A_80] : memref<3x5x80xi32, #tpu.memory_space<vmem>> -> memref<1x1x80xi32, #tpu.memory_space<vmem>>
    %dma_wait3A_82 = tpu.memref_squeeze %dma_wait3A_81 : memref<1x1x80xi32, #tpu.memory_space<vmem>> -> memref<80xi32, #tpu.memory_space<vmem>>
    %dma_wait3A_83 = arith.constant 0 : i32
    %dma_wait3A_84 = arith.constant 0 : i32
    %dma_wait3A_85 = tpu.memref_slice %arg6[%dma_wait3A_83, %dma_wait3A_84] : memref<100000x8xf32, #tpu.memory_space<vmem_shared>> -> memref<100000x8xf32, #tpu.memory_space<vmem_shared>>
    tpu.wait_indirect_dma semaphore(%arg18 : memref<!tpu.dma_semaphore, #tpu.memory_space<semaphore_mem>>) src(%dma_wait3A_79 : memref<80x8xf32, #tpu.memory_space<vmem>>) dst(%dma_wait3A_85 : memref<100000x8xf32, #tpu.memory_space<vmem_shared>>)
    %dma_wait3A_86 = arith.constant 3 : i32
    %dma_wait3A_87 = arith.constant 1 : i32
    %dma_wait3A_88 = arith.constant 3 : i32
    %dma_wait3A_89 = arith.constant 0 : i32
    %dma_wait3A_90 = arith.constant 0 : i32
    %dma_wait3A_91 = tpu.memref_slice %arg9[%dma_wait3A_86, %dma_wait3A_89, %dma_wait3A_90] : memref<5x80x8xf32, #tpu.memory_space<vmem>> -> memref<1x80x8xf32, #tpu.memory_space<vmem>>
    %dma_wait3A_92 = tpu.memref_squeeze %dma_wait3A_91 : memref<1x80x8xf32, #tpu.memory_space<vmem>> -> memref<80x8xf32, #tpu.memory_space<vmem>>
    %dma_wait3A_93 = arith.constant 0 : i32
    %dma_wait3A_94 = tpu.memref_slice %arg8[%dma_wait3A_87, %dma_wait3A_88, %dma_wait3A_93] : memref<3x5x80xi32, #tpu.memory_space<vmem>> -> memref<1x1x80xi32, #tpu.memory_space<vmem>>
    %dma_wait3A_95 = tpu.memref_squeeze %dma_wait3A_94 : memref<1x1x80xi32, #tpu.memory_space<vmem>> -> memref<80xi32, #tpu.memory_space<vmem>>
    %dma_wait3A_96 = arith.constant 0 : i32
    %dma_wait3A_97 = arith.constant 0 : i32
    %dma_wait3A_98 = tpu.memref_slice %arg6[%dma_wait3A_96, %dma_wait3A_97] : memref<100000x8xf32, #tpu.memory_space<vmem_shared>> -> memref<100000x8xf32, #tpu.memory_space<vmem_shared>>
    tpu.wait_indirect_dma semaphore(%arg19 : memref<!tpu.dma_semaphore, #tpu.memory_space<semaphore_mem>>) src(%dma_wait3A_92 : memref<80x8xf32, #tpu.memory_space<vmem>>) dst(%dma_wait3A_98 : memref<100000x8xf32, #tpu.memory_space<vmem_shared>>)
    %dma_wait3A_99 = arith.constant 4 : i32
    %dma_wait3A_100 = arith.constant 1 : i32
    %dma_wait3A_101 = arith.constant 4 : i32
    %dma_wait3A_102 = arith.constant 0 : i32
    %dma_wait3A_103 = arith.constant 0 : i32
    %dma_wait3A_104 = tpu.memref_slice %arg9[%dma_wait3A_99, %dma_wait3A_102, %dma_wait3A_103] : memref<5x80x8xf32, #tpu.memory_space<vmem>> -> memref<1x80x8xf32, #tpu.memory_space<vmem>>
    %dma_wait3A_105 = tpu.memref_squeeze %dma_wait3A_104 : memref<1x80x8xf32, #tpu.memory_space<vmem>> -> memref<80x8xf32, #tpu.memory_space<vmem>>
    %dma_wait3A_106 = arith.constant 0 : i32
    %dma_wait3A_107 = tpu.memref_slice %arg8[%dma_wait3A_100, %dma_wait3A_101, %dma_wait3A_106] : memref<3x5x80xi32, #tpu.memory_space<vmem>> -> memref<1x1x80xi32, #tpu.memory_space<vmem>>
    %dma_wait3A_108 = tpu.memref_squeeze %dma_wait3A_107 : memref<1x1x80xi32, #tpu.memory_space<vmem>> -> memref<80xi32, #tpu.memory_space<vmem>>
    %dma_wait3A_109 = arith.constant 0 : i32
    %dma_wait3A_110 = arith.constant 0 : i32
    %dma_wait3A_111 = tpu.memref_slice %arg6[%dma_wait3A_109, %dma_wait3A_110] : memref<100000x8xf32, #tpu.memory_space<vmem_shared>> -> memref<100000x8xf32, #tpu.memory_space<vmem_shared>>
    tpu.wait_indirect_dma semaphore(%arg20 : memref<!tpu.dma_semaphore, #tpu.memory_space<semaphore_mem>>) src(%dma_wait3A_105 : memref<80x8xf32, #tpu.memory_space<vmem>>) dst(%dma_wait3A_111 : memref<100000x8xf32, #tpu.memory_space<vmem_shared>>)
    %barrier3A_112 = arith.constant 0 : index
    tpu.barrier barrier_id(%barrier3A_112)
    %mul3A_113 = arith.constant 6250 : i32
    %mul3A_114 = arith.muli %arg1, %mul3A_113 : i32
    %mul3A_115 = arith.constant 6250 : i32
    %mul3A_116 = arith.muli %arg1, %mul3A_115 : i32
    "tpu.region"() ({
      %run_scoped3A = tpu.sem_alloc : memref<!tpu.dma_semaphore, #tpu.memory_space<semaphore_mem>>
      %dma_start3A_117 = arith.constant 0 : i32
      %dma_start3A_118 = arith.constant 0 : i32
      %dma_start3A_119 = tpu.memref_slice %arg5[%arg0, %dma_start3A_117, %dma_start3A_118] : memref<2x100000x8xf32, #tpu.memory_space<hbm>> -> memref<1x100000x8xf32, #tpu.memory_space<hbm>>
      %dma_start3A_120 = tpu.memref_squeeze %dma_start3A_119 : memref<1x100000x8xf32, #tpu.memory_space<hbm>> -> memref<100000x8xf32, #tpu.memory_space<hbm>>
      %dma_start3A_121 = arith.constant 0 : i32
      %dma_start3A_122 = tpu.memref_slice %dma_start3A_120[%mul3A_116, %dma_start3A_121] : memref<100000x8xf32, #tpu.memory_space<hbm>> -> memref<6250x8xf32, #tpu.memory_space<hbm>>
      %dma_start3A_123 = arith.constant 0 : i32
      %dma_start3A_124 = tpu.memref_slice %arg6[%mul3A_114, %dma_start3A_123] : memref<100000x8xf32, #tpu.memory_space<vmem_shared>> -> memref<6250x8xf32, #tpu.memory_space<vmem_shared>>
      tpu.enqueue_dma source(%dma_start3A_124 : memref<6250x8xf32, #tpu.memory_space<vmem_shared>>) target(%dma_start3A_122 : memref<6250x8xf32, #tpu.memory_space<hbm>>) target_semaphore(%run_scoped3A : memref<!tpu.dma_semaphore, #tpu.memory_space<semaphore_mem>>)
      %dma_wait3A_125 = arith.constant 0 : i32
      %dma_wait3A_126 = arith.constant 0 : i32
      %dma_wait3A_127 = tpu.memref_slice %arg5[%arg0, %dma_wait3A_125, %dma_wait3A_126] : memref<2x100000x8xf32, #tpu.memory_space<hbm>> -> memref<1x100000x8xf32, #tpu.memory_space<hbm>>
      %dma_wait3A_128 = tpu.memref_squeeze %dma_wait3A_127 : memref<1x100000x8xf32, #tpu.memory_space<hbm>> -> memref<100000x8xf32, #tpu.memory_space<hbm>>
      %dma_wait3A_129 = arith.constant 0 : i32
      %dma_wait3A_130 = tpu.memref_slice %dma_wait3A_128[%mul3A_116, %dma_wait3A_129] : memref<100000x8xf32, #tpu.memory_space<hbm>> -> memref<6250x8xf32, #tpu.memory_space<hbm>>
      %dma_wait3A_131 = arith.constant 0 : i32
      %dma_wait3A_132 = tpu.memref_slice %arg6[%mul3A_114, %dma_wait3A_131] : memref<100000x8xf32, #tpu.memory_space<vmem_shared>> -> memref<6250x8xf32, #tpu.memory_space<vmem_shared>>
      tpu.wait_dma2 semaphore(%run_scoped3A : memref<!tpu.dma_semaphore, #tpu.memory_space<semaphore_mem>>) src(%dma_wait3A_132 : memref<6250x8xf32, #tpu.memory_space<vmem_shared>>) dst(%dma_wait3A_130 : memref<6250x8xf32, #tpu.memory_space<hbm>>)
      tpu.yield
    }) : () -> ()
    return
  }
}

module attributes {stable_mosaic.version = 14 : i64} {
  func.func @body(%arg0: i32, %arg1: memref<2000x30xf32, #tpu.memory_space<vmem>>, %arg2: memref<30x16xf32, #tpu.memory_space<vmem>>, %arg3: memref<30x8xf32, #tpu.memory_space<vmem>>, %arg4: memref<30x20xf32, #tpu.memory_space<vmem>>, %arg5: memref<1x20xf32, #tpu.memory_space<vmem>>, %arg6: memref<2000x16xf32, #tpu.memory_space<vmem>>, %arg7: memref<2000x8xf32, #tpu.memory_space<vmem>>, %arg8: memref<2000x20xf32, #tpu.memory_space<vmem>>) attributes {dimension_semantics = [#tpu.dimension_semantics<arbitrary>], iteration_bounds = array<i64: 50>, scalar_prefetch = 0 : i64, scratch_operands = 0 : i64, tpu.core_type = #tpu.core_type<tc>, window_params = [{transform_indices = @transform_0, window_bounds = array<i64: 2000, 30>}, {pipeline_mode = #tpu.pipeline_mode<synchronous>, transform_indices = @transform_1, window_bounds = array<i64: 30, 16>}, {pipeline_mode = #tpu.pipeline_mode<synchronous>, transform_indices = @transform_2, window_bounds = array<i64: 30, 8>}, {pipeline_mode = #tpu.pipeline_mode<synchronous>, transform_indices = @transform_3, window_bounds = array<i64: 30, 20>}, {pipeline_mode = #tpu.pipeline_mode<synchronous>, transform_indices = @transform_4, window_bounds = array<i64: 1, 20>}, {transform_indices = @transform_5, window_bounds = array<i64: 2000, 16>}, {transform_indices = @transform_6, window_bounds = array<i64: 2000, 8>}, {transform_indices = @transform_7, window_bounds = array<i64: 2000, 20>}]} {
    %get3A = arith.constant 0 : index
    %get3A_0 = arith.constant 0 : index
    %get3A_1 = vector.load %arg1[%get3A, %get3A_0] : memref<2000x30xf32, #tpu.memory_space<vmem>>, vector<2000x30xf32>
    %get3A_2 = arith.constant 0 : index
    %get3A_3 = arith.constant 0 : index
    %get3A_4 = vector.load %arg2[%get3A_2, %get3A_3] : memref<30x16xf32, #tpu.memory_space<vmem>>, vector<30x16xf32>
    %dot_general3A = arith.constant dense<0.000000e+00> : vector<2000x16xf32>
    %dot_general3A_5 = tpu.matmul %get3A_1, %get3A_4, %dot_general3A {dimension_numbers = #tpu.dot_dimension_numbers<[1], [0], [0], [1], [0, 0, 1, 1], [], []>, transpose_lhs_hint = false} : vector<2000x30xf32>, vector<30x16xf32>, vector<2000x16xf32> -> vector<2000x16xf32>
    %swap3A = arith.constant 0 : index
    %swap3A_6 = arith.constant 0 : index
    %swap3A_7 = vector.load %arg6[%swap3A, %swap3A_6] : memref<2000x16xf32, #tpu.memory_space<vmem>>, vector<2000x16xf32>
    tpu.vector_store %arg6[%swap3A, %swap3A_6], %dot_general3A_5 {strides = array<i32>} : memref<2000x16xf32, #tpu.memory_space<vmem>>, vector<2000x16xf32>,
    %get3A_8 = arith.constant 0 : index
    %get3A_9 = arith.constant 0 : index
    %get3A_10 = vector.load %arg3[%get3A_8, %get3A_9] : memref<30x8xf32, #tpu.memory_space<vmem>>, vector<30x8xf32>
    %dot_general3A_11 = arith.constant dense<0.000000e+00> : vector<2000x8xf32>
    %dot_general3A_12 = tpu.matmul %get3A_1, %get3A_10, %dot_general3A_11 {dimension_numbers = #tpu.dot_dimension_numbers<[1], [0], [0], [1], [0, 0, 1, 1], [], []>, transpose_lhs_hint = false} : vector<2000x30xf32>, vector<30x8xf32>, vector<2000x8xf32> -> vector<2000x8xf32>
    %swap3A_13 = arith.constant 0 : index
    %swap3A_14 = arith.constant 0 : index
    %swap3A_15 = vector.load %arg7[%swap3A_13, %swap3A_14] : memref<2000x8xf32, #tpu.memory_space<vmem>>, vector<2000x8xf32>
    tpu.vector_store %arg7[%swap3A_13, %swap3A_14], %dot_general3A_12 {strides = array<i32>} : memref<2000x8xf32, #tpu.memory_space<vmem>>, vector<2000x8xf32>,
    %get3A_16 = arith.constant 0 : index
    %get3A_17 = arith.constant 0 : index
    %get3A_18 = vector.load %arg4[%get3A_16, %get3A_17] : memref<30x20xf32, #tpu.memory_space<vmem>>, vector<30x20xf32>
    %dot_general3A_19 = arith.constant dense<0.000000e+00> : vector<2000x20xf32>
    %dot_general3A_20 = tpu.matmul %get3A_1, %get3A_18, %dot_general3A_19 {dimension_numbers = #tpu.dot_dimension_numbers<[1], [0], [0], [1], [0, 0, 1, 1], [], []>, transpose_lhs_hint = false} : vector<2000x30xf32>, vector<30x20xf32>, vector<2000x20xf32> -> vector<2000x20xf32>
    %get3A_21 = arith.constant 0 : index
    %get3A_22 = arith.constant 0 : index
    %get3A_23 = vector.load %arg5[%get3A_21, %get3A_22] : memref<1x20xf32, #tpu.memory_space<vmem>>, vector<1x20xf32>
    %add3A = vector.broadcast %get3A_23 : vector<1x20xf32> to vector<2000x20xf32>
    %add3A_24 = arith.addf %dot_general3A_20, %add3A : vector<2000x20xf32>
    %swap3A_25 = arith.constant 0 : index
    %swap3A_26 = arith.constant 0 : index
    %swap3A_27 = vector.load %arg8[%swap3A_25, %swap3A_26] : memref<2000x20xf32, #tpu.memory_space<vmem>>, vector<2000x20xf32>
    tpu.vector_store %arg8[%swap3A_25, %swap3A_26], %add3A_24 {strides = array<i32>} : memref<2000x20xf32, #tpu.memory_space<vmem>>, vector<2000x20xf32>,
    return
  }
  func.func @transform_0(%arg0: i32) -> (i32, i32) {
    %c0_i32 = arith.constant 0 : i32
    %c0_i32_0 = arith.constant 0 : i32
    return %arg0, %c0_i32 : i32, i32
  }
  func.func @transform_1(%arg0: i32) -> (i32, i32) {
    %c0_i32 = arith.constant 0 : i32
    %c0_i32_0 = arith.constant 0 : i32
    %c0_i32_1 = arith.constant 0 : i32
    return %c0_i32, %c0_i32_0 : i32, i32
  }
  func.func @transform_2(%arg0: i32) -> (i32, i32) {
    %c0_i32 = arith.constant 0 : i32
    %c0_i32_0 = arith.constant 0 : i32
    %c0_i32_1 = arith.constant 0 : i32
    return %c0_i32, %c0_i32_0 : i32, i32
  }
  func.func @transform_3(%arg0: i32) -> (i32, i32) {
    %c0_i32 = arith.constant 0 : i32
    %c0_i32_0 = arith.constant 0 : i32
    %c0_i32_1 = arith.constant 0 : i32
    return %c0_i32, %c0_i32_0 : i32, i32
  }
  func.func @transform_4(%arg0: i32) -> (i32, i32) {
    %c0_i32 = arith.constant 0 : i32
    %c0_i32_0 = arith.constant 0 : i32
    %c0_i32_1 = arith.constant 0 : i32
    return %c0_i32, %c0_i32_0 : i32, i32
  }
  func.func @transform_5(%arg0: i32) -> (i32, i32) {
    %c0_i32 = arith.constant 0 : i32
    %c0_i32_0 = arith.constant 0 : i32
    return %arg0, %c0_i32 : i32, i32
  }
  func.func @transform_6(%arg0: i32) -> (i32, i32) {
    %c0_i32 = arith.constant 0 : i32
    %c0_i32_0 = arith.constant 0 : i32
    return %arg0, %c0_i32 : i32, i32
  }
  func.func @transform_7(%arg0: i32) -> (i32, i32) {
    %c0_i32 = arith.constant 0 : i32
    %c0_i32_0 = arith.constant 0 : i32
    return %arg0, %c0_i32 : i32, i32
  }
}

module attributes {stable_mosaic.version = 14 : i64} {
  func.func @body(%arg0: i32, %arg1: memref<2000x20xf32, #tpu.memory_space<vmem>>, %arg2: memref<2x2000x16xf32, #tpu.memory_space<vmem>>, %arg3: memref<2x2000x8xf32, #tpu.memory_space<vmem>>, %arg4: memref<10x8xf32, #tpu.memory_space<vmem>>, %arg5: memref<10x5xf32, #tpu.memory_space<vmem>>, %arg6: memref<1x5xf32, #tpu.memory_space<vmem>>, %arg7: memref<2000x8xf32, #tpu.memory_space<vmem>>, %arg8: memref<2000x5xf32, #tpu.memory_space<vmem>>) attributes {dimension_semantics = [#tpu.dimension_semantics<arbitrary>], iteration_bounds = array<i64: 50>, scalar_prefetch = 0 : i64, scratch_operands = 0 : i64, tpu.core_type = #tpu.core_type<tc>, window_params = [{transform_indices = @transform_0, window_bounds = array<i64: 2000, 20>}, {transform_indices = @transform_1, window_bounds = array<i64: 2, 2000, 16>}, {transform_indices = @transform_2, window_bounds = array<i64: 2, 2000, 8>}, {pipeline_mode = #tpu.pipeline_mode<synchronous>, transform_indices = @transform_3, window_bounds = array<i64: 10, 8>}, {pipeline_mode = #tpu.pipeline_mode<synchronous>, transform_indices = @transform_4, window_bounds = array<i64: 10, 5>}, {pipeline_mode = #tpu.pipeline_mode<synchronous>, transform_indices = @transform_5, window_bounds = array<i64: 1, 5>}, {transform_indices = @transform_6, window_bounds = array<i64: 2000, 8>}, {transform_indices = @transform_7, window_bounds = array<i64: 2000, 5>}]} {
    %get3A = arith.constant 0 : index
    %get3A_0 = arith.constant 0 : index
    %get3A_1 = arith.constant 0 : index
    %get3A_2 = vector.load %arg2[%get3A, %get3A_0, %get3A_1] : memref<2x2000x16xf32, #tpu.memory_space<vmem>>, vector<1x2000x16xf32>
    %get3A_3 = vector.shape_cast %get3A_2 : vector<1x2000x16xf32> to vector<2000x16xf32>
    %get3A_4 = arith.constant 1 : index
    %get3A_5 = arith.constant 0 : index
    %get3A_6 = arith.constant 0 : index
    %get3A_7 = vector.load %arg2[%get3A_4, %get3A_5, %get3A_6] : memref<2x2000x16xf32, #tpu.memory_space<vmem>>, vector<1x2000x16xf32>
    %get3A_8 = vector.shape_cast %get3A_7 : vector<1x2000x16xf32> to vector<2000x16xf32>
    %add3A = arith.addf %get3A_3, %get3A_8 : vector<2000x16xf32>
    %get3A_9 = arith.constant 0 : index
    %get3A_10 = arith.constant 0 : index
    %get3A_11 = arith.constant 0 : index
    %get3A_12 = vector.load %arg3[%get3A_9, %get3A_10, %get3A_11] : memref<2x2000x8xf32, #tpu.memory_space<vmem>>, vector<1x2000x8xf32>
    %get3A_13 = vector.shape_cast %get3A_12 : vector<1x2000x8xf32> to vector<2000x8xf32>
    %get3A_14 = arith.constant 1 : index
    %get3A_15 = arith.constant 0 : index
    %get3A_16 = arith.constant 0 : index
    %get3A_17 = vector.load %arg3[%get3A_14, %get3A_15, %get3A_16] : memref<2x2000x8xf32, #tpu.memory_space<vmem>>, vector<1x2000x8xf32>
    %get3A_18 = vector.shape_cast %get3A_17 : vector<1x2000x8xf32> to vector<2000x8xf32>
    %add3A_19 = arith.addf %get3A_13, %get3A_18 : vector<2000x8xf32>
    %slice3A = vector.extract_strided_slice %add3A_19 {offsets = [0, 0], sizes = [2000, 4], strides = [1, 1]} : vector<2000x8xf32> to vector<2000x4xf32>
    %get3A_20 = arith.constant 0 : index
    %get3A_21 = arith.constant 0 : index
    %get3A_22 = vector.load %arg1[%get3A_20, %get3A_21] : memref<2000x20xf32, #tpu.memory_space<vmem>>, vector<2000x20xf32>
    %concatenate3A = tpu.concatenate %add3A, %slice3A in 1 : vector<2000x16xf32>, vector<2000x4xf32> -> vector<2000x20xf32>
    %add3A_23 = arith.addf %get3A_22, %concatenate3A : vector<2000x20xf32>
    %gt3A = arith.constant 0.000000e+00 : f32
    %gt3A_24 = vector.broadcast %gt3A : f32 to vector<2000x20xf32>
    %gt3A_25 = arith.cmpf ogt, %add3A_23, %gt3A_24 : vector<2000x20xf32>
    %mul3A = arith.constant 0.00999999977 : f32
    %mul3A_26 = vector.broadcast %mul3A : f32 to vector<2000x20xf32>
    %mul3A_27 = arith.mulf %mul3A_26, %add3A_23 : vector<2000x20xf32>
    %select_n3A = arith.select %gt3A_25, %add3A_23, %mul3A_27 : vector<2000x20xi1>, vector<2000x20xf32>
    %reshape3A = vector.shape_cast %select_n3A : vector<2000x20xf32> to vector<2000x10x2xf32>
    %reduce_max3A = arith.constant dense<0xFF800000> : vector<2000x10xf32>
    %reduce_max3A_28 = vector.multi_reduction <maximumf>, %reshape3A, %reduce_max3A [2] : vector<2000x10x2xf32> to vector<2000x10xf32>
    %get3A_29 = arith.constant 0 : index
    %get3A_30 = arith.constant 0 : index
    %get3A_31 = vector.load %arg4[%get3A_29, %get3A_30] : memref<10x8xf32, #tpu.memory_space<vmem>>, vector<10x8xf32>
    %dot_general3A = arith.constant dense<0.000000e+00> : vector<2000x8xf32>
    %dot_general3A_32 = tpu.matmul %reduce_max3A_28, %get3A_31, %dot_general3A {dimension_numbers = #tpu.dot_dimension_numbers<[1], [0], [0], [1], [0, 0, 1, 1], [], []>, transpose_lhs_hint = false} : vector<2000x10xf32>, vector<10x8xf32>, vector<2000x8xf32> -> vector<2000x8xf32>
    %swap3A = arith.constant 0 : index
    %swap3A_33 = arith.constant 0 : index
    %swap3A_34 = vector.load %arg7[%swap3A, %swap3A_33] : memref<2000x8xf32, #tpu.memory_space<vmem>>, vector<2000x8xf32>
    tpu.vector_store %arg7[%swap3A, %swap3A_33], %dot_general3A_32 {strides = array<i32>} : memref<2000x8xf32, #tpu.memory_space<vmem>>, vector<2000x8xf32>,
    %get3A_35 = arith.constant 0 : index
    %get3A_36 = arith.constant 0 : index
    %get3A_37 = vector.load %arg5[%get3A_35, %get3A_36] : memref<10x5xf32, #tpu.memory_space<vmem>>, vector<10x5xf32>
    %dot_general3A_38 = arith.constant dense<0.000000e+00> : vector<2000x5xf32>
    %dot_general3A_39 = tpu.matmul %reduce_max3A_28, %get3A_37, %dot_general3A_38 {dimension_numbers = #tpu.dot_dimension_numbers<[1], [0], [0], [1], [0, 0, 1, 1], [], []>, transpose_lhs_hint = false} : vector<2000x10xf32>, vector<10x5xf32>, vector<2000x5xf32> -> vector<2000x5xf32>
    %get3A_40 = arith.constant 0 : index
    %get3A_41 = arith.constant 0 : index
    %get3A_42 = vector.load %arg6[%get3A_40, %get3A_41] : memref<1x5xf32, #tpu.memory_space<vmem>>, vector<1x5xf32>
    %add3A_43 = vector.broadcast %get3A_42 : vector<1x5xf32> to vector<2000x5xf32>
    %add3A_44 = arith.addf %dot_general3A_39, %add3A_43 : vector<2000x5xf32>
    %swap3A_45 = arith.constant 0 : index
    %swap3A_46 = arith.constant 0 : index
    %swap3A_47 = vector.load %arg8[%swap3A_45, %swap3A_46] : memref<2000x5xf32, #tpu.memory_space<vmem>>, vector<2000x5xf32>
    tpu.vector_store %arg8[%swap3A_45, %swap3A_46], %add3A_44 {strides = array<i32>} : memref<2000x5xf32, #tpu.memory_space<vmem>>, vector<2000x5xf32>,
    return
  }
  func.func @transform_0(%arg0: i32) -> (i32, i32) {
    %c0_i32 = arith.constant 0 : i32
    %c0_i32_0 = arith.constant 0 : i32
    return %arg0, %c0_i32 : i32, i32
  }
  func.func @transform_1(%arg0: i32) -> (i32, i32, i32) {
    %c0_i32 = arith.constant 0 : i32
    %c0_i32_0 = arith.constant 0 : i32
    %c0_i32_1 = arith.constant 0 : i32
    return %c0_i32, %arg0, %c0_i32_0 : i32, i32, i32
  }
  func.func @transform_2(%arg0: i32) -> (i32, i32, i32) {
    %c0_i32 = arith.constant 0 : i32
    %c0_i32_0 = arith.constant 0 : i32
    %c0_i32_1 = arith.constant 0 : i32
    return %c0_i32, %arg0, %c0_i32_0 : i32, i32, i32
  }
  func.func @transform_3(%arg0: i32) -> (i32, i32) {
    %c0_i32 = arith.constant 0 : i32
    %c0_i32_0 = arith.constant 0 : i32
    %c0_i32_1 = arith.constant 0 : i32
    return %c0_i32, %c0_i32_0 : i32, i32
  }
  func.func @transform_4(%arg0: i32) -> (i32, i32) {
    %c0_i32 = arith.constant 0 : i32
    %c0_i32_0 = arith.constant 0 : i32
    %c0_i32_1 = arith.constant 0 : i32
    return %c0_i32, %c0_i32_0 : i32, i32
  }
  func.func @transform_5(%arg0: i32) -> (i32, i32) {
    %c0_i32 = arith.constant 0 : i32
    %c0_i32_0 = arith.constant 0 : i32
    %c0_i32_1 = arith.constant 0 : i32
    return %c0_i32, %c0_i32_0 : i32, i32
  }
  func.func @transform_6(%arg0: i32) -> (i32, i32) {
    %c0_i32 = arith.constant 0 : i32
    %c0_i32_0 = arith.constant 0 : i32
    return %arg0, %c0_i32 : i32, i32
  }
  func.func @transform_7(%arg0: i32) -> (i32, i32) {
    %c0_i32 = arith.constant 0 : i32
    %c0_i32_0 = arith.constant 0 : i32
    return %arg0, %c0_i32 : i32, i32
  }
}

module attributes {stable_mosaic.version = 14 : i64} {
  func.func @body(%arg0: i32, %arg1: memref<2000x5xf32, #tpu.memory_space<vmem>>, %arg2: memref<2x2000x8xf32, #tpu.memory_space<vmem>>, %arg3: memref<5x2xf32, #tpu.memory_space<vmem>>, %arg4: memref<1x2xf32, #tpu.memory_space<vmem>>, %arg5: memref<2000x2xf32, #tpu.memory_space<vmem>>) attributes {dimension_semantics = [#tpu.dimension_semantics<arbitrary>], iteration_bounds = array<i64: 50>, scalar_prefetch = 0 : i64, scratch_operands = 0 : i64, tpu.core_type = #tpu.core_type<tc>, window_params = [{transform_indices = @transform_0, window_bounds = array<i64: 2000, 5>}, {transform_indices = @transform_1, window_bounds = array<i64: 2, 2000, 8>}, {pipeline_mode = #tpu.pipeline_mode<synchronous>, transform_indices = @transform_2, window_bounds = array<i64: 5, 2>}, {pipeline_mode = #tpu.pipeline_mode<synchronous>, transform_indices = @transform_3, window_bounds = array<i64: 1, 2>}, {transform_indices = @transform_4, window_bounds = array<i64: 2000, 2>}]} {
    %get3A = arith.constant 0 : index
    %get3A_0 = arith.constant 0 : index
    %get3A_1 = vector.load %arg1[%get3A, %get3A_0] : memref<2000x5xf32, #tpu.memory_space<vmem>>, vector<2000x5xf32>
    %get3A_2 = arith.constant 0 : index
    %get3A_3 = arith.constant 0 : index
    %get3A_4 = arith.constant 0 : index
    %get3A_5 = vector.load %arg2[%get3A_2, %get3A_3, %get3A_4] : memref<2x2000x8xf32, #tpu.memory_space<vmem>>, vector<1x2000x5xf32>
    %get3A_6 = vector.shape_cast %get3A_5 : vector<1x2000x5xf32> to vector<2000x5xf32>
    %add3A = arith.addf %get3A_1, %get3A_6 : vector<2000x5xf32>
    %get3A_7 = arith.constant 1 : index
    %get3A_8 = arith.constant 0 : index
    %get3A_9 = arith.constant 0 : index
    %get3A_10 = vector.load %arg2[%get3A_7, %get3A_8, %get3A_9] : memref<2x2000x8xf32, #tpu.memory_space<vmem>>, vector<1x2000x5xf32>
    %get3A_11 = vector.shape_cast %get3A_10 : vector<1x2000x5xf32> to vector<2000x5xf32>
    %add3A_12 = arith.addf %add3A, %get3A_11 : vector<2000x5xf32>
    %gt3A = arith.constant 0.000000e+00 : f32
    %gt3A_13 = vector.broadcast %gt3A : f32 to vector<2000x5xf32>
    %gt3A_14 = arith.cmpf ogt, %add3A_12, %gt3A_13 : vector<2000x5xf32>
    %mul3A = arith.constant 0.00999999977 : f32
    %mul3A_15 = vector.broadcast %mul3A : f32 to vector<2000x5xf32>
    %mul3A_16 = arith.mulf %mul3A_15, %add3A_12 : vector<2000x5xf32>
    %select_n3A = arith.select %gt3A_14, %add3A_12, %mul3A_16 : vector<2000x5xi1>, vector<2000x5xf32>
    %get3A_17 = arith.constant 0 : index
    %get3A_18 = arith.constant 0 : index
    %get3A_19 = vector.load %arg3[%get3A_17, %get3A_18] : memref<5x2xf32, #tpu.memory_space<vmem>>, vector<5x2xf32>
    %dot_general3A = arith.constant dense<0.000000e+00> : vector<2000x2xf32>
    %dot_general3A_20 = tpu.matmul %select_n3A, %get3A_19, %dot_general3A {dimension_numbers = #tpu.dot_dimension_numbers<[1], [0], [0], [1], [0, 0, 1, 1], [], []>, transpose_lhs_hint = false} : vector<2000x5xf32>, vector<5x2xf32>, vector<2000x2xf32> -> vector<2000x2xf32>
    %get3A_21 = arith.constant 0 : index
    %get3A_22 = arith.constant 0 : index
    %get3A_23 = vector.load %arg4[%get3A_21, %get3A_22] : memref<1x2xf32, #tpu.memory_space<vmem>>, vector<1x2xf32>
    %add3A_24 = vector.broadcast %get3A_23 : vector<1x2xf32> to vector<2000x2xf32>
    %add3A_25 = arith.addf %dot_general3A_20, %add3A_24 : vector<2000x2xf32>
    %swap3A = arith.constant 0 : index
    %swap3A_26 = arith.constant 0 : index
    %swap3A_27 = vector.load %arg5[%swap3A, %swap3A_26] : memref<2000x2xf32, #tpu.memory_space<vmem>>, vector<2000x2xf32>
    tpu.vector_store %arg5[%swap3A, %swap3A_26], %add3A_25 {strides = array<i32>} : memref<2000x2xf32, #tpu.memory_space<vmem>>, vector<2000x2xf32>,
    return
  }
  func.func @transform_0(%arg0: i32) -> (i32, i32) {
    %c0_i32 = arith.constant 0 : i32
    %c0_i32_0 = arith.constant 0 : i32
    return %arg0, %c0_i32 : i32, i32
  }
  func.func @transform_1(%arg0: i32) -> (i32, i32, i32) {
    %c0_i32 = arith.constant 0 : i32
    %c0_i32_0 = arith.constant 0 : i32
    %c0_i32_1 = arith.constant 0 : i32
    return %c0_i32, %arg0, %c0_i32_0 : i32, i32, i32
  }
  func.func @transform_2(%arg0: i32) -> (i32, i32) {
    %c0_i32 = arith.constant 0 : i32
    %c0_i32_0 = arith.constant 0 : i32
    %c0_i32_1 = arith.constant 0 : i32
    return %c0_i32, %c0_i32_0 : i32, i32
  }
  func.func @transform_3(%arg0: i32) -> (i32, i32) {
    %c0_i32 = arith.constant 0 : i32
    %c0_i32_0 = arith.constant 0 : i32
    %c0_i32_1 = arith.constant 0 : i32
    return %c0_i32, %c0_i32_0 : i32, i32
  }
  func.func @transform_4(%arg0: i32) -> (i32, i32) {
    %c0_i32 = arith.constant 0 : i32
    %c0_i32_0 = arith.constant 0 : i32
    return %arg0, %c0_i32 : i32, i32
  }
}

</mosaic_0001>

<sc_bundles>
// kernel: kernel.11.cloned.1.call-start
scs
__scs_entry_jumppad:
0x0: {  	(pc) =	sbr.rel $0x88, $3  }
0x1: {  	(tag) =	ssettag $0x0;
	lr =	simm.s32 $0x1  }
0x2: {  	[smem:$0x3F97] =	sst lr;
	_ =	strace $0xD0000000  }
0x3: {  	_ = 	snop  }
0x4: {  	_ = 	snop  }
0x5: {  	_ = 	snop  }
0x6: {  	_ = 	snop  }
0x7: {  	_ = 	snop  }
__scs_overlays_trampoline_lowered:
0x8: {  	[smem:$0x3FA6] =	sst s0  }
0x9: {  	[smem:$0x3FA7] =	sst s1  }
0xa: {  	[smem:$0x3FA8] =	sst s2  }
0xb: {  	[smem:$0x3FA9] =	sst s3  }
0xc: {  	[smem:$0x3FAA] =	sst s4  }
0xd: {  	[smem:$0x3FAB] =	sst s5  }
0xe: {  	[smem:$0x3FAC] =	sst s6  }
0xf: {  	[smem:$0x3FAD] =	sst s7  }
0x10: {  	[smem:$0x3FAE] =	sst s8  }
0x11: {  	[smem:$0x3FAF] =	sst s9;
	s0 =	simm.s32 @!p0 $0x0  }
0x12: {  	s1 =	sld [smem:$0x3F95];
	s0 =	simm.s32 @p0 $0x1  }
0x13: {  	[smem:$0x3FB0] =	sst s0;
	s0 =	simm.s32 @!p1 $0x0  }
0x14: {  	s2 =	sld [smem:$0x3F94];
	s0 =	simm.s32 @p1 $0x1  }
0x15: {  	[smem:$0x3FB1] =	sst s0;
	s0 =	simm.s32 @!p2 $0x0  }
0x16: {  	s3 =	sld [smem:$0x3FDB];
	s0 =	simm.s32 @p2 $0x1  }
0x17: {  	s4 =	simm.s32 $0x1BF5;
	[smem:$0x3FB3] =	sst s0  }
0x18: {  	s0 =	sld [smem:$0x3F96];
	_ =	swait.ge [sflag:s4], $0x0  }
0x19: {  	s7 =	sld [smem:$0x3F97]  }
0x1a: {  	s8 =	sadd.s32 $0xFFFFE003, lr  }
0x1b: {  	s9 =	sadd.s32 $0xFFFFFEF7, lr;
	s5 =	simm.s32 $0xFFFFFFFF;
	p2 =	slt.u32 s8, $0xFFFFF086  }
0x1c: {  	p1 =	slt.u32 s9, $0xF7A;
	s5 =	simm.s32 @!p2 $0x0  }
0x1d: {  	s5 =	simm.s32 @p1 $0x1;
	p0 =	seq.s32 s7, s2  }
0x1e: {  	s7 =	smul.u32 @!p0 $0xF7A, s2;
	p2 =	seq.s32 @!p0 s5, $0x0  }
0x1f: {  	s9 =	smul.u32 $0xF7A, s1;
	s8 =	simm.s32 @!p0 $0x1BF5;
	p2 =	por !p2, p0  }
0x20: {  	[sflag:s8] =	ssyncset.s32 @!p0 $0xFFFFF086;
	s6 =	sadd.s32 @!p0 s3, s7;
	s7 =	simm.s32 @!p0 $0x108  }
0x21: {  	s3 =	sadd.s32 s3, s9;
	s6 =	sadd.s32 @!p0 $0x88, s6;
	s7 =	simm.s32 @p2 $0x1082  }
0x22: {  	[simem:s7], [sflag:s8] =	dma.local @!p0 [hbm:s6], $0xF7A  }
0x23: {  	s9 =	sor.u32 $0xD0000000, s2;
	s6 =	simm.s32 $0x108;
	_ =	swait.ge @!p0 [sflag:s8], $0x0  }
0x24: {  	s3 =	sadd.s32 $0x88, s3;
	s6 =	simm.s32 @!p1 $0x1082;
	[sflag:s4] =	ssyncset.s32 $0xFFFFF086  }
0x25: {  	[simem:s6], [sflag:s4] =	dma.local [hbm:s3], $0xF7A  }
0x26: {  	[smem:$0x3F97] =	sst s1;
	(tag) =	ssettag s2;
	_ =	strace s9  }
0x27: {  	s1 =	sld [smem:$0x3FA7]  }
0x28: {  	s2 =	sld [smem:$0x3FA8]  }
0x29: {  	s4 =	sld [smem:$0x3FAA]  }
0x2a: {  	p0 =	seq.s32 s5, $0x0;
	s5 =	sld [smem:$0x3FAB]  }
0x2b: {  	s6 =	sld [smem:$0x3FAC]  }
0x2c: {  	s7 =	sld [smem:$0x3FAD]  }
0x2d: {  	s3 =	simm.s32 $0x108;
	s8 =	sld [smem:$0x3FAE]  }
0x2e: {  	s3 =	simm.s32 @!p0 $0x1082;
	s9 =	sld [smem:$0x3FAF]  }
0x2f: {  	lr =	sadd.s32 s0, s3;
	s0 =	sld [smem:$0x3FA6]  }
0x30: {  	s3 =	sld [smem:$0x3FA9]  }
0x31: {  	[smem:$0x3FB2] =	sst s10  }
0x32: {  	s10 =	sld [smem:$0x3FB0];
	_ =	sdelay $0x3  }
0x33: {  	p0 =	seq.s32 s10, $0x1;
	s10 =	sld [smem:$0x3FB2];
	_ =	sdelay $0x3  }
0x34: {  	[smem:$0x3FB2] =	sst s10  }
0x35: {  	s10 =	sld [smem:$0x3FB1];
	_ =	sdelay $0x3  }
0x36: {  	p1 =	seq.s32 s10, $0x1;
	s10 =	sld [smem:$0x3FB2];
	_ =	sdelay $0x3  }
0x37: {  	[smem:$0x3FB2] =	sst s10  }
0x38: {  	s10 =	sld [smem:$0x3FB3]  }
0x39: {  	_ = 	snop;
	(pc) =	sbr.ind lr, $3  }
0x3a: {  	_ = 	snop  }
0x3b: {  	_ = 	snop  }
0x3c: {  	p2 =	seq.s32 s10, $0x1;
	s10 =	sld [smem:$0x3FB2]  }
0x3d: {  	_ =	shalt  }
0x3e: {  	_ =	shalt  }
0x3f: {  	_ =	shalt  }
0x40: {  	_ =	shalt  }
0x41: {  	_ =	shalt  }
0x42: {  	_ =	shalt  }
0x43: {  	_ =	shalt  }
0x44: {  	_ =	shalt  }
0x45: {  	_ =	shalt  }
0x46: {  	_ =	shalt  }
0x47: {  	_ =	shalt  }
0x48: {  	_ =	shalt  }
0x49: {  	_ =	shalt  }
0x4a: {  	_ =	shalt  }
0x4b: {  	_ =	shalt  }
0x4c: {  	_ =	shalt  }
0x4d: {  	_ =	shalt  }
0x4e: {  	_ =	shalt  }
0x4f: {  	_ =	shalt  }
0x50: {  	_ =	shalt  }
0x51: {  	_ =	shalt  }
0x52: {  	_ =	shalt  }
0x53: {  	_ =	shalt  }
0x54: {  	_ =	shalt  }
0x55: {  	_ =	shalt  }
0x56: {  	_ =	shalt  }
0x57: {  	_ =	shalt  }
0x58: {  	_ =	shalt  }
0x59: {  	_ =	shalt  }
0x5a: {  	_ =	shalt  }
0x5b: {  	_ =	shalt  }
0x5c: {  	_ =	shalt  }
0x5d: {  	_ =	shalt  }
0x5e: {  	_ =	shalt  }
0x5f: {  	_ =	shalt  }
0x60: {  	_ =	shalt  }
0x61: {  	_ =	shalt  }
0x62: {  	_ =	shalt  }
0x63: {  	_ =	shalt  }
0x64: {  	_ =	shalt  }
0x65: {  	_ =	shalt  }
0x66: {  	_ =	shalt  }
0x67: {  	_ =	shalt  }
0x68: {  	_ =	shalt  }
0x69: {  	_ =	shalt  }
0x6a: {  	_ =	shalt  }
0x6b: {  	_ =	shalt  }
0x6c: {  	_ =	shalt  }
0x6d: {  	_ =	shalt  }
0x6e: {  	_ =	shalt  }
0x6f: {  	_ =	shalt  }
0x70: {  	_ =	shalt  }
0x71: {  	_ =	shalt  }
0x72: {  	_ =	shalt  }
0x73: {  	_ =	shalt  }
0x74: {  	_ =	shalt  }
0x75: {  	_ =	shalt  }
0x76: {  	_ =	shalt  }
0x77: {  	_ =	shalt  }
0x78: {  	_ =	shalt  }
0x79: {  	_ =	shalt  }
0x7a: {  	_ =	shalt  }
0x7b: {  	_ =	shalt  }
0x7c: {  	_ =	shalt  }
0x7d: {  	_ =	shalt  }
0x7e: {  	_ =	shalt  }
0x7f: {  	_ =	shalt  }
0x80: {  	_ =	shalt  }
0x81: {  	_ =	shalt  }
0x82: {  	_ =	shalt  }
0x83: {  	_ =	shalt  }
0x84: {  	_ =	shalt  }
0x85: {  	_ =	shalt  }
0x86: {  	_ =	shalt  }
0x87: {  	_ =	shalt  }
.Lfunc_end0:
.L_simem_size_0:
called_computation.1_lowered:
.L_overlay_start_0:
0x88: {  	s2 =	sld [smem:$0x3FD9]  }
0x89: {  	s3 =	sld [smem:$0x3FFE];
	_ =	sdelay $0x1  }
0x8a: {  	s1 =	srdreg.scid  }
0x8b: {  	s0 =	sand.u32 $0x1, s1  }
0x8c: {  	s16 =	sshll.u32 s0, $0xA;
	s2 =	sadd.s32 s3, s2  }
0x8d: {  	s2 =	sadd.s32 s2, s16  }
0x8e: {  	[smem:$0x3FBE] =	sst s2  }
0x8f: {  	_ = 	snop  }
0x90: {  	(tm) =	ssettm $0x1  }
0x91: {  	s17 =	sld [smem:$0x3FFB];
	_ =	sdelay $0x3  }
0x92: {  	_ =	strace s17  }
0x93: {  	s2 =	sld [smem:$0x3FFC];
	_ =	sdelay $0x3  }
0x94: {  	_ =	strace s2  }
0x95: {  	s2 =	sld [smem:$0x3FFD];
	_ =	sdelay $0x3  }
0x96: {  	_ =	strace s2  }
0x97: {  	_ =	strace $0x8FFFFFFF  }
0x98: {  	s18 =	sld [smem:$0x3FDB];
	_ =	sdelay $0x1  }
0x99: {  	s19 =	simm.s32 $_scs_section_size  }
0x9a: {  	s4 =	simm.s32 $_size__tile_overlayer_lowered;
	s5 =	simm.s32 $_tile_overlayer_lowered  }
0x9b: {  	s22 =	simm.s32 $0x1BFF;
	s21 =	sshll.u32 s5, $0x1;
	s2 =	sadd.s32 s19, s18  }
0x9c: {  	s6 =	simm.s32 $0x0;
	s20 =	sshll.u32 s4, $0x1;
	s4 =	sadd.s32 s21, s2  }
0x9d: {  	[timem:s6], [sflag:s22] =	dma.local [hbm:s4], s20  }
0x9e: {  	_ =	swait.ge [sflag:s22], s20  }
0x9f: {  	s3 =	ssub.s32 $0x0, s20;
	[sflag:s22] =	ssyncset.done $0x0  }
0xa0: {  	[sflag:s22] =	ssyncadd.s32 s3;
	_ =	sdelay $0x1  }
0xa1: {  	s23 =	simm.s32 $0x1B8B  }
0xa2: {  	_ =	swait.ge [sflag:s23], $0x1  }
0xa3: {  	[sflag:s23] =	ssyncset.done $0x0  }
0xa4: {  	s25 =	simm.s32 $0x1B8E;
	s24 =	sld [smem:$0x3FFE];
	[sflag:s23] =	ssyncadd.s32 $0xFFFFFFFF  }
0xa5: {  	s26 =	simm.s32 $execute0_lowered;
	[smem:$0x3FD2] =	sst s25  }
0xa6: {  	s4 =	sshll.u32 s26, $0x1;
	_ =	strace $0x80000046;
	[dreg:$0x1] =	wrdreg $0xFFFFFFFF  }
0xa7: {  	s28 =	simm.s32 $_size_execute0_lowered;
	s2 =	sadd.s32 s2, s4;
	[dreg:$0x0] =	wrdreg $0x0  }
0xa8: {  	s4 =	sshll.u32 s28, $0x1;
	[dreg:$0x2] =	wrdreg s2  }
0xa9: {  	[dreg:$0x3] =	wrdreg s4  }
0xaa: {  	[dreg:$0x4] =	wrdreg $0xC0  }
0xab: {  	_ =	task [dreg:s6], $0x5FFFF  }
0xac: {  	[dreg:$0x1] =	wrdreg $0xFFFFFFFF  }
0xad: {  	[dreg:$0x0] =	wrdreg $0x60  }
0xae: {  	[dreg:$0x2] =	wrdreg s24  }
0xaf: {  	[dreg:$0x3] =	wrdreg $0x0  }
0xb0: {  	[dreg:$0x4] =	wrdreg $0xA  }
0xb1: {  	_ =	task.clear_ibuf [dreg:s6], $0x5FFFF;
	_ =	strace $0x90000046  }
0xb2: {  	s29 =	simm.s32 $0xA;
	_ =	strace $0x80000048  }
0xb3: {  	_ =	swait.ge [sflag:s29], $0x1  }
0xb4: {  	[sflag:s29] =	ssyncadd.s32 $0xFFFFFFFF  }
0xb5: {  	_ =	strace $0x90000048  }
0xb6: {  	_ =	sfence  }
0xb7: {  	s30 =	sld [smem:$0x0];
	_ =	sdelay $0x2  }
0xb8: {  	s31 =	sshll.u32 s1, $0xD;
	s1 =	sshrl.u32 s1, $0x2  }
0xb9: {  	s3 =	sand.u32 $0x4000, s31;
	s1 =	sadd.s32 s1, s30  }
0xba: {  	s0 =	sor.u32 s3, s0;
	s1 =	sshll.u32 s1, $0x11  }
0xbb: {  	s0 =	sor.u32 s1, s0  }
0xbc: {  	s0 =	sadd.s32 $0x8F2B, s0  }
0xbd: {  	[sflag:s0] =	ssyncadd.remote.s32 $0x1  }
0xbe: {  	_ =	sfence.sel $0xFFFF  }
0xbf: {  	[dreg:$0x0] =	wrdreg $0xFFFFFFFF;
	(pc) =	sbr.abs _section_cstart, $3  }
0xc0: {  	[dreg:$0x1] =	wrdreg $0xFFFFFFFF  }
0xc1: {  	_ =	task.clear_ibuf [dreg:s6], $0x2FFFF;
	_ =	strace $0x9FFFFFFF  }
0xc2: {  	(tm) =	ssettm $0x7FFFFFFF  }
0xc3: {  	_ =	shalt  }
tec
execute0_lowered:
.L_overlay_start_1:
0x0: {  	(tag) =	ssettag $0x1  }
0x1: {  	s0 =	rddreg [dreg:$0x0]  }
0x2: {  	s2 =	rddreg [dreg:$0x1];
	s1 =	simm.s32 $0x0;
	s13 =	stileid.u32  }
0x3: {  	s3 =	srdreg.scid;
	s16 =	simm.s32 $0x1;
	s17 =	simm.s32 $0x50  }
0x4: {  	s18 =	simm.s32 $0xCB20;
	s19 =	simm.s32 $0xC3A0;
	s28 =	simm.s32 $0x2  }
0x5: {  	s29 =	simm.s32 $0x3;
	s30 =	simm.s32 $0x4;
	s31 =	simm.s32 $0x5  }
0x6: {  	s14 =	simm.s32 $0x8;
	s15 =	simm.s32 $0x9;
	[smem:$0x7FF] =	sst s1  }
0x7: {  	s20 =	smul.u32 $0xC350, s13;
	s4 =	sadd.s32 $0x3600, s0;
	s5 =	sadd.s32 $0x1BE00, s0  }
0x8: {  	s3 =	sand.u32 $0x1, s3;
	s22 =	sshll.u32 s13, $0x6;
	s24 =	smul.u32 $0x186A, s13  }
0x9: {  	_ =	strace $0x80000047;
	s8 =	smul.u32 $0x186A0, s3;
	s6 =	sshll.u32 s3, $0x4  }
0xa: {  	s10 =	ssub.s32 $0x2, s3;
	s3 =	smul.u32 $0xC3500, s3;
	s7 =	sshrl.u32 s20, $0x3  }
0xb: {  	s6 =	sor.u32 s13, s6;
	s11 =	sshrl.u32 s10, $0x1;
	s21 =	sadd.s32 s20, s2  }
0xc: {  	s13 =	simm.s32 $0xC;
	s9 =	sadd.s32 s7, s0;
	s0 =	sadd.s32 s8, s0  }
0xd: {  	s6 =	smul.u32 $0xC350, s6;
	s10 =	ssub.s32 s10, s11;
	s1 =	sadd.s32 s20, s3  }
0xe: {  	s8 =	sadd.s32 s8, s5;
	s20 =	simm.s32 $0xCDA0;
	s3 =	simm.s32 $0xA  }
0xf: {  	s9 =	sadd.s32 $0x7DA00, s9;
	s1 =	sadd.s32 $0x186B90, s1;
	s0 =	sadd.s32 $0x96200, s0  }
0x10: {  	s25 =	smax.u32 s10, $0x1;
	s26 =	sadd.s32 s24, s8;
	s10 =	sshrl.u32 s21, $0x3  }
0x11: {  	s21 =	simm.s32 $0xC3F0;
	s8 =	simm.s32 $0x0;
	[dreg:$0x3] =	wrdreg s9  }
0x12: {  	s12 =	sshrl.u32 s6, $0x3;
	s9 =	sor.u32 $0x1C0C, s22;
	[dreg:$0x7] =	wrdreg s25  }
0x13: {  	s1 =	sshrl.u32 s1, $0x3;
	s0 =	sadd.s32 s7, s0;
	[dreg:$0xa] =	wrdreg s10  }
0x14: {  	s22 =	simm.s32 $0xD020;
	s25 =	simm.s32 $0xD2A0;
	[dreg:$0xb] =	wrdreg s0  }
.Ltmp0:
0x15: {  	s6 =	sadd.s32 s5, s12;
	[dreg:$0x4] =	wrdreg s9;
	(pc) =	sbr.rel .LBB2_1-.Ltmp0, $4  }
0x16: {  	s1 =	sadd.s32 s1, s5;
	s0 =	simm.s32 $0x6;
	[dreg:$0x5] =	wrdreg s6  }
0x17: {  	s5 =	simm.s32 $0xB;
	s23 =	sadd.s32 $0x30D40, s6;
	[dreg:$0x8] =	wrdreg s1  }
0x18: {  	s1 =	sadd.s32 $0x32, s26;
	s26 =	simm.s32 $0xD520;
	[dreg:$0x6] =	wrdreg s23  }
0x19: {  	[dreg:$0x9] =	wrdreg s1;
	s23 =	simm.s32 $0xC440;
	s1 =	simm.s32 $0x7  }
.LBB2_6:
0x1a: {  	_ =	swait.ge [sflag:s1], $0x280  }
0x1b: {  	[sflag:s1] =	ssyncset.done $0x0  }
0x1c: {  	[sflag:s1] =	ssyncadd.s32 $0xFFFFFD80  }
0x1d: {  	_ =	swait.ge [sflag:s14], $0x280  }
0x1e: {  	[sflag:s14] =	ssyncset.done $0x0  }
0x1f: {  	[sflag:s14] =	ssyncadd.s32 $0xFFFFFD80  }
0x20: {  	_ =	swait.ge [sflag:s15], $0x280  }
0x21: {  	[sflag:s15] =	ssyncset.done $0x0  }
0x22: {  	[sflag:s15] =	ssyncadd.s32 $0xFFFFFD80  }
0x23: {  	_ =	swait.ge [sflag:s3], $0x280  }
0x24: {  	[sflag:s3] =	ssyncset.done $0x0  }
0x25: {  	[sflag:s3] =	ssyncadd.s32 $0xFFFFFD80  }
0x26: {  	_ =	swait.ge [sflag:s5], $0x280  }
0x27: {  	[sflag:s5] =	ssyncset.done $0x0  }
0x28: {  	[sflag:s5] =	ssyncadd.s32 $0xFFFFFD80  }
0x29: {  	[bflag:$0x0] =	sbarrier.arrive $0xFFFF  }
0x2a: {  	s9 =	rddreg [dreg:$0x4]  }
0x2b: {  	s10 =	rddreg [dreg:$0xa]  }
0x2c: {  	s6 =	rddreg [dreg:$0xb]  }
0x2d: {  	[hbm:s6], [sflag:s9] =	dma.local [spmem:s10], $0x186A  }
0x2e: {  	_ =	swait.ge [sflag:s13], $0x186A  }
0x2f: {  	s8 =	sadd.s32 $0x1, s8;
	s24 =	rddreg [dreg:$0x7]  }
0x30: {  	p0 =	sne.s32 s8, s24  }
.Ltmp1:
0x31: {  	_ = 	snop;
	(pc) =	sbr.rel @!p0 .LBB2_7-.Ltmp1, $3  }
0x32: {  	_ =	sdelay $0x1  }
0x33: {  	[sflag:s13] =	ssyncset.done $0x0  }
0x34: {  	[sflag:s13] =	ssyncadd.s32 $0xFFFFE796  }
.LBB2_1:
0x35: {  	s6 =	rddreg [dreg:$0x3]  }
0x36: {  	[spmem:s10], [sflag:s9] =	dma.local [hbm:s6], $0x186A  }
0x37: {  	_ =	swait.ge [sflag:s13], $0x186A  }
0x38: {  	[sflag:s13] =	ssyncset.done $0x0  }
0x39: {  	[sflag:s13] =	ssyncadd.s32 $0xFFFFE796  }
0x3a: {  	[bflag:$0x0] =	sbarrier.arrive $0xFFFF  }
0x3b: {  	s11 =	simm.s32 $0xC350;
	s7 =	rddreg [dreg:$0x5]  }
.Ltmp2:
0x3c: {  	s10 =	simm.s32 $0x0;
	s12 =	rddreg [dreg:$0x6];
	(pc) =	sbr.rel .LBB2_2-.Ltmp2, $4  }
0x3d: {  	[tilespmem:s11], [sflag:$0x1] =	stream.linear.gather [hbm4b:s7+s10], $0x190, $0x38;
	[tilespmem:$0xD7A0] =	vst v63  }
0x3e: {  	s24 =	simm.s32 $0xC670;
	s11 =	rddreg [dreg:$0x9]  }
0x3f: {  	[tilespmem:s24], [sflag:$0x1] =	stream.linear.gather [hbm4b:s12+s10], $0x190, $0x38;
	[tilespmem:$0xD7A0] =	vst v63  }
0x40: {  	s9 =	simm.s32 $0x0;
	s10 =	rddreg [dreg:$0x8]  }
.LBB2_4:
0x41: {  	s6 =	sand.u32 $0x1, s9  }
0x42: {  	_ =	swait.ge [sflag:s1], $0x280;
	p0 =	seq.s32 s6, $0x1;
	s6 =	simm.s32 $0x190  }
0x43: {  	[sflag:s1] =	ssyncset.done $0x0;
	s6 =	simm.s32 @!p0 $0x0  }
0x44: {  	[sflag:s1] =	ssyncadd.s32 $0xFFFFFD80;
	s24 =	sadd.s32 $0xC350, s6  }
0x45: {  	[tilespmem:s18], [sflag:$0x2] =	stream.indirect.gather [hbm4b:s4+s17], $0x8, s24, s17, $0xb8;
	[tilespmem:$0xD7A0] =	vst v63  }
0x46: {  	_ =	swait.ge [sflag:s14], $0x280  }
0x47: {  	[sflag:s14] =	ssyncset.done $0x0  }
0x48: {  	s12 =	sadd.s32 $0xC3A0, s6;
	[sflag:s14] =	ssyncadd.s32 $0xFFFFFD80  }
0x49: {  	[tilespmem:s20], [sflag:$0x3] =	stream.indirect.gather [hbm4b:s4+s17], $0x8, s12, s17, $0xb8;
	[tilespmem:$0xD7A0] =	vst v63  }
0x4a: {  	_ =	swait.ge [sflag:s15], $0x280  }
0x4b: {  	[sflag:s15] =	ssyncset.done $0x0  }
0x4c: {  	s12 =	sadd.s32 $0xC3F0, s6;
	[sflag:s15] =	ssyncadd.s32 $0xFFFFFD80  }
0x4d: {  	[tilespmem:s22], [sflag:$0x4] =	stream.indirect.gather [hbm4b:s4+s17], $0x8, s12, s17, $0xb8;
	[tilespmem:$0xD7A0] =	vst v63  }
0x4e: {  	_ =	swait.ge [sflag:s3], $0x280  }
0x4f: {  	[sflag:s3] =	ssyncset.done $0x0  }
0x50: {  	s6 =	sor.u32 $0xC440, s6;
	[sflag:s3] =	ssyncadd.s32 $0xFFFFFD80  }
0x51: {  	[tilespmem:s25], [sflag:$0x5] =	stream.indirect.gather [hbm4b:s4+s17], $0x8, s6, s17, $0xb8;
	[tilespmem:$0xD7A0] =	vst v63  }
0x52: {  	_ =	swait.ge [sflag:s5], $0x280  }
0x53: {  	[sflag:s5] =	ssyncset.done $0x0  }
0x54: {  	[sflag:s5] =	ssyncadd.s32 $0xFFFFFD80  }
.LBB2_5:
0x55: {  	s6 =	smul.u32 $0xAB, s9;
	_ =	sdelay $0x1  }
0x56: {  	s6 =	sshrl.u32 s6, $0x9  }
0x57: {  	s6 =	sand.u32 $0x7F, s6  }
0x58: {  	s24 =	sadd.s32 $0x140, s24;
	s6 =	smul.u32 $0x3, s6  }
0x59: {  	[tilespmem:s26], [sflag:$0x6] =	stream.indirect.gather [hbm4b:s4+s17], $0x8, s24, s17, $0xb8;
	[tilespmem:$0xD7A0] =	vst v63  }
0x5a: {  	s6 =	ssub.s32 s9, s6  }
0x5b: {  	s6 =	sand.u32 $0xFF, s6  }
0x5c: {  	s6 =	smul.u32 $0x640, s6  }
0x5d: {  	_ =	swait.ge [sflag:s28], $0x280  }
0x5e: {  	[sflag:s28] =	ssyncset.done $0x0;
	s6 =	sshrl.u32 s6, $0x2  }
0x5f: {  	[sflag:s28] =	ssyncadd.s32 $0xFFFFFD80;
	s12 =	sadd.s32 $0xC670, s6  }
0x60: {  	[spmem:s2] =	stream.indirect.scatter.add.f32 [tilespmem:s18], [sflag:$0x7], $0x8, s12, s17, $0xb8;
	[tilespmem:$0xD7A0] =	vst v63  }
0x61: {  	_ =	swait.ge [sflag:s29], $0x280  }
0x62: {  	[sflag:s29] =	ssyncset.done $0x0  }
0x63: {  	s24 =	sadd.s32 $0xC6C0, s6;
	[sflag:s29] =	ssyncadd.s32 $0xFFFFFD80  }
0x64: {  	[spmem:s2] =	stream.indirect.scatter.add.f32 [tilespmem:s20], [sflag:$0x8], $0x8, s24, s17, $0xb8;
	[tilespmem:$0xD7A0] =	vst v63  }
0x65: {  	_ =	swait.ge [sflag:s30], $0x280  }
0x66: {  	[sflag:s30] =	ssyncset.done $0x0  }
0x67: {  	s12 =	sadd.s32 $0xC710, s6;
	[sflag:s30] =	ssyncadd.s32 $0xFFFFFD80  }
0x68: {  	[spmem:s2] =	stream.indirect.scatter.add.f32 [tilespmem:s22], [sflag:$0x9], $0x8, s12, s17, $0xb8;
	[tilespmem:$0xD7A0] =	vst v63  }
0x69: {  	_ =	swait.ge [sflag:s31], $0x280  }
0x6a: {  	[sflag:s31] =	ssyncset.done $0x0  }
0x6b: {  	p0 =	sne.s32 s7, $0x7D;
	s24 =	sadd.s32 $0xC760, s6;
	[sflag:s31] =	ssyncadd.s32 $0xFFFFFD80  }
0x6c: {  	[spmem:s2] =	stream.indirect.scatter.add.f32 [tilespmem:s25], [sflag:$0xA], $0x8, s24, s17, $0xb8;
	[tilespmem:$0xD7A0] =	vst v63  }
.Ltmp3:
0x6d: {  	_ = 	snop;
	(pc) =	sbr.rel @!p0 .LBB2_6-.Ltmp3, $4  }
0x6e: {  	_ =	swait.ge [sflag:s0], $0x280  }
0x6f: {  	s10 =	sadd.s32 $0x32, s10;
	s11 =	sadd.s32 $0x32, s11;
	[sflag:s0] =	ssyncset.done $0x0  }
0x70: {  	s9 =	smov.u32 s7;
	s6 =	sadd.s32 $0xC7B0, s6;
	[sflag:s0] =	ssyncadd.s32 $0xFFFFFD80  }
0x71: {  	[spmem:s2] =	stream.indirect.scatter.add.f32 [tilespmem:s26], [sflag:$0xB], $0x8, s6, s17, $0xb8;
	[tilespmem:$0xD7A0] =	vst v63  }
.LBB2_2:
0x72: {  	s7 =	sadd.s32 $0x1, s9;
	p0 =	seq.s32 s9, $0x7C  }
0x73: {  	s24 =	smul.u32 @!p0 $0xAB, s7;
	_ =	sdelay $0x1  }
0x74: {  	s24 =	sshrl.u32 @!p0 s24, $0x9  }
0x75: {  	_ =	swait.ge [sflag:s16], $0x190;
	s24 =	sand.u32 @!p0 $0x7F, s24  }
0x76: {  	[sflag:s16] =	ssyncset.done $0x0;
	s6 =	sand.u32 @!p0 $0x1, s7;
	s24 =	smul.u32 @!p0 $0x3, s24  }
0x77: {  	s12 =	simm.s32 @!p0 $0x0;
	[sflag:s16] =	ssyncadd.s32 $0xFFFFFE70;
	p1 =	seq.s32 @!p0 s6, $0x1  }
0x78: {  	_ =	swait.ge [sflag:s16], $0x190;
	p1 =	por !p1, p0;
	s6 =	ssub.s32 @!p0 s7, s24  }
0x79: {  	[sflag:s16] =	ssyncset.done $0x0;
	s24 =	simm.s32 @!p0 $0xC4E0;
	s6 =	sand.u32 @!p0 $0xFF, s6  }
0x7a: {  	[sflag:s16] =	ssyncadd.s32 $0xFFFFFE70;
	s24 =	simm.s32 @p1 $0xC350;
	s6 =	smul.u32 @!p0 $0x640, s6  }
0x7b: {  	[tilespmem:s24], [sflag:$0x1] =	stream.linear.gather @!p0 [hbm4b:s11+s12], $0x190, $0x38;
	[tilespmem:$0xD7A0] =	vst v63  }
0x7c: {  	s6 =	sshrl.u32 @!p0 s6, $0x2  }
0x7d: {  	p1 =	sne.s32 @!p0 s9, $0x0;
	s6 =	sadd.s32 @!p0 $0xC670, s6  }
0x7e: {  	[tilespmem:s6], [sflag:$0x1] =	stream.linear.gather @!p0 [hbm4b:s10+s12], $0x190, $0x38;
	[tilespmem:$0xD7A0] =	vst v63  }
0x7f: {  	p0 =	por p0, p1  }
.Ltmp4:
0x80: {  	_ = 	snop;
	(pc) =	sbr.rel @p0 .LBB2_4-.Ltmp4, $1  }
0x81: {  	_ =	sdelay $0x3  }
0x82: {  	s24 =	simm.s32 $0xC350  }
0x83: {  	[tilespmem:s18], [sflag:$0x2] =	stream.indirect.gather [hbm4b:s4+s17], $0x8, s24, s17, $0xb8;
	[tilespmem:$0xD7A0] =	vst v63  }
0x84: {  	_ = 	snop  }
0x85: {  	[tilespmem:s20], [sflag:$0x3] =	stream.indirect.gather [hbm4b:s4+s17], $0x8, s19, s17, $0xb8;
	[tilespmem:$0xD7A0] =	vst v63  }
.Ltmp5:
0x86: {  	_ = 	snop;
	(pc) =	sbr.rel .LBB2_5-.Ltmp5, $4  }
0x87: {  	_ = 	snop  }
0x88: {  	[tilespmem:s22], [sflag:$0x4] =	stream.indirect.gather [hbm4b:s4+s17], $0x8, s21, s17, $0xb8;
	[tilespmem:$0xD7A0] =	vst v63  }
0x89: {  	_ = 	snop  }
0x8a: {  	[tilespmem:s25], [sflag:$0x5] =	stream.indirect.gather [hbm4b:s4+s17], $0x8, s23, s17, $0xb8;
	[tilespmem:$0xD7A0] =	vst v63  }
.LBB2_7:
0x8b: {  	_ =	sfence.sel $0x180000  }
0x8c: {  	[bflag:$0x0] =	sbarrier.arrive $0xFFFF  }
0x8d: {  	_ =	strace $0x90000047  }
0x8e: {  	s0 =	stileid.u32;
	[bflag:$0x2] =	sbarrier.arrive $0xFFFF  }
0x8f: {  	p0 =	sne.s32 s0, $0x0;
	s0 =	rddreg [dreg:$0x2]  }
0x90: {  	s0 =	sadd.s32 @!p0 $0x100000, s0  }
0x91: {  	[sflag:s0] =	ssyncadd.tile.s32 @!p0 $0x1;
	_ =	shalt  }
.Lfunc_end2:
_tile_overlayer_lowered:
.L_overlay_start_2:
0x92: {  	(tag) =	ssettag $0x2  }
0x93: {  	s0 =	rddreg [dreg:$0x0];
	s2 =	stileid.u32  }
0x94: {  	s1 =	rddreg [dreg:$0x1];
	p0 =	sne.s32 s2, $0x0  }
0x95: {  	s3 =	rddreg [dreg:$0x2];
	[bflag:$0x3] =	sbarrier.arrive $0xFFFF;
	s2 =	simm.s32 @!p0 $0x1C0C  }
0x96: {  	[timem:s3], [sflag:s2] =	dma.local @!p0 [hbm:s0], s1  }
0x97: {  	s0 =	simm.s32 @!p0 $0xC  }
0x98: {  	_ =	swait.ge @!p0 [sflag:s0], s1  }
0x99: {  	s1 =	ssub.s32 @!p0 $0x0, s1;
	[sflag:s0] =	ssyncset.done @!p0 $0x0  }
0x9a: {  	[sflag:s0] =	ssyncadd.s32 @!p0 s1  }
0x9b: {  	[bflag:$0x3] =	sbarrier.arrive $0xFFFF  }
0x9c: {  	_ =	shalt  }

// kernel: kernel.14.cloned.1.call-start
scs
__scs_entry_jumppad:
0x0: {  	(pc) =	sbr.rel $0x88, $3  }
0x1: {  	(tag) =	ssettag $0x0;
	lr =	simm.s32 $0x1  }
0x2: {  	[smem:$0x3F97] =	sst lr;
	_ =	strace $0xD0000000  }
0x3: {  	_ = 	snop  }
0x4: {  	_ = 	snop  }
0x5: {  	_ = 	snop  }
0x6: {  	_ = 	snop  }
0x7: {  	_ = 	snop  }
__scs_overlays_trampoline_lowered:
0x8: {  	[smem:$0x3FA6] =	sst s0  }
0x9: {  	[smem:$0x3FA7] =	sst s1  }
0xa: {  	[smem:$0x3FA8] =	sst s2  }
0xb: {  	[smem:$0x3FA9] =	sst s3  }
0xc: {  	[smem:$0x3FAA] =	sst s4  }
0xd: {  	[smem:$0x3FAB] =	sst s5  }
0xe: {  	[smem:$0x3FAC] =	sst s6  }
0xf: {  	[smem:$0x3FAD] =	sst s7  }
0x10: {  	[smem:$0x3FAE] =	sst s8  }
0x11: {  	[smem:$0x3FAF] =	sst s9;
	s0 =	simm.s32 @!p0 $0x0  }
0x12: {  	s1 =	sld [smem:$0x3F95];
	s0 =	simm.s32 @p0 $0x1  }
0x13: {  	[smem:$0x3FB0] =	sst s0;
	s0 =	simm.s32 @!p1 $0x0  }
0x14: {  	s2 =	sld [smem:$0x3F94];
	s0 =	simm.s32 @p1 $0x1  }
0x15: {  	[smem:$0x3FB1] =	sst s0;
	s0 =	simm.s32 @!p2 $0x0  }
0x16: {  	s3 =	sld [smem:$0x3FDB];
	s0 =	simm.s32 @p2 $0x1  }
0x17: {  	s4 =	simm.s32 $0x1BF5;
	[smem:$0x3FB3] =	sst s0  }
0x18: {  	s0 =	sld [smem:$0x3F96];
	_ =	swait.ge [sflag:s4], $0x0  }
0x19: {  	s7 =	sld [smem:$0x3F97]  }
0x1a: {  	s8 =	sadd.s32 $0xFFFFE003, lr  }
0x1b: {  	s9 =	sadd.s32 $0xFFFFFEF7, lr;
	s5 =	simm.s32 $0xFFFFFFFF;
	p2 =	slt.u32 s8, $0xFFFFF086  }
0x1c: {  	p1 =	slt.u32 s9, $0xF7A;
	s5 =	simm.s32 @!p2 $0x0  }
0x1d: {  	s5 =	simm.s32 @p1 $0x1;
	p0 =	seq.s32 s7, s2  }
0x1e: {  	s7 =	smul.u32 @!p0 $0xF7A, s2;
	p2 =	seq.s32 @!p0 s5, $0x0  }
0x1f: {  	s9 =	smul.u32 $0xF7A, s1;
	s8 =	simm.s32 @!p0 $0x1BF5;
	p2 =	por !p2, p0  }
0x20: {  	[sflag:s8] =	ssyncset.s32 @!p0 $0xFFFFF086;
	s6 =	sadd.s32 @!p0 s3, s7;
	s7 =	simm.s32 @!p0 $0x108  }
0x21: {  	s3 =	sadd.s32 s3, s9;
	s6 =	sadd.s32 @!p0 $0x88, s6;
	s7 =	simm.s32 @p2 $0x1082  }
0x22: {  	[simem:s7], [sflag:s8] =	dma.local @!p0 [hbm:s6], $0xF7A  }
0x23: {  	s9 =	sor.u32 $0xD0000000, s2;
	s6 =	simm.s32 $0x108;
	_ =	swait.ge @!p0 [sflag:s8], $0x0  }
0x24: {  	s3 =	sadd.s32 $0x88, s3;
	s6 =	simm.s32 @!p1 $0x1082;
	[sflag:s4] =	ssyncset.s32 $0xFFFFF086  }
0x25: {  	[simem:s6], [sflag:s4] =	dma.local [hbm:s3], $0xF7A  }
0x26: {  	[smem:$0x3F97] =	sst s1;
	(tag) =	ssettag s2;
	_ =	strace s9  }
0x27: {  	s1 =	sld [smem:$0x3FA7]  }
0x28: {  	s2 =	sld [smem:$0x3FA8]  }
0x29: {  	s4 =	sld [smem:$0x3FAA]  }
0x2a: {  	p0 =	seq.s32 s5, $0x0;
	s5 =	sld [smem:$0x3FAB]  }
0x2b: {  	s6 =	sld [smem:$0x3FAC]  }
0x2c: {  	s7 =	sld [smem:$0x3FAD]  }
0x2d: {  	s3 =	simm.s32 $0x108;
	s8 =	sld [smem:$0x3FAE]  }
0x2e: {  	s3 =	simm.s32 @!p0 $0x1082;
	s9 =	sld [smem:$0x3FAF]  }
0x2f: {  	lr =	sadd.s32 s0, s3;
	s0 =	sld [smem:$0x3FA6]  }
0x30: {  	s3 =	sld [smem:$0x3FA9]  }
0x31: {  	[smem:$0x3FB2] =	sst s10  }
0x32: {  	s10 =	sld [smem:$0x3FB0];
	_ =	sdelay $0x3  }
0x33: {  	p0 =	seq.s32 s10, $0x1;
	s10 =	sld [smem:$0x3FB2];
	_ =	sdelay $0x3  }
0x34: {  	[smem:$0x3FB2] =	sst s10  }
0x35: {  	s10 =	sld [smem:$0x3FB1];
	_ =	sdelay $0x3  }
0x36: {  	p1 =	seq.s32 s10, $0x1;
	s10 =	sld [smem:$0x3FB2];
	_ =	sdelay $0x3  }
0x37: {  	[smem:$0x3FB2] =	sst s10  }
0x38: {  	s10 =	sld [smem:$0x3FB3]  }
0x39: {  	_ = 	snop;
	(pc) =	sbr.ind lr, $3  }
0x3a: {  	_ = 	snop  }
0x3b: {  	_ = 	snop  }
0x3c: {  	p2 =	seq.s32 s10, $0x1;
	s10 =	sld [smem:$0x3FB2]  }
0x3d: {  	_ =	shalt  }
0x3e: {  	_ =	shalt  }
0x3f: {  	_ =	shalt  }
0x40: {  	_ =	shalt  }
0x41: {  	_ =	shalt  }
0x42: {  	_ =	shalt  }
0x43: {  	_ =	shalt  }
0x44: {  	_ =	shalt  }
0x45: {  	_ =	shalt  }
0x46: {  	_ =	shalt  }
0x47: {  	_ =	shalt  }
0x48: {  	_ =	shalt  }
0x49: {  	_ =	shalt  }
0x4a: {  	_ =	shalt  }
0x4b: {  	_ =	shalt  }
0x4c: {  	_ =	shalt  }
0x4d: {  	_ =	shalt  }
0x4e: {  	_ =	shalt  }
0x4f: {  	_ =	shalt  }
0x50: {  	_ =	shalt  }
0x51: {  	_ =	shalt  }
0x52: {  	_ =	shalt  }
0x53: {  	_ =	shalt  }
0x54: {  	_ =	shalt  }
0x55: {  	_ =	shalt  }
0x56: {  	_ =	shalt  }
0x57: {  	_ =	shalt  }
0x58: {  	_ =	shalt  }
0x59: {  	_ =	shalt  }
0x5a: {  	_ =	shalt  }
0x5b: {  	_ =	shalt  }
0x5c: {  	_ =	shalt  }
0x5d: {  	_ =	shalt  }
0x5e: {  	_ =	shalt  }
0x5f: {  	_ =	shalt  }
0x60: {  	_ =	shalt  }
0x61: {  	_ =	shalt  }
0x62: {  	_ =	shalt  }
0x63: {  	_ =	shalt  }
0x64: {  	_ =	shalt  }
0x65: {  	_ =	shalt  }
0x66: {  	_ =	shalt  }
0x67: {  	_ =	shalt  }
0x68: {  	_ =	shalt  }
0x69: {  	_ =	shalt  }
0x6a: {  	_ =	shalt  }
0x6b: {  	_ =	shalt  }
0x6c: {  	_ =	shalt  }
0x6d: {  	_ =	shalt  }
0x6e: {  	_ =	shalt  }
0x6f: {  	_ =	shalt  }
0x70: {  	_ =	shalt  }
0x71: {  	_ =	shalt  }
0x72: {  	_ =	shalt  }
0x73: {  	_ =	shalt  }
0x74: {  	_ =	shalt  }
0x75: {  	_ =	shalt  }
0x76: {  	_ =	shalt  }
0x77: {  	_ =	shalt  }
0x78: {  	_ =	shalt  }
0x79: {  	_ =	shalt  }
0x7a: {  	_ =	shalt  }
0x7b: {  	_ =	shalt  }
0x7c: {  	_ =	shalt  }
0x7d: {  	_ =	shalt  }
0x7e: {  	_ =	shalt  }
0x7f: {  	_ =	shalt  }
0x80: {  	_ =	shalt  }
0x81: {  	_ =	shalt  }
0x82: {  	_ =	shalt  }
0x83: {  	_ =	shalt  }
0x84: {  	_ =	shalt  }
0x85: {  	_ =	shalt  }
0x86: {  	_ =	shalt  }
0x87: {  	_ =	shalt  }
.Lfunc_end0:
.L_simem_size_0:
called_computation.2_lowered:
.L_overlay_start_0:
0x88: {  	s2 =	sld [smem:$0x3FD9]  }
0x89: {  	s3 =	sld [smem:$0x3FFE];
	_ =	sdelay $0x1  }
0x8a: {  	s1 =	srdreg.scid  }
0x8b: {  	s0 =	sand.u32 $0x1, s1  }
0x8c: {  	s16 =	sshll.u32 s0, $0xA;
	s2 =	sadd.s32 s3, s2  }
0x8d: {  	s2 =	sadd.s32 s2, s16  }
0x8e: {  	[smem:$0x3FBE] =	sst s2  }
0x8f: {  	_ = 	snop  }
0x90: {  	(tm) =	ssettm $0x1  }
0x91: {  	s17 =	sld [smem:$0x3FFB];
	_ =	sdelay $0x3  }
0x92: {  	_ =	strace s17  }
0x93: {  	s2 =	sld [smem:$0x3FFC];
	_ =	sdelay $0x3  }
0x94: {  	_ =	strace s2  }
0x95: {  	s2 =	sld [smem:$0x3FFD];
	_ =	sdelay $0x3  }
0x96: {  	_ =	strace s2  }
0x97: {  	_ =	strace $0x8FFFFFFF  }
0x98: {  	s18 =	sld [smem:$0x3FDB];
	_ =	sdelay $0x1  }
0x99: {  	s19 =	simm.s32 $_scs_section_size  }
0x9a: {  	s4 =	simm.s32 $_size__tile_overlayer_lowered;
	s5 =	simm.s32 $_tile_overlayer_lowered  }
0x9b: {  	s22 =	simm.s32 $0x1BFF;
	s21 =	sshll.u32 s5, $0x1;
	s2 =	sadd.s32 s19, s18  }
0x9c: {  	s6 =	simm.s32 $0x0;
	s20 =	sshll.u32 s4, $0x1;
	s4 =	sadd.s32 s21, s2  }
0x9d: {  	[timem:s6], [sflag:s22] =	dma.local [hbm:s4], s20  }
0x9e: {  	_ =	swait.ge [sflag:s22], s20  }
0x9f: {  	s3 =	ssub.s32 $0x0, s20;
	[sflag:s22] =	ssyncset.done $0x0  }
0xa0: {  	[sflag:s22] =	ssyncadd.s32 s3;
	_ =	sdelay $0x1  }
0xa1: {  	s23 =	simm.s32 $0x1B8B  }
0xa2: {  	_ =	swait.ge [sflag:s23], $0x1  }
0xa3: {  	[sflag:s23] =	ssyncset.done $0x0  }
0xa4: {  	s25 =	simm.s32 $0x1B8E;
	s24 =	sld [smem:$0x3FFE];
	[sflag:s23] =	ssyncadd.s32 $0xFFFFFFFF  }
0xa5: {  	s26 =	simm.s32 $execute0_lowered;
	[smem:$0x3FD2] =	sst s25  }
0xa6: {  	s4 =	sshll.u32 s26, $0x1;
	_ =	strace $0x8000004C;
	[dreg:$0x1] =	wrdreg $0xFFFFFFFF  }
0xa7: {  	s28 =	simm.s32 $_size_execute0_lowered;
	s2 =	sadd.s32 s2, s4;
	[dreg:$0x0] =	wrdreg $0x0  }
0xa8: {  	s4 =	sshll.u32 s28, $0x1;
	[dreg:$0x2] =	wrdreg s2  }
0xa9: {  	[dreg:$0x3] =	wrdreg s4  }
0xaa: {  	[dreg:$0x4] =	wrdreg $0xC0  }
0xab: {  	_ =	task [dreg:s6], $0x5FFFF  }
0xac: {  	[dreg:$0x1] =	wrdreg $0xFFFFFFFF  }
0xad: {  	[dreg:$0x0] =	wrdreg $0x60  }
0xae: {  	[dreg:$0x2] =	wrdreg s24  }
0xaf: {  	[dreg:$0x3] =	wrdreg $0x0  }
0xb0: {  	[dreg:$0x4] =	wrdreg $0x9  }
0xb1: {  	_ =	task.clear_ibuf [dreg:s6], $0x5FFFF;
	_ =	strace $0x9000004C  }
0xb2: {  	s29 =	simm.s32 $0x9;
	_ =	strace $0x8000004E  }
0xb3: {  	_ =	swait.ge [sflag:s29], $0x1  }
0xb4: {  	[sflag:s29] =	ssyncadd.s32 $0xFFFFFFFF  }
0xb5: {  	_ =	strace $0x9000004E  }
0xb6: {  	_ =	sfence  }
0xb7: {  	s30 =	sld [smem:$0x0];
	_ =	sdelay $0x2  }
0xb8: {  	s31 =	sshll.u32 s1, $0xD;
	s1 =	sshrl.u32 s1, $0x2  }
0xb9: {  	s3 =	sand.u32 $0x4000, s31;
	s1 =	sadd.s32 s1, s30  }
0xba: {  	s0 =	sor.u32 s3, s0;
	s1 =	sshll.u32 s1, $0x11  }
0xbb: {  	s0 =	sor.u32 s1, s0  }
0xbc: {  	s0 =	sadd.s32 $0x8F2B, s0  }
0xbd: {  	[sflag:s0] =	ssyncadd.remote.s32 $0x1  }
0xbe: {  	_ =	sfence.sel $0xFFFF  }
0xbf: {  	[dreg:$0x0] =	wrdreg $0xFFFFFFFF;
	(pc) =	sbr.abs _section_cstart, $3  }
0xc0: {  	[dreg:$0x1] =	wrdreg $0xFFFFFFFF  }
0xc1: {  	_ =	task.clear_ibuf [dreg:s6], $0x2FFFF;
	_ =	strace $0x9FFFFFFF  }
0xc2: {  	(tm) =	ssettm $0x7FFFFFFF  }
0xc3: {  	_ =	shalt  }
tec
execute0_lowered:
.L_overlay_start_1:
0x0: {  	(tag) =	ssettag $0x1  }
0x1: {  	s0 =	rddreg [dreg:$0x0]  }
0x2: {  	s2 =	rddreg [dreg:$0x1];
	s1 =	simm.s32 $0x0;
	s13 =	stileid.u32  }
0x3: {  	s3 =	srdreg.scid;
	s16 =	simm.s32 $0x1;
	s17 =	simm.s32 $0x50  }
0x4: {  	s18 =	simm.s32 $0xCB20;
	s19 =	simm.s32 $0xC3A0;
	s28 =	simm.s32 $0x2  }
0x5: {  	s29 =	simm.s32 $0x3;
	s30 =	simm.s32 $0x4;
	s31 =	simm.s32 $0x5  }
0x6: {  	s14 =	simm.s32 $0x8;
	s15 =	simm.s32 $0x9;
	[smem:$0x7FF] =	sst s1  }
0x7: {  	s20 =	smul.u32 $0xC350, s13;
	s4 =	sadd.s32 $0x3600, s0;
	s5 =	sadd.s32 $0x1BE00, s0  }
0x8: {  	s3 =	sand.u32 $0x1, s3;
	s22 =	sshll.u32 s13, $0x6;
	s24 =	smul.u32 $0x186A, s13  }
0x9: {  	_ =	strace $0x8000004D;
	s8 =	smul.u32 $0x186A0, s3;
	s6 =	sshll.u32 s3, $0x4  }
0xa: {  	s10 =	ssub.s32 $0x2, s3;
	s3 =	smul.u32 $0xC3500, s3;
	s7 =	sshrl.u32 s20, $0x3  }
0xb: {  	s6 =	sor.u32 s13, s6;
	s11 =	sshrl.u32 s10, $0x1;
	s21 =	sadd.s32 s20, s2  }
0xc: {  	s13 =	simm.s32 $0xC;
	s9 =	sadd.s32 s7, s0;
	s0 =	sadd.s32 s8, s0  }
0xd: {  	s6 =	smul.u32 $0xC350, s6;
	s10 =	ssub.s32 s10, s11;
	s1 =	sadd.s32 s20, s3  }
0xe: {  	s8 =	sadd.s32 s8, s5;
	s20 =	simm.s32 $0xCDA0;
	s3 =	simm.s32 $0xA  }
0xf: {  	s9 =	sadd.s32 $0x7DA00, s9;
	s1 =	sadd.s32 $0x186B90, s1;
	s0 =	sadd.s32 $0x96200, s0  }
0x10: {  	s25 =	smax.u32 s10, $0x1;
	s26 =	sadd.s32 s24, s8;
	s10 =	sshrl.u32 s21, $0x3  }
0x11: {  	s21 =	simm.s32 $0xC3F0;
	s8 =	simm.s32 $0x0;
	[dreg:$0x3] =	wrdreg s9  }
0x12: {  	s12 =	sshrl.u32 s6, $0x3;
	s9 =	sor.u32 $0x1C0C, s22;
	[dreg:$0x7] =	wrdreg s25  }
0x13: {  	s1 =	sshrl.u32 s1, $0x3;
	s0 =	sadd.s32 s7, s0;
	[dreg:$0xa] =	wrdreg s10  }
0x14: {  	s22 =	simm.s32 $0xD020;
	s25 =	simm.s32 $0xD2A0;
	[dreg:$0xb] =	wrdreg s0  }
.Ltmp0:
0x15: {  	s6 =	sadd.s32 s5, s12;
	[dreg:$0x4] =	wrdreg s9;
	(pc) =	sbr.rel .LBB2_1-.Ltmp0, $4  }
0x16: {  	s1 =	sadd.s32 s1, s5;
	s0 =	simm.s32 $0x6;
	[dreg:$0x5] =	wrdreg s6  }
0x17: {  	s5 =	simm.s32 $0xB;
	s23 =	sadd.s32 $0x30D40, s6;
	[dreg:$0x8] =	wrdreg s1  }
0x18: {  	s1 =	sadd.s32 $0x32, s26;
	s26 =	simm.s32 $0xD520;
	[dreg:$0x6] =	wrdreg s23  }
0x19: {  	[dreg:$0x9] =	wrdreg s1;
	s23 =	simm.s32 $0xC440;
	s1 =	simm.s32 $0x7  }
.LBB2_6:
0x1a: {  	_ =	swait.ge [sflag:s1], $0x280  }
0x1b: {  	[sflag:s1] =	ssyncset.done $0x0  }
0x1c: {  	[sflag:s1] =	ssyncadd.s32 $0xFFFFFD80  }
0x1d: {  	_ =	swait.ge [sflag:s14], $0x280  }
0x1e: {  	[sflag:s14] =	ssyncset.done $0x0  }
0x1f: {  	[sflag:s14] =	ssyncadd.s32 $0xFFFFFD80  }
0x20: {  	_ =	swait.ge [sflag:s15], $0x280  }
0x21: {  	[sflag:s15] =	ssyncset.done $0x0  }
0x22: {  	[sflag:s15] =	ssyncadd.s32 $0xFFFFFD80  }
0x23: {  	_ =	swait.ge [sflag:s3], $0x280  }
0x24: {  	[sflag:s3] =	ssyncset.done $0x0  }
0x25: {  	[sflag:s3] =	ssyncadd.s32 $0xFFFFFD80  }
0x26: {  	_ =	swait.ge [sflag:s5], $0x280  }
0x27: {  	[sflag:s5] =	ssyncset.done $0x0  }
0x28: {  	[sflag:s5] =	ssyncadd.s32 $0xFFFFFD80  }
0x29: {  	[bflag:$0x0] =	sbarrier.arrive $0xFFFF  }
0x2a: {  	s9 =	rddreg [dreg:$0x4]  }
0x2b: {  	s10 =	rddreg [dreg:$0xa]  }
0x2c: {  	s6 =	rddreg [dreg:$0xb]  }
0x2d: {  	[hbm:s6], [sflag:s9] =	dma.local [spmem:s10], $0x186A  }
0x2e: {  	_ =	swait.ge [sflag:s13], $0x186A  }
0x2f: {  	s8 =	sadd.s32 $0x1, s8;
	s24 =	rddreg [dreg:$0x7]  }
0x30: {  	p0 =	sne.s32 s8, s24  }
.Ltmp1:
0x31: {  	_ = 	snop;
	(pc) =	sbr.rel @!p0 .LBB2_7-.Ltmp1, $3  }
0x32: {  	_ =	sdelay $0x1  }
0x33: {  	[sflag:s13] =	ssyncset.done $0x0  }
0x34: {  	[sflag:s13] =	ssyncadd.s32 $0xFFFFE796  }
.LBB2_1:
0x35: {  	s6 =	rddreg [dreg:$0x3]  }
0x36: {  	[spmem:s10], [sflag:s9] =	dma.local [hbm:s6], $0x186A  }
0x37: {  	_ =	swait.ge [sflag:s13], $0x186A  }
0x38: {  	[sflag:s13] =	ssyncset.done $0x0  }
0x39: {  	[sflag:s13] =	ssyncadd.s32 $0xFFFFE796  }
0x3a: {  	[bflag:$0x0] =	sbarrier.arrive $0xFFFF  }
0x3b: {  	s11 =	simm.s32 $0xC350;
	s7 =	rddreg [dreg:$0x5]  }
.Ltmp2:
0x3c: {  	s10 =	simm.s32 $0x0;
	s12 =	rddreg [dreg:$0x6];
	(pc) =	sbr.rel .LBB2_2-.Ltmp2, $4  }
0x3d: {  	[tilespmem:s11], [sflag:$0x1] =	stream.linear.gather [hbm4b:s7+s10], $0x190, $0x38;
	[tilespmem:$0xD7A0] =	vst v63  }
0x3e: {  	s24 =	simm.s32 $0xC670;
	s11 =	rddreg [dreg:$0x9]  }
0x3f: {  	[tilespmem:s24], [sflag:$0x1] =	stream.linear.gather [hbm4b:s12+s10], $0x190, $0x38;
	[tilespmem:$0xD7A0] =	vst v63  }
0x40: {  	s9 =	simm.s32 $0x0;
	s10 =	rddreg [dreg:$0x8]  }
.LBB2_4:
0x41: {  	s6 =	sand.u32 $0x1, s9  }
0x42: {  	_ =	swait.ge [sflag:s1], $0x280;
	p0 =	seq.s32 s6, $0x1;
	s6 =	simm.s32 $0x190  }
0x43: {  	[sflag:s1] =	ssyncset.done $0x0;
	s6 =	simm.s32 @!p0 $0x0  }
0x44: {  	[sflag:s1] =	ssyncadd.s32 $0xFFFFFD80;
	s24 =	sadd.s32 $0xC350, s6  }
0x45: {  	[tilespmem:s18], [sflag:$0x2] =	stream.indirect.gather [hbm4b:s4+s17], $0x8, s24, s17, $0xb8;
	[tilespmem:$0xD7A0] =	vst v63  }
0x46: {  	_ =	swait.ge [sflag:s14], $0x280  }
0x47: {  	[sflag:s14] =	ssyncset.done $0x0  }
0x48: {  	s12 =	sadd.s32 $0xC3A0, s6;
	[sflag:s14] =	ssyncadd.s32 $0xFFFFFD80  }
0x49: {  	[tilespmem:s20], [sflag:$0x3] =	stream.indirect.gather [hbm4b:s4+s17], $0x8, s12, s17, $0xb8;
	[tilespmem:$0xD7A0] =	vst v63  }
0x4a: {  	_ =	swait.ge [sflag:s15], $0x280  }
0x4b: {  	[sflag:s15] =	ssyncset.done $0x0  }
0x4c: {  	s12 =	sadd.s32 $0xC3F0, s6;
	[sflag:s15] =	ssyncadd.s32 $0xFFFFFD80  }
0x4d: {  	[tilespmem:s22], [sflag:$0x4] =	stream.indirect.gather [hbm4b:s4+s17], $0x8, s12, s17, $0xb8;
	[tilespmem:$0xD7A0] =	vst v63  }
0x4e: {  	_ =	swait.ge [sflag:s3], $0x280  }
0x4f: {  	[sflag:s3] =	ssyncset.done $0x0  }
0x50: {  	s6 =	sor.u32 $0xC440, s6;
	[sflag:s3] =	ssyncadd.s32 $0xFFFFFD80  }
0x51: {  	[tilespmem:s25], [sflag:$0x5] =	stream.indirect.gather [hbm4b:s4+s17], $0x8, s6, s17, $0xb8;
	[tilespmem:$0xD7A0] =	vst v63  }
0x52: {  	_ =	swait.ge [sflag:s5], $0x280  }
0x53: {  	[sflag:s5] =	ssyncset.done $0x0  }
0x54: {  	[sflag:s5] =	ssyncadd.s32 $0xFFFFFD80  }
.LBB2_5:
0x55: {  	s6 =	smul.u32 $0xAB, s9;
	_ =	sdelay $0x1  }
0x56: {  	s6 =	sshrl.u32 s6, $0x9  }
0x57: {  	s6 =	sand.u32 $0x7F, s6  }
0x58: {  	s24 =	sadd.s32 $0x140, s24;
	s6 =	smul.u32 $0x3, s6  }
0x59: {  	[tilespmem:s26], [sflag:$0x6] =	stream.indirect.gather [hbm4b:s4+s17], $0x8, s24, s17, $0xb8;
	[tilespmem:$0xD7A0] =	vst v63  }
0x5a: {  	s6 =	ssub.s32 s9, s6  }
0x5b: {  	s6 =	sand.u32 $0xFF, s6  }
0x5c: {  	s6 =	smul.u32 $0x640, s6  }
0x5d: {  	_ =	swait.ge [sflag:s28], $0x280  }
0x5e: {  	[sflag:s28] =	ssyncset.done $0x0;
	s6 =	sshrl.u32 s6, $0x2  }
0x5f: {  	[sflag:s28] =	ssyncadd.s32 $0xFFFFFD80;
	s12 =	sadd.s32 $0xC670, s6  }
0x60: {  	[spmem:s2] =	stream.indirect.scatter.add.f32 [tilespmem:s18], [sflag:$0x7], $0x8, s12, s17, $0xb8;
	[tilespmem:$0xD7A0] =	vst v63  }
0x61: {  	_ =	swait.ge [sflag:s29], $0x280  }
0x62: {  	[sflag:s29] =	ssyncset.done $0x0  }
0x63: {  	s24 =	sadd.s32 $0xC6C0, s6;
	[sflag:s29] =	ssyncadd.s32 $0xFFFFFD80  }
0x64: {  	[spmem:s2] =	stream.indirect.scatter.add.f32 [tilespmem:s20], [sflag:$0x8], $0x8, s24, s17, $0xb8;
	[tilespmem:$0xD7A0] =	vst v63  }
0x65: {  	_ =	swait.ge [sflag:s30], $0x280  }
0x66: {  	[sflag:s30] =	ssyncset.done $0x0  }
0x67: {  	s12 =	sadd.s32 $0xC710, s6;
	[sflag:s30] =	ssyncadd.s32 $0xFFFFFD80  }
0x68: {  	[spmem:s2] =	stream.indirect.scatter.add.f32 [tilespmem:s22], [sflag:$0x9], $0x8, s12, s17, $0xb8;
	[tilespmem:$0xD7A0] =	vst v63  }
0x69: {  	_ =	swait.ge [sflag:s31], $0x280  }
0x6a: {  	[sflag:s31] =	ssyncset.done $0x0  }
0x6b: {  	p0 =	sne.s32 s7, $0x7D;
	s24 =	sadd.s32 $0xC760, s6;
	[sflag:s31] =	ssyncadd.s32 $0xFFFFFD80  }
0x6c: {  	[spmem:s2] =	stream.indirect.scatter.add.f32 [tilespmem:s25], [sflag:$0xA], $0x8, s24, s17, $0xb8;
	[tilespmem:$0xD7A0] =	vst v63  }
.Ltmp3:
0x6d: {  	_ = 	snop;
	(pc) =	sbr.rel @!p0 .LBB2_6-.Ltmp3, $4  }
0x6e: {  	_ =	swait.ge [sflag:s0], $0x280  }
0x6f: {  	s10 =	sadd.s32 $0x32, s10;
	s11 =	sadd.s32 $0x32, s11;
	[sflag:s0] =	ssyncset.done $0x0  }
0x70: {  	s9 =	smov.u32 s7;
	s6 =	sadd.s32 $0xC7B0, s6;
	[sflag:s0] =	ssyncadd.s32 $0xFFFFFD80  }
0x71: {  	[spmem:s2] =	stream.indirect.scatter.add.f32 [tilespmem:s26], [sflag:$0xB], $0x8, s6, s17, $0xb8;
	[tilespmem:$0xD7A0] =	vst v63  }
.LBB2_2:
0x72: {  	s7 =	sadd.s32 $0x1, s9;
	p0 =	seq.s32 s9, $0x7C  }
0x73: {  	s24 =	smul.u32 @!p0 $0xAB, s7;
	_ =	sdelay $0x1  }
0x74: {  	s24 =	sshrl.u32 @!p0 s24, $0x9  }
0x75: {  	_ =	swait.ge [sflag:s16], $0x190;
	s24 =	sand.u32 @!p0 $0x7F, s24  }
0x76: {  	[sflag:s16] =	ssyncset.done $0x0;
	s6 =	sand.u32 @!p0 $0x1, s7;
	s24 =	smul.u32 @!p0 $0x3, s24  }
0x77: {  	s12 =	simm.s32 @!p0 $0x0;
	[sflag:s16] =	ssyncadd.s32 $0xFFFFFE70;
	p1 =	seq.s32 @!p0 s6, $0x1  }
0x78: {  	_ =	swait.ge [sflag:s16], $0x190;
	p1 =	por !p1, p0;
	s6 =	ssub.s32 @!p0 s7, s24  }
0x79: {  	[sflag:s16] =	ssyncset.done $0x0;
	s24 =	simm.s32 @!p0 $0xC4E0;
	s6 =	sand.u32 @!p0 $0xFF, s6  }
0x7a: {  	[sflag:s16] =	ssyncadd.s32 $0xFFFFFE70;
	s24 =	simm.s32 @p1 $0xC350;
	s6 =	smul.u32 @!p0 $0x640, s6  }
0x7b: {  	[tilespmem:s24], [sflag:$0x1] =	stream.linear.gather @!p0 [hbm4b:s11+s12], $0x190, $0x38;
	[tilespmem:$0xD7A0] =	vst v63  }
0x7c: {  	s6 =	sshrl.u32 @!p0 s6, $0x2  }
0x7d: {  	p1 =	sne.s32 @!p0 s9, $0x0;
	s6 =	sadd.s32 @!p0 $0xC670, s6  }
0x7e: {  	[tilespmem:s6], [sflag:$0x1] =	stream.linear.gather @!p0 [hbm4b:s10+s12], $0x190, $0x38;
	[tilespmem:$0xD7A0] =	vst v63  }
0x7f: {  	p0 =	por p0, p1  }
.Ltmp4:
0x80: {  	_ = 	snop;
	(pc) =	sbr.rel @p0 .LBB2_4-.Ltmp4, $1  }
0x81: {  	_ =	sdelay $0x3  }
0x82: {  	s24 =	simm.s32 $0xC350  }
0x83: {  	[tilespmem:s18], [sflag:$0x2] =	stream.indirect.gather [hbm4b:s4+s17], $0x8, s24, s17, $0xb8;
	[tilespmem:$0xD7A0] =	vst v63  }
0x84: {  	_ = 	snop  }
0x85: {  	[tilespmem:s20], [sflag:$0x3] =	stream.indirect.gather [hbm4b:s4+s17], $0x8, s19, s17, $0xb8;
	[tilespmem:$0xD7A0] =	vst v63  }
.Ltmp5:
0x86: {  	_ = 	snop;
	(pc) =	sbr.rel .LBB2_5-.Ltmp5, $4  }
0x87: {  	_ = 	snop  }
0x88: {  	[tilespmem:s22], [sflag:$0x4] =	stream.indirect.gather [hbm4b:s4+s17], $0x8, s21, s17, $0xb8;
	[tilespmem:$0xD7A0] =	vst v63  }
0x89: {  	_ = 	snop  }
0x8a: {  	[tilespmem:s25], [sflag:$0x5] =	stream.indirect.gather [hbm4b:s4+s17], $0x8, s23, s17, $0xb8;
	[tilespmem:$0xD7A0] =	vst v63  }
.LBB2_7:
0x8b: {  	_ =	sfence.sel $0x180000  }
0x8c: {  	[bflag:$0x0] =	sbarrier.arrive $0xFFFF  }
0x8d: {  	_ =	strace $0x9000004D  }
0x8e: {  	s0 =	stileid.u32;
	[bflag:$0x2] =	sbarrier.arrive $0xFFFF  }
0x8f: {  	p0 =	sne.s32 s0, $0x0;
	s0 =	rddreg [dreg:$0x2]  }
0x90: {  	s0 =	sadd.s32 @!p0 $0x100000, s0  }
0x91: {  	[sflag:s0] =	ssyncadd.tile.s32 @!p0 $0x1;
	_ =	shalt  }
.Lfunc_end2:
_tile_overlayer_lowered:
.L_overlay_start_2:
0x92: {  	(tag) =	ssettag $0x2  }
0x93: {  	s0 =	rddreg [dreg:$0x0];
	s2 =	stileid.u32  }
0x94: {  	s1 =	rddreg [dreg:$0x1];
	p0 =	sne.s32 s2, $0x0  }
0x95: {  	s3 =	rddreg [dreg:$0x2];
	[bflag:$0x3] =	sbarrier.arrive $0xFFFF;
	s2 =	simm.s32 @!p0 $0x1C0C  }
0x96: {  	[timem:s3], [sflag:s2] =	dma.local @!p0 [hbm:s0], s1  }
0x97: {  	s0 =	simm.s32 @!p0 $0xC  }
0x98: {  	_ =	swait.ge @!p0 [sflag:s0], s1  }
0x99: {  	s1 =	ssub.s32 @!p0 $0x0, s1;
	[sflag:s0] =	ssyncset.done @!p0 $0x0  }
0x9a: {  	[sflag:s0] =	ssyncadd.s32 @!p0 s1  }
0x9b: {  	[bflag:$0x3] =	sbarrier.arrive $0xFFFF  }
0x9c: {  	_ =	shalt  }

// kernel: kernel.8.cloned.1.call-start
scs
__scs_entry_jumppad:
0x0: {  	(pc) =	sbr.rel $0x88, $3  }
0x1: {  	(tag) =	ssettag $0x0;
	lr =	simm.s32 $0x1  }
0x2: {  	[smem:$0x3F97] =	sst lr;
	_ =	strace $0xD0000000  }
0x3: {  	_ = 	snop  }
0x4: {  	_ = 	snop  }
0x5: {  	_ = 	snop  }
0x6: {  	_ = 	snop  }
0x7: {  	_ = 	snop  }
__scs_overlays_trampoline_lowered:
0x8: {  	[smem:$0x3FA6] =	sst s0  }
0x9: {  	[smem:$0x3FA7] =	sst s1  }
0xa: {  	[smem:$0x3FA8] =	sst s2  }
0xb: {  	[smem:$0x3FA9] =	sst s3  }
0xc: {  	[smem:$0x3FAA] =	sst s4  }
0xd: {  	[smem:$0x3FAB] =	sst s5  }
0xe: {  	[smem:$0x3FAC] =	sst s6  }
0xf: {  	[smem:$0x3FAD] =	sst s7  }
0x10: {  	[smem:$0x3FAE] =	sst s8  }
0x11: {  	[smem:$0x3FAF] =	sst s9;
	s0 =	simm.s32 @!p0 $0x0  }
0x12: {  	s1 =	sld [smem:$0x3F95];
	s0 =	simm.s32 @p0 $0x1  }
0x13: {  	[smem:$0x3FB0] =	sst s0;
	s0 =	simm.s32 @!p1 $0x0  }
0x14: {  	s2 =	sld [smem:$0x3F94];
	s0 =	simm.s32 @p1 $0x1  }
0x15: {  	[smem:$0x3FB1] =	sst s0;
	s0 =	simm.s32 @!p2 $0x0  }
0x16: {  	s3 =	sld [smem:$0x3FDB];
	s0 =	simm.s32 @p2 $0x1  }
0x17: {  	s4 =	simm.s32 $0x1BF5;
	[smem:$0x3FB3] =	sst s0  }
0x18: {  	s0 =	sld [smem:$0x3F96];
	_ =	swait.ge [sflag:s4], $0x0  }
0x19: {  	s7 =	sld [smem:$0x3F97]  }
0x1a: {  	s8 =	sadd.s32 $0xFFFFE003, lr  }
0x1b: {  	s9 =	sadd.s32 $0xFFFFFEF7, lr;
	s5 =	simm.s32 $0xFFFFFFFF;
	p2 =	slt.u32 s8, $0xFFFFF086  }
0x1c: {  	p1 =	slt.u32 s9, $0xF7A;
	s5 =	simm.s32 @!p2 $0x0  }
0x1d: {  	s5 =	simm.s32 @p1 $0x1;
	p0 =	seq.s32 s7, s2  }
0x1e: {  	s7 =	smul.u32 @!p0 $0xF7A, s2;
	p2 =	seq.s32 @!p0 s5, $0x0  }
0x1f: {  	s9 =	smul.u32 $0xF7A, s1;
	s8 =	simm.s32 @!p0 $0x1BF5;
	p2 =	por !p2, p0  }
0x20: {  	[sflag:s8] =	ssyncset.s32 @!p0 $0xFFFFF086;
	s6 =	sadd.s32 @!p0 s3, s7;
	s7 =	simm.s32 @!p0 $0x108  }
0x21: {  	s3 =	sadd.s32 s3, s9;
	s6 =	sadd.s32 @!p0 $0x88, s6;
	s7 =	simm.s32 @p2 $0x1082  }
0x22: {  	[simem:s7], [sflag:s8] =	dma.local @!p0 [hbm:s6], $0xF7A  }
0x23: {  	s9 =	sor.u32 $0xD0000000, s2;
	s6 =	simm.s32 $0x108;
	_ =	swait.ge @!p0 [sflag:s8], $0x0  }
0x24: {  	s3 =	sadd.s32 $0x88, s3;
	s6 =	simm.s32 @!p1 $0x1082;
	[sflag:s4] =	ssyncset.s32 $0xFFFFF086  }
0x25: {  	[simem:s6], [sflag:s4] =	dma.local [hbm:s3], $0xF7A  }
0x26: {  	[smem:$0x3F97] =	sst s1;
	(tag) =	ssettag s2;
	_ =	strace s9  }
0x27: {  	s1 =	sld [smem:$0x3FA7]  }
0x28: {  	s2 =	sld [smem:$0x3FA8]  }
0x29: {  	s4 =	sld [smem:$0x3FAA]  }
0x2a: {  	p0 =	seq.s32 s5, $0x0;
	s5 =	sld [smem:$0x3FAB]  }
0x2b: {  	s6 =	sld [smem:$0x3FAC]  }
0x2c: {  	s7 =	sld [smem:$0x3FAD]  }
0x2d: {  	s3 =	simm.s32 $0x108;
	s8 =	sld [smem:$0x3FAE]  }
0x2e: {  	s3 =	simm.s32 @!p0 $0x1082;
	s9 =	sld [smem:$0x3FAF]  }
0x2f: {  	lr =	sadd.s32 s0, s3;
	s0 =	sld [smem:$0x3FA6]  }
0x30: {  	s3 =	sld [smem:$0x3FA9]  }
0x31: {  	[smem:$0x3FB2] =	sst s10  }
0x32: {  	s10 =	sld [smem:$0x3FB0];
	_ =	sdelay $0x3  }
0x33: {  	p0 =	seq.s32 s10, $0x1;
	s10 =	sld [smem:$0x3FB2];
	_ =	sdelay $0x3  }
0x34: {  	[smem:$0x3FB2] =	sst s10  }
0x35: {  	s10 =	sld [smem:$0x3FB1];
	_ =	sdelay $0x3  }
0x36: {  	p1 =	seq.s32 s10, $0x1;
	s10 =	sld [smem:$0x3FB2];
	_ =	sdelay $0x3  }
0x37: {  	[smem:$0x3FB2] =	sst s10  }
0x38: {  	s10 =	sld [smem:$0x3FB3]  }
0x39: {  	_ = 	snop;
	(pc) =	sbr.ind lr, $3  }
0x3a: {  	_ = 	snop  }
0x3b: {  	_ = 	snop  }
0x3c: {  	p2 =	seq.s32 s10, $0x1;
	s10 =	sld [smem:$0x3FB2]  }
0x3d: {  	_ =	shalt  }
0x3e: {  	_ =	shalt  }
0x3f: {  	_ =	shalt  }
0x40: {  	_ =	shalt  }
0x41: {  	_ =	shalt  }
0x42: {  	_ =	shalt  }
0x43: {  	_ =	shalt  }
0x44: {  	_ =	shalt  }
0x45: {  	_ =	shalt  }
0x46: {  	_ =	shalt  }
0x47: {  	_ =	shalt  }
0x48: {  	_ =	shalt  }
0x49: {  	_ =	shalt  }
0x4a: {  	_ =	shalt  }
0x4b: {  	_ =	shalt  }
0x4c: {  	_ =	shalt  }
0x4d: {  	_ =	shalt  }
0x4e: {  	_ =	shalt  }
0x4f: {  	_ =	shalt  }
0x50: {  	_ =	shalt  }
0x51: {  	_ =	shalt  }
0x52: {  	_ =	shalt  }
0x53: {  	_ =	shalt  }
0x54: {  	_ =	shalt  }
0x55: {  	_ =	shalt  }
0x56: {  	_ =	shalt  }
0x57: {  	_ =	shalt  }
0x58: {  	_ =	shalt  }
0x59: {  	_ =	shalt  }
0x5a: {  	_ =	shalt  }
0x5b: {  	_ =	shalt  }
0x5c: {  	_ =	shalt  }
0x5d: {  	_ =	shalt  }
0x5e: {  	_ =	shalt  }
0x5f: {  	_ =	shalt  }
0x60: {  	_ =	shalt  }
0x61: {  	_ =	shalt  }
0x62: {  	_ =	shalt  }
0x63: {  	_ =	shalt  }
0x64: {  	_ =	shalt  }
0x65: {  	_ =	shalt  }
0x66: {  	_ =	shalt  }
0x67: {  	_ =	shalt  }
0x68: {  	_ =	shalt  }
0x69: {  	_ =	shalt  }
0x6a: {  	_ =	shalt  }
0x6b: {  	_ =	shalt  }
0x6c: {  	_ =	shalt  }
0x6d: {  	_ =	shalt  }
0x6e: {  	_ =	shalt  }
0x6f: {  	_ =	shalt  }
0x70: {  	_ =	shalt  }
0x71: {  	_ =	shalt  }
0x72: {  	_ =	shalt  }
0x73: {  	_ =	shalt  }
0x74: {  	_ =	shalt  }
0x75: {  	_ =	shalt  }
0x76: {  	_ =	shalt  }
0x77: {  	_ =	shalt  }
0x78: {  	_ =	shalt  }
0x79: {  	_ =	shalt  }
0x7a: {  	_ =	shalt  }
0x7b: {  	_ =	shalt  }
0x7c: {  	_ =	shalt  }
0x7d: {  	_ =	shalt  }
0x7e: {  	_ =	shalt  }
0x7f: {  	_ =	shalt  }
0x80: {  	_ =	shalt  }
0x81: {  	_ =	shalt  }
0x82: {  	_ =	shalt  }
0x83: {  	_ =	shalt  }
0x84: {  	_ =	shalt  }
0x85: {  	_ =	shalt  }
0x86: {  	_ =	shalt  }
0x87: {  	_ =	shalt  }
.Lfunc_end0:
.L_simem_size_0:
called_computation_lowered:
.L_overlay_start_0:
0x88: {  	s2 =	sld [smem:$0x3FD9]  }
0x89: {  	s3 =	sld [smem:$0x3FFE];
	_ =	sdelay $0x1  }
0x8a: {  	s1 =	srdreg.scid  }
0x8b: {  	s0 =	sand.u32 $0x1, s1  }
0x8c: {  	s17 =	sshll.u32 s0, $0xA;
	s2 =	sadd.s32 s3, s2  }
0x8d: {  	s2 =	sadd.s32 s2, s17  }
0x8e: {  	[smem:$0x3FBE] =	sst s2  }
0x8f: {  	_ = 	snop  }
0x90: {  	(tm) =	ssettm $0x1  }
0x91: {  	s18 =	sld [smem:$0x3FFB];
	_ =	sdelay $0x3  }
0x92: {  	_ =	strace s18  }
0x93: {  	s2 =	sld [smem:$0x3FFC];
	_ =	sdelay $0x3  }
0x94: {  	_ =	strace s2  }
0x95: {  	s2 =	sld [smem:$0x3FFD];
	_ =	sdelay $0x3  }
0x96: {  	_ =	strace s2  }
0x97: {  	_ =	strace $0x8FFFFFFF  }
0x98: {  	s19 =	sld [smem:$0x3FDB];
	_ =	sdelay $0x1  }
0x99: {  	s20 =	simm.s32 $_scs_section_size  }
0x9a: {  	s4 =	simm.s32 $_size__tile_overlayer_lowered;
	s5 =	simm.s32 $_tile_overlayer_lowered  }
0x9b: {  	s6 =	simm.s32 $0x1BFF;
	s21 =	sshll.u32 s5, $0x1;
	s3 =	sadd.s32 s20, s19  }
0x9c: {  	s22 =	simm.s32 $0x0;
	s4 =	sshll.u32 s4, $0x1;
	s5 =	sadd.s32 s21, s3  }
0x9d: {  	[timem:s22], [sflag:s6] =	dma.local [hbm:s5], s4  }
0x9e: {  	_ =	swait.ge [sflag:s6], s4  }
0x9f: {  	s4 =	ssub.s32 $0x0, s4;
	[sflag:s6] =	ssyncset.done $0x0  }
0xa0: {  	[sflag:s6] =	ssyncadd.s32 s4;
	_ =	sdelay $0x1  }
0xa1: {  	s23 =	simm.s32 $0x1B8B  }
0xa2: {  	_ =	swait.ge [sflag:s23], $0x1  }
0xa3: {  	[sflag:s23] =	ssyncset.done $0x0  }
0xa4: {  	[sflag:s23] =	ssyncadd.s32 $0xFFFFFFFF  }
0xa5: {  	s4 =	sld [smem:$0x0]  }
0xa6: {  	s5 =	sand.u32 $0xFFFFFFFE, s1  }
0xa7: {  	p0 =	sne.s32 s1, s5  }
0xa8: {  	s5 =	sshll.u32 @p0 s5, $0xE  }
0xa9: {  	s5 =	sadd.s32 @p0 $0x11B8D, s5;
	s6 =	sshll.u32 @p0 s4, $0x11  }
0xaa: {  	s5 =	sor.u32 @p0 s6, s5  }
0xab: {  	[sflag:s5] =	ssyncadd.remote.s32 @p0 $0x1;
	_ =	sdelay $0x1  }
0xac: {  	s5 =	simm.s32 @p0 $0x1B8D  }
0xad: {  	_ =	swait.eq @p0 [sflag:s5], $0x1  }
0xae: {  	[sflag:s5] =	ssyncadd.s32 @p0 $0xFFFFFFFF  }
0xaf: {  	s6 =	sshll.u32 @!p0 s1, $0xE  }
0xb0: {  	s6 =	sor.u32 @!p0 $0x4000, s6;
	s5 =	simm.s32 @!p0 $0x1B8D  }
0xb1: {  	s4 =	sshll.u32 @!p0 s4, $0x11;
	s6 =	sadd.s32 @!p0 $0x11B8D, s6;
	_ =	swait.eq @!p0 [sflag:s5], $0x1  }
0xb2: {  	s4 =	sor.u32 @!p0 s4, s6;
	[sflag:s5] =	ssyncadd.s32 @!p0 $0xFFFFFFFF  }
0xb3: {  	s25 =	simm.s32 $0x1B8E;
	s24 =	sld [smem:$0x3FFE];
	[sflag:s4] =	ssyncadd.remote.s32 @!p0 $0x1  }
0xb4: {  	s26 =	simm.s32 $execute0_lowered;
	[smem:$0x3FD2] =	sst s25  }
0xb5: {  	s5 =	sshll.u32 s26, $0x1;
	_ =	strace $0x80000049;
	[dreg:$0x1] =	wrdreg $0xFFFFFFFF  }
0xb6: {  	s28 =	simm.s32 $_size_execute0_lowered;
	s3 =	sadd.s32 s3, s5;
	[dreg:$0x0] =	wrdreg $0x0  }
0xb7: {  	s5 =	sshll.u32 s28, $0x1;
	[dreg:$0x2] =	wrdreg s3  }
0xb8: {  	[dreg:$0x3] =	wrdreg s5  }
0xb9: {  	[dreg:$0x4] =	wrdreg $0xC0  }
0xba: {  	_ =	task [dreg:s22], $0x5FFFF  }
0xbb: {  	[dreg:$0x1] =	wrdreg $0xFFFFFFFF  }
0xbc: {  	[dreg:$0x0] =	wrdreg $0x60  }
0xbd: {  	[dreg:$0x2] =	wrdreg s24  }
0xbe: {  	[dreg:$0x3] =	wrdreg $0x0  }
0xbf: {  	[dreg:$0x4] =	wrdreg $0x9  }
0xc0: {  	_ =	task.clear_ibuf [dreg:s22], $0x5FFFF;
	_ =	strace $0x90000049  }
0xc1: {  	s29 =	simm.s32 $0x9;
	_ =	strace $0x8000004B  }
0xc2: {  	_ =	swait.ge [sflag:s29], $0x1  }
0xc3: {  	[sflag:s29] =	ssyncadd.s32 $0xFFFFFFFF  }
0xc4: {  	_ =	strace $0x9000004B  }
0xc5: {  	_ =	sfence  }
0xc6: {  	s30 =	sld [smem:$0x0];
	_ =	sdelay $0x2  }
0xc7: {  	s31 =	sshll.u32 s1, $0xD;
	s1 =	sshrl.u32 s1, $0x2  }
0xc8: {  	s4 =	sand.u32 $0x4000, s31;
	s1 =	sadd.s32 s1, s30  }
0xc9: {  	s0 =	sor.u32 s4, s0;
	s1 =	sshll.u32 s1, $0x11  }
0xca: {  	s0 =	sor.u32 s1, s0  }
0xcb: {  	s0 =	sadd.s32 $0x8F2B, s0  }
0xcc: {  	[sflag:s0] =	ssyncadd.remote.s32 $0x1  }
0xcd: {  	_ =	sfence.sel $0xFFFF  }
0xce: {  	[dreg:$0x0] =	wrdreg $0xFFFFFFFF;
	(pc) =	sbr.abs _section_cstart, $3  }
0xcf: {  	[dreg:$0x1] =	wrdreg $0xFFFFFFFF  }
0xd0: {  	_ =	task.clear_ibuf [dreg:s22], $0x2FFFF;
	_ =	strace $0x9FFFFFFF  }
0xd1: {  	(tm) =	ssettm $0x7FFFFFFF  }
tec
execute0_lowered:
.L_overlay_start_1:
0x0: {  	(tag) =	ssettag $0x1  }
0x1: {  	s0 =	rddreg [dreg:$0x0]  }
0x2: {  	s2 =	rddreg [dreg:$0x1];
	s1 =	simm.s32 $0x0  }
0x3: {  	s13 =	stileid.u32;
	s3 =	srdreg.scid;
	s16 =	simm.s32 $0x1  }
0x4: {  	s28 =	simm.s32 $0x2;
	s29 =	simm.s32 $0x3;
	s30 =	simm.s32 $0x4  }
0x5: {  	s31 =	simm.s32 $0x5;
	s14 =	simm.s32 $0x8;
	s17 =	smul.u32 $0x186A0, s13  }
0x6: {  	s15 =	simm.s32 $0x9;
	[smem:$0x7FF] =	sst s1;
	s21 =	smul.u32 $0xC350, s13  }
0x7: {  	s4 =	sadd.s32 $0xC7000, s0;
	s3 =	sand.u32 $0x1, s3;
	s25 =	smul.u32 $0x186A, s13  }
0x8: {  	s5 =	sadd.s32 $0x1BE00, s0;
	s20 =	sshll.u32 s13, $0x6;
	s8 =	smul.u32 $0x30D40, s3  }
0x9: {  	_ =	strace $0x8000004A;
	s6 =	sshll.u32 s3, $0x4;
	s19 =	smul.u32 $0xC3500, s3  }
0xa: {  	s9 =	ssub.s32 $0x2, s3;
	s24 =	sor.u32 $0x1C0C, s20;
	s3 =	smul.u32 $0x186A0, s3  }
0xb: {  	s20 =	simm.s32 $0x19370;
	s7 =	sshrl.u32 s17, $0x3;
	s6 =	sor.u32 s13, s6  }
0xc: {  	s11 =	sshrl.u32 s9, $0x1;
	s1 =	sadd.s32 s17, s2;
	s13 =	simm.s32 $0xC  }
0xd: {  	s17 =	simm.s32 $0x50;
	[dreg:$0x4] =	wrdreg s24;
	s10 =	sadd.s32 s7, s0  }
0xe: {  	s12 =	smul.u32 $0xC350, s6;
	s0 =	sadd.s32 s8, s0;
	s18 =	ssub.s32 s9, s11  }
0xf: {  	s9 =	sadd.s32 s21, s19;
	s3 =	sadd.s32 s3, s5;
	s19 =	simm.s32 $0x186F0  }
0x10: {  	s21 =	simm.s32 $0x18740;
	s8 =	simm.s32 $0x0;
	s10 =	sadd.s32 $0xF7E00, s10  }
0x11: {  	s9 =	sadd.s32 $0x186B90, s9;
	s0 =	sadd.s32 $0x128C00, s0;
	s26 =	smax.u32 s18, $0x1  }
0x12: {  	s3 =	sadd.s32 s25, s3;
	s18 =	simm.s32 $0x18E70;
	s25 =	simm.s32 $0x19D70  }
0x13: {  	[dreg:$0x3] =	wrdreg s10;
	s22 =	sshrl.u32 s12, $0x3;
	s9 =	sshrl.u32 s9, $0x3  }
0x14: {  	[dreg:$0x7] =	wrdreg s26;
	s3 =	sadd.s32 $0x32, s3;
	s0 =	sadd.s32 s7, s0  }
0x15: {  	s26 =	simm.s32 $0x1A270;
	s23 =	sadd.s32 s5, s22;
	[dreg:$0x9] =	wrdreg s3  }
.Ltmp0:
0x16: {  	s5 =	sadd.s32 s9, s5;
	[dreg:$0xb] =	wrdreg s0;
	(pc) =	sbr.rel .LBB2_1-.Ltmp0, $4  }
0x17: {  	s9 =	sshrl.u32 s1, $0x3;
	s22 =	simm.s32 $0x19870;
	[dreg:$0x5] =	wrdreg s23  }
0x18: {  	s0 =	simm.s32 $0x6;
	s1 =	simm.s32 $0x7;
	[dreg:$0x8] =	wrdreg s5  }
0x19: {  	s3 =	simm.s32 $0xA;
	s6 =	sadd.s32 $0x30D40, s23;
	[dreg:$0xa] =	wrdreg s9  }
0x1a: {  	s23 =	simm.s32 $0x18790;
	s5 =	simm.s32 $0xB;
	[dreg:$0x6] =	wrdreg s6  }
.LBB2_6:
0x1b: {  	_ =	swait.ge [sflag:s1], $0x500  }
0x1c: {  	[sflag:s1] =	ssyncset.done $0x0  }
0x1d: {  	[sflag:s1] =	ssyncadd.s32 $0xFFFFFB00  }
0x1e: {  	_ =	swait.ge [sflag:s14], $0x500  }
0x1f: {  	[sflag:s14] =	ssyncset.done $0x0  }
0x20: {  	[sflag:s14] =	ssyncadd.s32 $0xFFFFFB00  }
0x21: {  	_ =	swait.ge [sflag:s15], $0x500  }
0x22: {  	[sflag:s15] =	ssyncset.done $0x0  }
0x23: {  	[sflag:s15] =	ssyncadd.s32 $0xFFFFFB00  }
0x24: {  	_ =	swait.ge [sflag:s3], $0x500  }
0x25: {  	[sflag:s3] =	ssyncset.done $0x0  }
0x26: {  	[sflag:s3] =	ssyncadd.s32 $0xFFFFFB00  }
0x27: {  	_ =	swait.ge [sflag:s5], $0x500  }
0x28: {  	[sflag:s5] =	ssyncset.done $0x0  }
0x29: {  	[sflag:s5] =	ssyncadd.s32 $0xFFFFFB00  }
0x2a: {  	[bflag:$0x0] =	sbarrier.arrive $0xFFFF  }
0x2b: {  	s24 =	rddreg [dreg:$0x4]  }
0x2c: {  	s9 =	rddreg [dreg:$0xa]  }
0x2d: {  	s6 =	rddreg [dreg:$0xb]  }
0x2e: {  	[hbm:s6], [sflag:s24] =	dma.local [spmem:s9], $0x30D4  }
0x2f: {  	_ =	swait.ge [sflag:s13], $0x30D4  }
0x30: {  	s8 =	sadd.s32 $0x1, s8;
	s12 =	rddreg [dreg:$0x7]  }
0x31: {  	p0 =	sne.s32 s8, s12  }
.Ltmp1:
0x32: {  	_ = 	snop;
	(pc) =	sbr.rel @!p0 .LBB2_7-.Ltmp1, $3  }
0x33: {  	_ =	sdelay $0x1  }
0x34: {  	[sflag:s13] =	ssyncset.done $0x0  }
0x35: {  	[sflag:s13] =	ssyncadd.s32 $0xFFFFCF2C  }
.LBB2_1:
0x36: {  	s6 =	rddreg [dreg:$0x3]  }
0x37: {  	[spmem:s9], [sflag:s24] =	dma.local [hbm:s6], $0x30D4  }
0x38: {  	_ =	swait.ge [sflag:s13], $0x30D4  }
0x39: {  	[sflag:s13] =	ssyncset.done $0x0  }
0x3a: {  	[sflag:s13] =	ssyncadd.s32 $0xFFFFCF2C  }
0x3b: {  	[bflag:$0x0] =	sbarrier.arrive $0xFFFF  }
0x3c: {  	s10 =	simm.s32 $0x0;
	s7 =	rddreg [dreg:$0x5]  }
.Ltmp2:
0x3d: {  	s11 =	simm.s32 $0x186A0;
	s12 =	rddreg [dreg:$0x6];
	(pc) =	sbr.rel .LBB2_2-.Ltmp2, $4  }
0x3e: {  	[tilespmem:s11], [sflag:$0x1] =	stream.linear.gather [hbm4b:s7+s10], $0x190, $0x38;
	[tilespmem:$0x1A770] =	vst v63  }
0x3f: {  	s24 =	simm.s32 $0x189C0;
	s11 =	rddreg [dreg:$0x9]  }
0x40: {  	[tilespmem:s24], [sflag:$0x1] =	stream.linear.gather [hbm4b:s12+s10], $0x190, $0x38;
	[tilespmem:$0x1A770] =	vst v63  }
0x41: {  	s9 =	simm.s32 $0x0;
	s10 =	rddreg [dreg:$0x8]  }
.LBB2_4:
0x42: {  	s6 =	sand.u32 $0x1, s9  }
0x43: {  	_ =	swait.ge [sflag:s1], $0x500;
	p0 =	seq.s32 s6, $0x1;
	s6 =	simm.s32 $0x190  }
0x44: {  	[sflag:s1] =	ssyncset.done $0x0;
	s6 =	simm.s32 @!p0 $0x0  }
0x45: {  	[sflag:s1] =	ssyncadd.s32 $0xFFFFFB00;
	s24 =	sadd.s32 $0x186A0, s6  }
0x46: {  	[tilespmem:s18], [sflag:$0x2] =	stream.indirect.gather [hbm4b:s4+s17], $0x10, s24, s17, $0xb8;
	[tilespmem:$0x1A770] =	vst v63  }
0x47: {  	_ =	swait.ge [sflag:s14], $0x500  }
0x48: {  	[sflag:s14] =	ssyncset.done $0x0  }
0x49: {  	s12 =	sadd.s32 $0x186F0, s6;
	[sflag:s14] =	ssyncadd.s32 $0xFFFFFB00  }
0x4a: {  	[tilespmem:s20], [sflag:$0x3] =	stream.indirect.gather [hbm4b:s4+s17], $0x10, s12, s17, $0xb8;
	[tilespmem:$0x1A770] =	vst v63  }
0x4b: {  	_ =	swait.ge [sflag:s15], $0x500  }
0x4c: {  	[sflag:s15] =	ssyncset.done $0x0  }
0x4d: {  	s12 =	sadd.s32 $0x18740, s6;
	[sflag:s15] =	ssyncadd.s32 $0xFFFFFB00  }
0x4e: {  	[tilespmem:s22], [sflag:$0x4] =	stream.indirect.gather [hbm4b:s4+s17], $0x10, s12, s17, $0xb8;
	[tilespmem:$0x1A770] =	vst v63  }
0x4f: {  	_ =	swait.ge [sflag:s3], $0x500  }
0x50: {  	[sflag:s3] =	ssyncset.done $0x0  }
0x51: {  	s6 =	sadd.s32 $0x18790, s6;
	[sflag:s3] =	ssyncadd.s32 $0xFFFFFB00  }
0x52: {  	[tilespmem:s25], [sflag:$0x5] =	stream.indirect.gather [hbm4b:s4+s17], $0x10, s6, s17, $0xb8;
	[tilespmem:$0x1A770] =	vst v63  }
0x53: {  	_ =	swait.ge [sflag:s5], $0x500  }
0x54: {  	[sflag:s5] =	ssyncset.done $0x0  }
0x55: {  	[sflag:s5] =	ssyncadd.s32 $0xFFFFFB00  }
.LBB2_5:
0x56: {  	s6 =	smul.u32 $0xAB, s9;
	_ =	sdelay $0x1  }
0x57: {  	s6 =	sshrl.u32 s6, $0x9  }
0x58: {  	s6 =	sand.u32 $0x7F, s6  }
0x59: {  	s24 =	sadd.s32 $0x140, s24;
	s6 =	smul.u32 $0x3, s6  }
0x5a: {  	[tilespmem:s26], [sflag:$0x6] =	stream.indirect.gather [hbm4b:s4+s17], $0x10, s24, s17, $0xb8;
	[tilespmem:$0x1A770] =	vst v63  }
0x5b: {  	s6 =	ssub.s32 s9, s6  }
0x5c: {  	s6 =	sand.u32 $0xFF, s6  }
0x5d: {  	s6 =	smul.u32 $0x640, s6  }
0x5e: {  	_ =	swait.ge [sflag:s28], $0x500  }
0x5f: {  	[sflag:s28] =	ssyncset.done $0x0;
	s6 =	sshrl.u32 s6, $0x2  }
0x60: {  	[sflag:s28] =	ssyncadd.s32 $0xFFFFFB00;
	s12 =	sadd.s32 $0x189C0, s6  }
0x61: {  	[spmem:s2] =	stream.indirect.scatter.add.f32 [tilespmem:s18], [sflag:$0x7], $0x10, s12, s17, $0xb8;
	[tilespmem:$0x1A770] =	vst v63  }
0x62: {  	_ =	swait.ge [sflag:s29], $0x500  }
0x63: {  	[sflag:s29] =	ssyncset.done $0x0  }
0x64: {  	s24 =	sadd.s32 $0x18A10, s6;
	[sflag:s29] =	ssyncadd.s32 $0xFFFFFB00  }
0x65: {  	[spmem:s2] =	stream.indirect.scatter.add.f32 [tilespmem:s20], [sflag:$0x8], $0x10, s24, s17, $0xb8;
	[tilespmem:$0x1A770] =	vst v63  }
0x66: {  	_ =	swait.ge [sflag:s30], $0x500  }
0x67: {  	[sflag:s30] =	ssyncset.done $0x0  }
0x68: {  	s12 =	sadd.s32 $0x18A60, s6;
	[sflag:s30] =	ssyncadd.s32 $0xFFFFFB00  }
0x69: {  	[spmem:s2] =	stream.indirect.scatter.add.f32 [tilespmem:s22], [sflag:$0x9], $0x10, s12, s17, $0xb8;
	[tilespmem:$0x1A770] =	vst v63  }
0x6a: {  	_ =	swait.ge [sflag:s31], $0x500  }
0x6b: {  	[sflag:s31] =	ssyncset.done $0x0  }
0x6c: {  	p0 =	sne.s32 s7, $0x7D;
	s24 =	sadd.s32 $0x18AB0, s6;
	[sflag:s31] =	ssyncadd.s32 $0xFFFFFB00  }
0x6d: {  	[spmem:s2] =	stream.indirect.scatter.add.f32 [tilespmem:s25], [sflag:$0xA], $0x10, s24, s17, $0xb8;
	[tilespmem:$0x1A770] =	vst v63  }
.Ltmp3:
0x6e: {  	_ = 	snop;
	(pc) =	sbr.rel @!p0 .LBB2_6-.Ltmp3, $4  }
0x6f: {  	_ =	swait.ge [sflag:s0], $0x500  }
0x70: {  	s10 =	sadd.s32 $0x32, s10;
	s11 =	sadd.s32 $0x32, s11;
	[sflag:s0] =	ssyncset.done $0x0  }
0x71: {  	s9 =	smov.u32 s7;
	s6 =	sadd.s32 $0x18B00, s6;
	[sflag:s0] =	ssyncadd.s32 $0xFFFFFB00  }
0x72: {  	[spmem:s2] =	stream.indirect.scatter.add.f32 [tilespmem:s26], [sflag:$0xB], $0x10, s6, s17, $0xb8;
	[tilespmem:$0x1A770] =	vst v63  }
.LBB2_2:
0x73: {  	s7 =	sadd.s32 $0x1, s9;
	p0 =	seq.s32 s9, $0x7C  }
0x74: {  	s24 =	smul.u32 @!p0 $0xAB, s7;
	_ =	sdelay $0x1  }
0x75: {  	s24 =	sshrl.u32 @!p0 s24, $0x9  }
0x76: {  	_ =	swait.ge [sflag:s16], $0x190;
	s24 =	sand.u32 @!p0 $0x7F, s24  }
0x77: {  	[sflag:s16] =	ssyncset.done $0x0;
	s6 =	sand.u32 @!p0 $0x1, s7;
	s24 =	smul.u32 @!p0 $0x3, s24  }
0x78: {  	s12 =	simm.s32 @!p0 $0x0;
	[sflag:s16] =	ssyncadd.s32 $0xFFFFFE70;
	p1 =	seq.s32 @!p0 s6, $0x1  }
0x79: {  	_ =	swait.ge [sflag:s16], $0x190;
	p1 =	por !p1, p0;
	s6 =	ssub.s32 @!p0 s7, s24  }
0x7a: {  	[sflag:s16] =	ssyncset.done $0x0;
	s24 =	simm.s32 @!p0 $0x18830;
	s6 =	sand.u32 @!p0 $0xFF, s6  }
0x7b: {  	[sflag:s16] =	ssyncadd.s32 $0xFFFFFE70;
	s24 =	simm.s32 @p1 $0x186A0;
	s6 =	smul.u32 @!p0 $0x640, s6  }
0x7c: {  	[tilespmem:s24], [sflag:$0x1] =	stream.linear.gather @!p0 [hbm4b:s11+s12], $0x190, $0x38;
	[tilespmem:$0x1A770] =	vst v63  }
0x7d: {  	s6 =	sshrl.u32 @!p0 s6, $0x2  }
0x7e: {  	p1 =	sne.s32 @!p0 s9, $0x0;
	s6 =	sadd.s32 @!p0 $0x189C0, s6  }
0x7f: {  	[tilespmem:s6], [sflag:$0x1] =	stream.linear.gather @!p0 [hbm4b:s10+s12], $0x190, $0x38;
	[tilespmem:$0x1A770] =	vst v63  }
0x80: {  	p0 =	por p0, p1  }
.Ltmp4:
0x81: {  	_ = 	snop;
	(pc) =	sbr.rel @p0 .LBB2_4-.Ltmp4, $1  }
0x82: {  	_ =	sdelay $0x3  }
0x83: {  	s24 =	simm.s32 $0x186A0  }
0x84: {  	[tilespmem:s18], [sflag:$0x2] =	stream.indirect.gather [hbm4b:s4+s17], $0x10, s24, s17, $0xb8;
	[tilespmem:$0x1A770] =	vst v63  }
0x85: {  	_ = 	snop  }
0x86: {  	[tilespmem:s20], [sflag:$0x3] =	stream.indirect.gather [hbm4b:s4+s17], $0x10, s19, s17, $0xb8;
	[tilespmem:$0x1A770] =	vst v63  }
.Ltmp5:
0x87: {  	_ = 	snop;
	(pc) =	sbr.rel .LBB2_5-.Ltmp5, $4  }
0x88: {  	_ = 	snop  }
0x89: {  	[tilespmem:s22], [sflag:$0x4] =	stream.indirect.gather [hbm4b:s4+s17], $0x10, s21, s17, $0xb8;
	[tilespmem:$0x1A770] =	vst v63  }
0x8a: {  	_ = 	snop  }
0x8b: {  	[tilespmem:s25], [sflag:$0x5] =	stream.indirect.gather [hbm4b:s4+s17], $0x10, s23, s17, $0xb8;
	[tilespmem:$0x1A770] =	vst v63  }
.LBB2_7:
0x8c: {  	_ =	sfence.sel $0x180000  }
0x8d: {  	[bflag:$0x0] =	sbarrier.arrive $0xFFFF  }
0x8e: {  	_ =	strace $0x9000004A  }
0x8f: {  	s0 =	stileid.u32;
	[bflag:$0x2] =	sbarrier.arrive $0xFFFF  }
0x90: {  	p0 =	sne.s32 s0, $0x0;
	s0 =	rddreg [dreg:$0x2]  }
0x91: {  	s0 =	sadd.s32 @!p0 $0x100000, s0  }
0x92: {  	[sflag:s0] =	ssyncadd.tile.s32 @!p0 $0x1;
	_ =	shalt  }
.Lfunc_end2:
_tile_overlayer_lowered:
.L_overlay_start_2:
0x93: {  	(tag) =	ssettag $0x2  }
0x94: {  	s0 =	rddreg [dreg:$0x0];
	s2 =	stileid.u32  }
0x95: {  	s1 =	rddreg [dreg:$0x1];
	p0 =	sne.s32 s2, $0x0  }
0x96: {  	s3 =	rddreg [dreg:$0x2];
	[bflag:$0x3] =	sbarrier.arrive $0xFFFF;
	s2 =	simm.s32 @!p0 $0x1C0C  }
0x97: {  	[timem:s3], [sflag:s2] =	dma.local @!p0 [hbm:s0], s1  }
0x98: {  	s0 =	simm.s32 @!p0 $0xC  }
0x99: {  	_ =	swait.ge @!p0 [sflag:s0], s1  }
0x9a: {  	s1 =	ssub.s32 @!p0 $0x0, s1;
	[sflag:s0] =	ssyncset.done @!p0 $0x0  }
0x9b: {  	[sflag:s0] =	ssyncadd.s32 @!p0 s1  }
0x9c: {  	[bflag:$0x3] =	sbarrier.arrive $0xFFFF  }
0x9d: {  	_ =	shalt  }

</sc_bundles>
